<compile_context>
chip_gen: v7x
topology: tpu7x:2x2x1
jax: 0.10.2.dev20260603
libtpu: 0.0.44.dev20260713+nightly
codegen_flags: <defaults>
</compile_context>

<pallas_src>
import functools

import jax
import jax.numpy as jnp
from jax import lax
from jax.experimental import pallas as pl
from jax.experimental.pallas import tpu as pltpu
from jax.experimental.pallas import tpu_sc as plsc

N = 10000
NP = 10240
E = 320000
IN_DIM = 128
HID = 64
OUT = 32

NC = 2
NS = 16
NW = NC * NS
EB = 125
EROWS = E // EB
ERPS = EROWS // NS
RPT = EROWS // NW
GRP = 4
NIT = RPT // (2 * GRP)
NBUF = 2 * GRP
NODES_PER_TILE = NP // NS

ROW_BLK = 2048


def _mesh():
  return plsc.VectorSubcoreMesh(core_axis_name="c", subcore_axis_name="s")


def _deg_body(dst_hbm, degp_hbm, dst_v, deg_v):
  c = lax.axis_index("c")
  s = lax.axis_index("s")
  wid = s * NC + c
  per_tile = E // NW
  ch = 2000

  zeros16 = jnp.zeros((16,), jnp.float32)

  def zero_body(i, carry):
    deg_v[pl.ds(i * 16, 16)] = zeros16
    return carry

  lax.fori_loop(0, NP // 16, zero_body, 0)

  ones16 = jnp.ones((16,), jnp.float32)

  def chunk_body(ci, carry):
    base = wid * per_tile + ci * ch
    pltpu.sync_copy(dst_hbm.at[pl.ds(base, ch)], dst_v)

    def inner(i, c2):
      idx = dst_v[pl.ds(i * 16, 16)]
      plsc.addupdate_scatter(deg_v, [idx], ones16)
      return c2

    lax.fori_loop(0, ch // 16, inner, 0)
    return carry

  lax.fori_loop(0, per_tile // ch, chunk_body, 0)
  pltpu.sync_copy(deg_v, degp_hbm.at[wid])


_SC_PARAMS = pltpu.CompilerParams(needs_layout_passes=False,
                                  use_tc_tiling_on_sc=False)

_deg_call = pl.kernel(
    _deg_body,
    out_type=jax.ShapeDtypeStruct((NW, NP), jnp.float32),
    mesh=_mesh(),
    compiler_params=_SC_PARAMS,
    scratch_types=[
        pltpu.VMEM((2000,), jnp.int32),
        pltpu.VMEM((NP,), jnp.float32),
    ],
)


def _agg_body(hs_hbm, src_hbm, dst_hbm, aggp_hbm, idxs_v, idxd_v, rows_v,
              gsem_a, gsem_b, agg_sp, *, dim, grp):
  c = lax.axis_index("c")
  s = lax.axis_index("s")

  zeros16 = jnp.zeros((16,), jnp.float32)
  lanes_per_row = dim // 16

  def zero_body(i, carry):
    for l in range(lanes_per_row):
      rows_v[i, pl.ds(l * 16, 16)] = zeros16
    return carry

  pltpu.async_copy(src_hbm.at[s, pl.ds(c * RPT, RPT)], idxs_v, gsem_a)
  pltpu.async_copy(dst_hbm.at[s, pl.ds(c * RPT, RPT)], idxd_v, gsem_b)
  lax.fori_loop(0, NODES_PER_TILE, zero_body, 0)
  pltpu.sync_copy(rows_v.at[pl.ds(0, NODES_PER_TILE)],
                  agg_sp.at[pl.ds(s * NODES_PER_TILE, NODES_PER_TILE)])
  pltpu.make_async_copy(src_hbm.at[s, pl.ds(c * RPT, RPT)], idxs_v,
                        gsem_a).wait()
  pltpu.make_async_copy(dst_hbm.at[s, pl.ds(c * RPT, RPT)], idxd_v,
                        gsem_b).wait()
  plsc.subcore_barrier()

  def gather(j, b, sem):
    pltpu.async_copy(hs_hbm.at[idxs_v.at[j]], rows_v.at[pl.ds(b * EB, EB)], sem)

  def gwait(b, sem):
    pltpu.make_async_copy(hs_hbm.at[idxs_v.at[0]],
                          rows_v.at[pl.ds(b * EB, EB)], sem).wait()

  def scat(j, b):
    pltpu.sync_copy(rows_v.at[pl.ds(b * EB, EB)], agg_sp.at[idxd_v.at[j]],
                    add=True)

  nit = RPT // (2 * grp)
  for b in range(grp):
    gather(b, b, gsem_a)

  def body(t, carry):
    g0 = 2 * t * grp
    for b in range(grp):
      gather(g0 + grp + b, grp + b, gsem_b)
    for b in range(grp):
      gwait(b, gsem_a)
    for b in range(grp):
      scat(g0 + b, b)
    @pl.when(t < nit - 1)
    def _():
      for b in range(grp):
        gather(g0 + 2 * grp + b, b, gsem_a)
    for b in range(grp):
      gwait(grp + b, gsem_b)
    for b in range(grp):
      scat(g0 + grp + b, grp + b)
    return carry

  lax.fori_loop(0, nit, body, 0)
  plsc.subcore_barrier()
  pltpu.sync_copy(
      agg_sp.at[pl.ds(s * NODES_PER_TILE, NODES_PER_TILE)],
      aggp_hbm.at[c, pl.ds(s * NODES_PER_TILE, NODES_PER_TILE)],
  )


def _make_agg(dim, grp):
  return pl.kernel(
      functools.partial(_agg_body, dim=dim, grp=grp),
      out_type=jax.ShapeDtypeStruct((NC, NP, dim), jnp.float32),
      mesh=_mesh(),
      compiler_params=_SC_PARAMS,
      scratch_types=[
          pltpu.VMEM((RPT, EB), jnp.int32),
          pltpu.VMEM((RPT, EB), jnp.int32),
          pltpu.VMEM((2 * grp * EB, dim), jnp.float32),
          pltpu.SemaphoreType.DMA,
          pltpu.SemaphoreType.DMA,
          pltpu.VMEM_SHARED((NP, dim), jnp.float32),
      ],
  )


_agg_hid = _make_agg(HID, 4)
_agg_out = _make_agg(OUT, 8)


def _tc_a_body(x_ref, w1_ref, degp_ref, hs1_ref, dinv_ref):
  degp = degp_ref[...]
  deg = jnp.sum(degp.T, axis=1, keepdims=True) + 1.0
  dinv = lax.rsqrt(deg)
  h = jnp.dot(x_ref[...], w1_ref[...], preferred_element_type=jnp.float32)
  hs1_ref[...] = h * dinv
  dinv_ref[...] = jnp.broadcast_to(dinv, dinv_ref.shape)


_tc_a = pl.pallas_call(
    _tc_a_body,
    grid=(NP // ROW_BLK,),
    in_specs=[
        pl.BlockSpec((ROW_BLK, IN_DIM), lambda j: (j, 0)),
        pl.BlockSpec((IN_DIM, HID), lambda j: (0, 0)),
        pl.BlockSpec((NW, ROW_BLK), lambda j: (0, j)),
    ],
    out_specs=[
        pl.BlockSpec((ROW_BLK, HID), lambda j: (j, 0)),
        pl.BlockSpec((ROW_BLK, 128), lambda j: (j, 0)),
    ],
    out_shape=[
        jax.ShapeDtypeStruct((NP, HID), jnp.float32),
        jax.ShapeDtypeStruct((NP, 128), jnp.float32),
    ],
)


def _tc_b_body(p_ref, hs1_ref, dinv_ref, b1_ref, w2_ref, hs2_ref):
  p = p_ref[...]
  dinv = dinv_ref[...]
  agg = p[0] + p[1] + hs1_ref[...]
  out1 = agg * dinv[:, :HID] + b1_ref[...]
  r = jnp.maximum(out1, 0.0)
  h2 = jnp.dot(r, w2_ref[...], preferred_element_type=jnp.float32)
  hs2_ref[...] = h2 * dinv[:, :OUT]


_tc_b = pl.pallas_call(
    _tc_b_body,
    grid=(NP // ROW_BLK,),
    in_specs=[
        pl.BlockSpec((NC, ROW_BLK, HID), lambda j: (0, j, 0)),
        pl.BlockSpec((ROW_BLK, HID), lambda j: (j, 0)),
        pl.BlockSpec((ROW_BLK, 128), lambda j: (j, 0)),
        pl.BlockSpec((1, HID), lambda j: (0, 0)),
        pl.BlockSpec((HID, OUT), lambda j: (0, 0)),
    ],
    out_specs=pl.BlockSpec((ROW_BLK, OUT), lambda j: (j, 0)),
    out_shape=jax.ShapeDtypeStruct((NP, OUT), jnp.float32),
)


def _tc_c_body(q_ref, hs2_ref, dinv_ref, b2_ref, out_ref):
  q = q_ref[...]
  dinv = dinv_ref[...]
  out_ref[...] = (q[0] + q[1] + hs2_ref[...]) * dinv[:, :OUT] + b2_ref[...]


C_BLK = 2000

_tc_c = pl.pallas_call(
    _tc_c_body,
    grid=(N // C_BLK,),
    in_specs=[
        pl.BlockSpec((NC, C_BLK, OUT), lambda j: (0, j, 0)),
        pl.BlockSpec((C_BLK, OUT), lambda j: (j, 0)),
        pl.BlockSpec((C_BLK, 128), lambda j: (j, 0)),
        pl.BlockSpec((1, OUT), lambda j: (0, 0)),
    ],
    out_specs=pl.BlockSpec((C_BLK, OUT), lambda j: (j, 0)),
    out_shape=jax.ShapeDtypeStruct((N, OUT), jnp.float32),
)


@jax.jit
def kernel(x, edge_index, W1, b1, W2, b2):
  ei = edge_index.astype(jnp.int32)
  src2 = ei[0].reshape(NS, ERPS, EB)
  dst1 = ei[1]
  dst2 = dst1.reshape(NS, ERPS, EB)

  x_p = jnp.pad(x, ((0, NP - N), (0, 0)))
  degp = _deg_call(dst1)
  hs1, dinv = _tc_a(x_p, W1, degp)
  p = _agg_hid(hs1, src2, dst2)
  hs2 = _tc_b(p, hs1, dinv, b1.reshape(1, HID), W2)
  q = _agg_out(hs2, src2, dst2)
  return _tc_c(q, hs2, dinv, b2.reshape(1, OUT))

# --- scband reference (transcript-rebuilt; emitter-appended) ---
"""Pipeline reference for scband-traffic-gnnencoder-38122129719381 (READ-ONLY COPY).

The authoritative reference and input builder live on the scoring server;
editing this copy changes nothing except your own understanding.
"""

import jax, jax.numpy as jnp
import numpy as np

N = 10000
E = 320000
IN_DIM = 128
HID = 64
OUT = 32


def gcn_layer(x, edge_index, W, b):
    # Faithful PyG GCNConv (eval mode): add self-loops, symmetric degree norm,
    # scatter-add aggregation, then bias.
    n = x.shape[0]
    loop = jnp.arange(n, dtype=edge_index.dtype)
    src = jnp.concatenate([edge_index[0], loop])
    dst = jnp.concatenate([edge_index[1], loop])
    deg = jnp.zeros((n,), x.dtype).at[dst].add(1.0)
    deg_inv_sqrt = jnp.where(deg > 0, deg ** -0.5, 0.0)
    norm = deg_inv_sqrt[src] * deg_inv_sqrt[dst]
    h = x @ W
    msg = h[src] * norm[:, None]
    out = jnp.zeros((n, W.shape[1]), x.dtype).at[dst].add(msg)
    return out + b


def setup_inputs(seed: int = 0):
    key = jax.random.key(seed)
    k1, k2, k3, k4 = jax.random.split(key, 4)
    x = jax.random.normal(k1, (N, IN_DIM), dtype=jnp.float32)
    edge_index = jax.random.randint(k2, (2, E), 0, N)
    W1 = jax.random.normal(k3, (IN_DIM, HID), dtype=jnp.float32) * (1.0 / np.sqrt(IN_DIM))
    b1 = jnp.zeros((HID,), dtype=jnp.float32)
    W2 = jax.random.normal(k4, (HID, OUT), dtype=jnp.float32) * (1.0 / np.sqrt(HID))
    b2 = jnp.zeros((OUT,), dtype=jnp.float32)
    return {"x": x, "edge_index": edge_index, "W1": W1, "b1": b1, "W2": W2, "b2": b2}


def reference(x, edge_index, W1, b1, W2, b2):
    # Layer 1: GCNConv(128 -> 64) + ReLU (dropout is identity in eval mode)
    h = gcn_layer(x, edge_index, W1, b1)
    h = jax.nn.relu(h)
    # Layer 2: GCNConv(64 -> 32), no activation on final layer
    out = gcn_layer(h, edge_index, W2, b2)
    return out

if __name__ == "__main__":
    import jax
    _d = setup_inputs()
    print(jax.jit(kernel)(*tuple(_d.values())))

</pallas_src>

<mosaic_0001>
#map = affine_map<(d0, d1) -> (0)>
#map1 = affine_map<(d0, d1) -> (0, 0)>
module attributes {stable_mosaic.version = 14 : i64} {
  func.func @_deg_body(%arg0: i32, %arg1: i32, %arg2: memref<320000xi32, #tpu.memory_space<hbm>>, %arg3: memref<32x10240xf32, #tpu.memory_space<hbm>>, %arg4: memref<2000xi32, #tpu.memory_space<vmem>>, %arg5: memref<10240xf32, #tpu.memory_space<vmem>>) attributes {dimension_semantics = [#tpu.dimension_semantics<core_parallel>, #tpu.dimension_semantics<subcore_parallel>], iteration_bounds = array<i64: 2, 16>, scalar_prefetch = 0 : i64, scratch_operands = 2 : i64, tpu.core_type = #tpu.core_type<sc_vector_subcore>, window_params = [{transform_indices = #map}, {transform_indices = #map1}]} {
    %mul3A = arith.constant 2 : i32
    %mul3A_0 = arith.muli %arg1, %mul3A : i32
    %add3A = arith.addi %mul3A_0, %arg0 : i32
    %broadcast_in_dim3A = arith.constant 0.000000e+00 : f32
    %broadcast_in_dim3A_1 = vector.broadcast %broadcast_in_dim3A : f32 to vector<16xf32>
    %scan3A = arith.constant 0 : i32
    %scan3A_2 = arith.constant 0 : i32
    %scan3A_3 = arith.constant 640 : i32
    %scan3A_4 = arith.addi %scan3A_2, %scan3A_3 : i32
    %scan3A_5 = arith.constant 1 : i32
    scf.for %scan3A_15 = %scan3A_2 to %scan3A_4 step %scan3A_5  : i32 {
      %mul3A_16 = arith.constant 16 : i32
      %mul3A_17 = arith.muli %scan3A_15, %mul3A_16 : i32
      %swap3A = arith.index_cast %mul3A_17 : i32 to index
      %swap3A_18 = tpu.vector_load %arg5[%swap3A] {strides = array<i32>} : memref<10240xf32, #tpu.memory_space<vmem>>, vector<16xf32>,
      tpu.vector_store %arg5[%swap3A], %broadcast_in_dim3A_1 {strides = array<i32>} : memref<10240xf32, #tpu.memory_space<vmem>>, vector<16xf32>,
    }
    %scan3A_6 = arith.constant 640 : i32
    %broadcast_in_dim3A_7 = arith.constant 1.000000e+00 : f32
    %broadcast_in_dim3A_8 = vector.broadcast %broadcast_in_dim3A_7 : f32 to vector<16xf32>
    %scan3A_9 = arith.constant 0 : i32
    %scan3A_10 = arith.constant 0 : i32
    %scan3A_11 = arith.constant 5 : i32
    %scan3A_12 = arith.addi %scan3A_10, %scan3A_11 : i32
    %scan3A_13 = arith.constant 1 : i32
    scf.for %scan3A_15 = %scan3A_10 to %scan3A_12 step %scan3A_13  : i32 {
      %mul3A_16 = arith.constant 10000 : i32
      %mul3A_17 = arith.muli %add3A, %mul3A_16 : i32
      %mul3A_18 = arith.constant 2000 : i32
      %mul3A_19 = arith.muli %scan3A_15, %mul3A_18 : i32
      %add3A_20 = arith.addi %mul3A_17, %mul3A_19 : i32
      "tpu.region"() ({
        %run_scoped3A = tpu.sem_alloc : memref<!tpu.dma_semaphore, #tpu.memory_space<semaphore_mem>>
        %dma_start3A = tpu.memref_slice %arg2[%add3A_20] : memref<320000xi32, #tpu.memory_space<hbm>> -> memref<2000xi32, #tpu.memory_space<hbm>>
        %dma_start3A_27 = tpu.memref_slice %arg2[%add3A_20] : memref<320000xi32, #tpu.memory_space<hbm>> -> memref<2000xi32, #tpu.memory_space<hbm>>
        tpu.enqueue_dma source(%dma_start3A_27 : memref<2000xi32, #tpu.memory_space<hbm>>) target(%arg4 : memref<2000xi32, #tpu.memory_space<vmem>>) target_semaphore(%run_scoped3A : memref<!tpu.dma_semaphore, #tpu.memory_space<semaphore_mem>>)
        %dma_wait3A = tpu.memref_slice %arg2[%add3A_20] : memref<320000xi32, #tpu.memory_space<hbm>> -> memref<2000xi32, #tpu.memory_space<hbm>>
        %dma_wait3A_28 = tpu.memref_slice %arg2[%add3A_20] : memref<320000xi32, #tpu.memory_space<hbm>> -> memref<2000xi32, #tpu.memory_space<hbm>>
        tpu.wait_dma2 semaphore(%run_scoped3A : memref<!tpu.dma_semaphore, #tpu.memory_space<semaphore_mem>>) src(%dma_wait3A_28 : memref<2000xi32, #tpu.memory_space<hbm>>) dst(%arg4 : memref<2000xi32, #tpu.memory_space<vmem>>)
        tpu.yield
      }) : () -> ()
      %scan3A_21 = arith.constant 0 : i32
      %scan3A_22 = arith.constant 0 : i32
      %scan3A_23 = arith.constant 125 : i32
      %scan3A_24 = arith.addi %scan3A_22, %scan3A_23 : i32
      %scan3A_25 = arith.constant 1 : i32
      scf.for %scan3A_27 = %scan3A_22 to %scan3A_24 step %scan3A_25  : i32 {
        %mul3A_28 = arith.constant 16 : i32
        %mul3A_29 = arith.muli %scan3A_27, %mul3A_28 : i32
        %get3A = arith.index_cast %mul3A_29 : i32 to index
        %get3A_30 = tpu.vector_load %arg4[%get3A] {strides = array<i32>} : memref<2000xi32, #tpu.memory_space<vmem>>, vector<16xi32>,
        tpu.vector_store_idx %arg5[%get3A_30], %broadcast_in_dim3A_8 {add = true} : memref<10240xf32, #tpu.memory_space<vmem>>[vector<16xi32>], vector<16xf32>,
      }
      %scan3A_26 = arith.constant 125 : i32
    }
    %scan3A_14 = arith.constant 5 : i32
    "tpu.region"() ({
      %run_scoped3A = tpu.sem_alloc : memref<!tpu.dma_semaphore, #tpu.memory_space<semaphore_mem>>
      %dma_start3A = arith.constant 0 : i32
      %dma_start3A_15 = tpu.memref_slice %arg3[%add3A, %dma_start3A] : memref<32x10240xf32, #tpu.memory_space<hbm>> -> memref<1x10240xf32, #tpu.memory_space<hbm>>
      %dma_start3A_16 = tpu.memref_squeeze %dma_start3A_15 : memref<1x10240xf32, #tpu.memory_space<hbm>> -> memref<10240xf32, #tpu.memory_space<hbm>>
      %dma_start3A_17 = arith.constant 0 : i32
      %dma_start3A_18 = tpu.memref_slice %arg3[%add3A, %dma_start3A_17] : memref<32x10240xf32, #tpu.memory_space<hbm>> -> memref<1x10240xf32, #tpu.memory_space<hbm>>
      %dma_start3A_19 = tpu.memref_squeeze %dma_start3A_18 : memref<1x10240xf32, #tpu.memory_space<hbm>> -> memref<10240xf32, #tpu.memory_space<hbm>>
      tpu.enqueue_dma source(%arg5 : memref<10240xf32, #tpu.memory_space<vmem>>) target(%dma_start3A_19 : memref<10240xf32, #tpu.memory_space<hbm>>) target_semaphore(%run_scoped3A : memref<!tpu.dma_semaphore, #tpu.memory_space<semaphore_mem>>)
      %dma_wait3A = arith.constant 0 : i32
      %dma_wait3A_20 = tpu.memref_slice %arg3[%add3A, %dma_wait3A] : memref<32x10240xf32, #tpu.memory_space<hbm>> -> memref<1x10240xf32, #tpu.memory_space<hbm>>
      %dma_wait3A_21 = tpu.memref_squeeze %dma_wait3A_20 : memref<1x10240xf32, #tpu.memory_space<hbm>> -> memref<10240xf32, #tpu.memory_space<hbm>>
      %dma_wait3A_22 = arith.constant 0 : i32
      %dma_wait3A_23 = tpu.memref_slice %arg3[%add3A, %dma_wait3A_22] : memref<32x10240xf32, #tpu.memory_space<hbm>> -> memref<1x10240xf32, #tpu.memory_space<hbm>>
      %dma_wait3A_24 = tpu.memref_squeeze %dma_wait3A_23 : memref<1x10240xf32, #tpu.memory_space<hbm>> -> memref<10240xf32, #tpu.memory_space<hbm>>
      tpu.wait_dma2 semaphore(%run_scoped3A : memref<!tpu.dma_semaphore, #tpu.memory_space<semaphore_mem>>) src(%arg5 : memref<10240xf32, #tpu.memory_space<vmem>>) dst(%dma_wait3A_24 : memref<10240xf32, #tpu.memory_space<hbm>>)
      tpu.yield
    }) : () -> ()
    return
  }
}

#map = affine_map<(d0, d1) -> (0, 0)>
#map1 = affine_map<(d0, d1) -> (0, 0, 0)>
module attributes {stable_mosaic.version = 14 : i64} {
  func.func @_agg_body(%arg0: i32, %arg1: i32, %arg2: memref<10240x64xf32, #tpu.memory_space<hbm>>, %arg3: memref<16x160x125xi32, #tpu.memory_space<hbm>>, %arg4: memref<16x160x125xi32, #tpu.memory_space<hbm>>, %arg5: memref<2x10240x64xf32, #tpu.memory_space<hbm>>, %arg6: memref<80x125xi32, #tpu.memory_space<vmem>>, %arg7: memref<80x125xi32, #tpu.memory_space<vmem>>, %arg8: memref<1000x64xf32, #tpu.memory_space<vmem>>, %arg9: memref<!tpu.dma_semaphore, #tpu.memory_space<semaphore_mem>>, %arg10: memref<!tpu.dma_semaphore, #tpu.memory_space<semaphore_mem>>, %arg11: memref<10240x64xf32, #tpu.memory_space<vmem_shared>>) attributes {dimension_semantics = [#tpu.dimension_semantics<core_parallel>, #tpu.dimension_semantics<subcore_parallel>], iteration_bounds = array<i64: 2, 16>, scalar_prefetch = 0 : i64, scratch_operands = 6 : i64, tpu.core_type = #tpu.core_type<sc_vector_subcore>, window_params = [{transform_indices = #map}, {transform_indices = #map1}, {transform_indices = #map1}, {transform_indices = #map1}]} {
    %broadcast_in_dim3A = arith.constant 0.000000e+00 : f32
    %broadcast_in_dim3A_0 = vector.broadcast %broadcast_in_dim3A : f32 to vector<16xf32>
    %mul3A = arith.constant 80 : i32
    %mul3A_1 = arith.muli %arg0, %mul3A : i32
    %dma_start3A = arith.constant 0 : i32
    %dma_start3A_2 = tpu.memref_slice %arg3[%arg1, %mul3A_1, %dma_start3A] : memref<16x160x125xi32, #tpu.memory_space<hbm>> -> memref<1x80x125xi32, #tpu.memory_space<hbm>>
    %dma_start3A_3 = tpu.memref_squeeze %dma_start3A_2 : memref<1x80x125xi32, #tpu.memory_space<hbm>> -> memref<80x125xi32, #tpu.memory_space<hbm>>
    %dma_start3A_4 = arith.constant 0 : i32
    %dma_start3A_5 = tpu.memref_slice %arg3[%arg1, %mul3A_1, %dma_start3A_4] : memref<16x160x125xi32, #tpu.memory_space<hbm>> -> memref<1x80x125xi32, #tpu.memory_space<hbm>>
    %dma_start3A_6 = tpu.memref_squeeze %dma_start3A_5 : memref<1x80x125xi32, #tpu.memory_space<hbm>> -> memref<80x125xi32, #tpu.memory_space<hbm>>
    tpu.enqueue_dma source(%dma_start3A_6 : memref<80x125xi32, #tpu.memory_space<hbm>>) target(%arg6 : memref<80x125xi32, #tpu.memory_space<vmem>>) target_semaphore(%arg9 : memref<!tpu.dma_semaphore, #tpu.memory_space<semaphore_mem>>)
    %mul3A_7 = arith.constant 80 : i32
    %mul3A_8 = arith.muli %arg0, %mul3A_7 : i32
    %dma_start3A_9 = arith.constant 0 : i32
    %dma_start3A_10 = tpu.memref_slice %arg4[%arg1, %mul3A_8, %dma_start3A_9] : memref<16x160x125xi32, #tpu.memory_space<hbm>> -> memref<1x80x125xi32, #tpu.memory_space<hbm>>
    %dma_start3A_11 = tpu.memref_squeeze %dma_start3A_10 : memref<1x80x125xi32, #tpu.memory_space<hbm>> -> memref<80x125xi32, #tpu.memory_space<hbm>>
    %dma_start3A_12 = arith.constant 0 : i32
    %dma_start3A_13 = tpu.memref_slice %arg4[%arg1, %mul3A_8, %dma_start3A_12] : memref<16x160x125xi32, #tpu.memory_space<hbm>> -> memref<1x80x125xi32, #tpu.memory_space<hbm>>
    %dma_start3A_14 = tpu.memref_squeeze %dma_start3A_13 : memref<1x80x125xi32, #tpu.memory_space<hbm>> -> memref<80x125xi32, #tpu.memory_space<hbm>>
    tpu.enqueue_dma source(%dma_start3A_14 : memref<80x125xi32, #tpu.memory_space<hbm>>) target(%arg7 : memref<80x125xi32, #tpu.memory_space<vmem>>) target_semaphore(%arg10 : memref<!tpu.dma_semaphore, #tpu.memory_space<semaphore_mem>>)
    %scan3A = arith.constant 0 : i32
    %scan3A_15 = arith.constant 0 : i32
    %scan3A_16 = arith.constant 640 : i32
    %scan3A_17 = arith.addi %scan3A_15, %scan3A_16 : i32
    %scan3A_18 = arith.constant 1 : i32
    scf.for %scan3A_88 = %scan3A_15 to %scan3A_17 step %scan3A_18  : i32 {
      %swap3A = arith.index_cast %scan3A_88 : i32 to index
      %swap3A_89 = arith.constant 0 : index
      %swap3A_90 = tpu.vector_load %arg8[%swap3A, %swap3A_89] {strides = array<i32>} : memref<1000x64xf32, #tpu.memory_space<vmem>>, vector<16xf32>,
      tpu.vector_store %arg8[%swap3A, %swap3A_89], %broadcast_in_dim3A_0 {strides = array<i32>} : memref<1000x64xf32, #tpu.memory_space<vmem>>, vector<16xf32>,
      %swap3A_91 = arith.index_cast %scan3A_88 : i32 to index
      %swap3A_92 = arith.constant 16 : index
      %swap3A_93 = tpu.vector_load %arg8[%swap3A_91, %swap3A_92] {strides = array<i32>} : memref<1000x64xf32, #tpu.memory_space<vmem>>, vector<16xf32>,
      tpu.vector_store %arg8[%swap3A_91, %swap3A_92], %broadcast_in_dim3A_0 {strides = array<i32>} : memref<1000x64xf32, #tpu.memory_space<vmem>>, vector<16xf32>,
      %swap3A_94 = arith.index_cast %scan3A_88 : i32 to index
      %swap3A_95 = arith.constant 32 : index
      %swap3A_96 = tpu.vector_load %arg8[%swap3A_94, %swap3A_95] {strides = array<i32>} : memref<1000x64xf32, #tpu.memory_space<vmem>>, vector<16xf32>,
      tpu.vector_store %arg8[%swap3A_94, %swap3A_95], %broadcast_in_dim3A_0 {strides = array<i32>} : memref<1000x64xf32, #tpu.memory_space<vmem>>, vector<16xf32>,
      %swap3A_97 = arith.index_cast %scan3A_88 : i32 to index
      %swap3A_98 = arith.constant 48 : index
      %swap3A_99 = tpu.vector_load %arg8[%swap3A_97, %swap3A_98] {strides = array<i32>} : memref<1000x64xf32, #tpu.memory_space<vmem>>, vector<16xf32>,
      tpu.vector_store %arg8[%swap3A_97, %swap3A_98], %broadcast_in_dim3A_0 {strides = array<i32>} : memref<1000x64xf32, #tpu.memory_space<vmem>>, vector<16xf32>,
    }
    %scan3A_19 = arith.constant 640 : i32
    %mul3A_20 = arith.constant 640 : i32
    %mul3A_21 = arith.muli %arg1, %mul3A_20 : i32
    "tpu.region"() ({
      %run_scoped3A = tpu.sem_alloc : memref<!tpu.dma_semaphore, #tpu.memory_space<semaphore_mem>>
      %dma_start3A_88 = arith.constant 0 : i32
      %dma_start3A_89 = arith.constant 0 : i32
      %dma_start3A_90 = tpu.memref_slice %arg8[%dma_start3A_88, %dma_start3A_89] : memref<1000x64xf32, #tpu.memory_space<vmem>> -> memref<640x64xf32, #tpu.memory_space<vmem>>
      %dma_start3A_91 = arith.constant 0 : i32
      %dma_start3A_92 = tpu.memref_slice %arg11[%mul3A_21, %dma_start3A_91] : memref<10240x64xf32, #tpu.memory_space<vmem_shared>> -> memref<640x64xf32, #tpu.memory_space<vmem_shared>>
      %dma_start3A_93 = arith.constant 0 : i32
      %dma_start3A_94 = tpu.memref_slice %arg11[%mul3A_21, %dma_start3A_93] : memref<10240x64xf32, #tpu.memory_space<vmem_shared>> -> memref<640x64xf32, #tpu.memory_space<vmem_shared>>
      %dma_start3A_95 = arith.constant 0 : i32
      %dma_start3A_96 = arith.constant 0 : i32
      %dma_start3A_97 = tpu.memref_slice %arg8[%dma_start3A_95, %dma_start3A_96] : memref<1000x64xf32, #tpu.memory_space<vmem>> -> memref<640x64xf32, #tpu.memory_space<vmem>>
      tpu.enqueue_dma source(%dma_start3A_97 : memref<640x64xf32, #tpu.memory_space<vmem>>) target(%dma_start3A_94 : memref<640x64xf32, #tpu.memory_space<vmem_shared>>) target_semaphore(%run_scoped3A : memref<!tpu.dma_semaphore, #tpu.memory_space<semaphore_mem>>)
      %dma_wait3A_98 = arith.constant 0 : i32
      %dma_wait3A_99 = arith.constant 0 : i32
      %dma_wait3A_100 = tpu.memref_slice %arg8[%dma_wait3A_98, %dma_wait3A_99] : memref<1000x64xf32, #tpu.memory_space<vmem>> -> memref<640x64xf32, #tpu.memory_space<vmem>>
      %dma_wait3A_101 = arith.constant 0 : i32
      %dma_wait3A_102 = tpu.memref_slice %arg11[%mul3A_21, %dma_wait3A_101] : memref<10240x64xf32, #tpu.memory_space<vmem_shared>> -> memref<640x64xf32, #tpu.memory_space<vmem_shared>>
      %dma_wait3A_103 = arith.constant 0 : i32
      %dma_wait3A_104 = tpu.memref_slice %arg11[%mul3A_21, %dma_wait3A_103] : memref<10240x64xf32, #tpu.memory_space<vmem_shared>> -> memref<640x64xf32, #tpu.memory_space<vmem_shared>>
      %dma_wait3A_105 = arith.constant 0 : i32
      %dma_wait3A_106 = arith.constant 0 : i32
      %dma_wait3A_107 = tpu.memref_slice %arg8[%dma_wait3A_105, %dma_wait3A_106] : memref<1000x64xf32, #tpu.memory_space<vmem>> -> memref<640x64xf32, #tpu.memory_space<vmem>>
      tpu.wait_dma2 semaphore(%run_scoped3A : memref<!tpu.dma_semaphore, #tpu.memory_space<semaphore_mem>>) src(%dma_wait3A_107 : memref<640x64xf32, #tpu.memory_space<vmem>>) dst(%dma_wait3A_104 : memref<640x64xf32, #tpu.memory_space<vmem_shared>>)
      tpu.yield
    }) : () -> ()
    %mul3A_22 = arith.constant 80 : i32
    %mul3A_23 = arith.muli %arg0, %mul3A_22 : i32
    %dma_wait3A = arith.constant 0 : i32
    %dma_wait3A_24 = tpu.memref_slice %arg3[%arg1, %mul3A_23, %dma_wait3A] : memref<16x160x125xi32, #tpu.memory_space<hbm>> -> memref<1x80x125xi32, #tpu.memory_space<hbm>>
    %dma_wait3A_25 = tpu.memref_squeeze %dma_wait3A_24 : memref<1x80x125xi32, #tpu.memory_space<hbm>> -> memref<80x125xi32, #tpu.memory_space<hbm>>
    %dma_wait3A_26 = arith.constant 0 : i32
    %dma_wait3A_27 = tpu.memref_slice %arg3[%arg1, %mul3A_23, %dma_wait3A_26] : memref<16x160x125xi32, #tpu.memory_space<hbm>> -> memref<1x80x125xi32, #tpu.memory_space<hbm>>
    %dma_wait3A_28 = tpu.memref_squeeze %dma_wait3A_27 : memref<1x80x125xi32, #tpu.memory_space<hbm>> -> memref<80x125xi32, #tpu.memory_space<hbm>>
    tpu.wait_dma2 semaphore(%arg9 : memref<!tpu.dma_semaphore, #tpu.memory_space<semaphore_mem>>) src(%dma_wait3A_28 : memref<80x125xi32, #tpu.memory_space<hbm>>) dst(%arg6 : memref<80x125xi32, #tpu.memory_space<vmem>>)
    %mul3A_29 = arith.constant 80 : i32
    %mul3A_30 = arith.muli %arg0, %mul3A_29 : i32
    %dma_wait3A_31 = arith.constant 0 : i32
    %dma_wait3A_32 = tpu.memref_slice %arg4[%arg1, %mul3A_30, %dma_wait3A_31] : memref<16x160x125xi32, #tpu.memory_space<hbm>> -> memref<1x80x125xi32, #tpu.memory_space<hbm>>
    %dma_wait3A_33 = tpu.memref_squeeze %dma_wait3A_32 : memref<1x80x125xi32, #tpu.memory_space<hbm>> -> memref<80x125xi32, #tpu.memory_space<hbm>>
    %dma_wait3A_34 = arith.constant 0 : i32
    %dma_wait3A_35 = tpu.memref_slice %arg4[%arg1, %mul3A_30, %dma_wait3A_34] : memref<16x160x125xi32, #tpu.memory_space<hbm>> -> memref<1x80x125xi32, #tpu.memory_space<hbm>>
    %dma_wait3A_36 = tpu.memref_squeeze %dma_wait3A_35 : memref<1x80x125xi32, #tpu.memory_space<hbm>> -> memref<80x125xi32, #tpu.memory_space<hbm>>
    tpu.wait_dma2 semaphore(%arg10 : memref<!tpu.dma_semaphore, #tpu.memory_space<semaphore_mem>>) src(%dma_wait3A_36 : memref<80x125xi32, #tpu.memory_space<hbm>>) dst(%arg7 : memref<80x125xi32, #tpu.memory_space<vmem>>)
    %barrier3A = arith.constant 0 : index
    tpu.barrier barrier_id(%barrier3A)
    %dma_start3A_37 = arith.constant 0 : i32
    %dma_start3A_38 = arith.constant 0 : i32
    %dma_start3A_39 = arith.constant 0 : i32
    %dma_start3A_40 = tpu.memref_slice %arg8[%dma_start3A_38, %dma_start3A_39] : memref<1000x64xf32, #tpu.memory_space<vmem>> -> memref<125x64xf32, #tpu.memory_space<vmem>>
    %dma_start3A_41 = arith.constant 0 : i32
    %dma_start3A_42 = tpu.memref_slice %arg6[%dma_start3A_37, %dma_start3A_41] : memref<80x125xi32, #tpu.memory_space<vmem>> -> memref<1x125xi32, #tpu.memory_space<vmem>>
    %dma_start3A_43 = tpu.memref_squeeze %dma_start3A_42 : memref<1x125xi32, #tpu.memory_space<vmem>> -> memref<125xi32, #tpu.memory_space<vmem>>
    %dma_start3A_44 = arith.constant 0 : i32
    %dma_start3A_45 = arith.constant 0 : i32
    %dma_start3A_46 = tpu.memref_slice %arg2[%dma_start3A_44, %dma_start3A_45] : memref<10240x64xf32, #tpu.memory_space<hbm>> -> memref<10240x64xf32, #tpu.memory_space<hbm>>
    tpu.enqueue_indirect_dma source(%dma_start3A_46 : memref<10240x64xf32, #tpu.memory_space<hbm>>) target(%dma_start3A_40 : memref<125x64xf32, #tpu.memory_space<vmem>>) offsets(%dma_start3A_43 : memref<125xi32, #tpu.memory_space<vmem>>) semaphore(%arg9 : memref<!tpu.dma_semaphore, #tpu.memory_space<semaphore_mem>>)
    %dma_start3A_47 = arith.constant 1 : i32
    %dma_start3A_48 = arith.constant 125 : i32
    %dma_start3A_49 = arith.constant 0 : i32
    %dma_start3A_50 = tpu.memref_slice %arg8[%dma_start3A_48, %dma_start3A_49] : memref<1000x64xf32, #tpu.memory_space<vmem>> -> memref<125x64xf32, #tpu.memory_space<vmem>>
    %dma_start3A_51 = arith.constant 0 : i32
    %dma_start3A_52 = tpu.memref_slice %arg6[%dma_start3A_47, %dma_start3A_51] : memref<80x125xi32, #tpu.memory_space<vmem>> -> memref<1x125xi32, #tpu.memory_space<vmem>>
    %dma_start3A_53 = tpu.memref_squeeze %dma_start3A_52 : memref<1x125xi32, #tpu.memory_space<vmem>> -> memref<125xi32, #tpu.memory_space<vmem>>
    %dma_start3A_54 = arith.constant 0 : i32
    %dma_start3A_55 = arith.constant 0 : i32
    %dma_start3A_56 = tpu.memref_slice %arg2[%dma_start3A_54, %dma_start3A_55] : memref<10240x64xf32, #tpu.memory_space<hbm>> -> memref<10240x64xf32, #tpu.memory_space<hbm>>
    tpu.enqueue_indirect_dma source(%dma_start3A_56 : memref<10240x64xf32, #tpu.memory_space<hbm>>) target(%dma_start3A_50 : memref<125x64xf32, #tpu.memory_space<vmem>>) offsets(%dma_start3A_53 : memref<125xi32, #tpu.memory_space<vmem>>) semaphore(%arg9 : memref<!tpu.dma_semaphore, #tpu.memory_space<semaphore_mem>>)
    %dma_start3A_57 = arith.constant 2 : i32
    %dma_start3A_58 = arith.constant 250 : i32
    %dma_start3A_59 = arith.constant 0 : i32
    %dma_start3A_60 = tpu.memref_slice %arg8[%dma_start3A_58, %dma_start3A_59] : memref<1000x64xf32, #tpu.memory_space<vmem>> -> memref<125x64xf32, #tpu.memory_space<vmem>>
    %dma_start3A_61 = arith.constant 0 : i32
    %dma_start3A_62 = tpu.memref_slice %arg6[%dma_start3A_57, %dma_start3A_61] : memref<80x125xi32, #tpu.memory_space<vmem>> -> memref<1x125xi32, #tpu.memory_space<vmem>>
    %dma_start3A_63 = tpu.memref_squeeze %dma_start3A_62 : memref<1x125xi32, #tpu.memory_space<vmem>> -> memref<125xi32, #tpu.memory_space<vmem>>
    %dma_start3A_64 = arith.constant 0 : i32
    %dma_start3A_65 = arith.constant 0 : i32
    %dma_start3A_66 = tpu.memref_slice %arg2[%dma_start3A_64, %dma_start3A_65] : memref<10240x64xf32, #tpu.memory_space<hbm>> -> memref<10240x64xf32, #tpu.memory_space<hbm>>
    tpu.enqueue_indirect_dma source(%dma_start3A_66 : memref<10240x64xf32, #tpu.memory_space<hbm>>) target(%dma_start3A_60 : memref<125x64xf32, #tpu.memory_space<vmem>>) offsets(%dma_start3A_63 : memref<125xi32, #tpu.memory_space<vmem>>) semaphore(%arg9 : memref<!tpu.dma_semaphore, #tpu.memory_space<semaphore_mem>>)
    %dma_start3A_67 = arith.constant 3 : i32
    %dma_start3A_68 = arith.constant 375 : i32
    %dma_start3A_69 = arith.constant 0 : i32
    %dma_start3A_70 = tpu.memref_slice %arg8[%dma_start3A_68, %dma_start3A_69] : memref<1000x64xf32, #tpu.memory_space<vmem>> -> memref<125x64xf32, #tpu.memory_space<vmem>>
    %dma_start3A_71 = arith.constant 0 : i32
    %dma_start3A_72 = tpu.memref_slice %arg6[%dma_start3A_67, %dma_start3A_71] : memref<80x125xi32, #tpu.memory_space<vmem>> -> memref<1x125xi32, #tpu.memory_space<vmem>>
    %dma_start3A_73 = tpu.memref_squeeze %dma_start3A_72 : memref<1x125xi32, #tpu.memory_space<vmem>> -> memref<125xi32, #tpu.memory_space<vmem>>
    %dma_start3A_74 = arith.constant 0 : i32
    %dma_start3A_75 = arith.constant 0 : i32
    %dma_start3A_76 = tpu.memref_slice %arg2[%dma_start3A_74, %dma_start3A_75] : memref<10240x64xf32, #tpu.memory_space<hbm>> -> memref<10240x64xf32, #tpu.memory_space<hbm>>
    tpu.enqueue_indirect_dma source(%dma_start3A_76 : memref<10240x64xf32, #tpu.memory_space<hbm>>) target(%dma_start3A_70 : memref<125x64xf32, #tpu.memory_space<vmem>>) offsets(%dma_start3A_73 : memref<125xi32, #tpu.memory_space<vmem>>) semaphore(%arg9 : memref<!tpu.dma_semaphore, #tpu.memory_space<semaphore_mem>>)
    %scan3A_77 = arith.constant 0 : i32
    %scan3A_78 = arith.constant 0 : i32
    %scan3A_79 = arith.constant 10 : i32
    %scan3A_80 = arith.addi %scan3A_78, %scan3A_79 : i32
    %scan3A_81 = arith.constant 1 : i32
    scf.for %scan3A_88 = %scan3A_78 to %scan3A_80 step %scan3A_81  : i32 {
      %mul3A_89 = arith.constant 2 : i32
      %mul3A_90 = arith.muli %mul3A_89, %scan3A_88 : i32
      %mul3A_91 = arith.constant 4 : i32
      %mul3A_92 = arith.muli %mul3A_90, %mul3A_91 : i32
      %add3A = arith.constant 4 : i32
      %add3A_93 = arith.addi %mul3A_92, %add3A : i32
      %add3A_94 = arith.constant 0 : i32
      %add3A_95 = arith.addi %add3A_93, %add3A_94 : i32
      %dma_start3A_96 = arith.constant 500 : i32
      %dma_start3A_97 = arith.constant 0 : i32
      %dma_start3A_98 = tpu.memref_slice %arg8[%dma_start3A_96, %dma_start3A_97] : memref<1000x64xf32, #tpu.memory_space<vmem>> -> memref<125x64xf32, #tpu.memory_space<vmem>>
      %dma_start3A_99 = arith.constant 0 : i32
      %dma_start3A_100 = tpu.memref_slice %arg6[%add3A_95, %dma_start3A_99] : memref<80x125xi32, #tpu.memory_space<vmem>> -> memref<1x125xi32, #tpu.memory_space<vmem>>
      %dma_start3A_101 = tpu.memref_squeeze %dma_start3A_100 : memref<1x125xi32, #tpu.memory_space<vmem>> -> memref<125xi32, #tpu.memory_space<vmem>>
      %dma_start3A_102 = arith.constant 0 : i32
      %dma_start3A_103 = arith.constant 0 : i32
      %dma_start3A_104 = tpu.memref_slice %arg2[%dma_start3A_102, %dma_start3A_103] : memref<10240x64xf32, #tpu.memory_space<hbm>> -> memref<10240x64xf32, #tpu.memory_space<hbm>>
      tpu.enqueue_indirect_dma source(%dma_start3A_104 : memref<10240x64xf32, #tpu.memory_space<hbm>>) target(%dma_start3A_98 : memref<125x64xf32, #tpu.memory_space<vmem>>) offsets(%dma_start3A_101 : memref<125xi32, #tpu.memory_space<vmem>>) semaphore(%arg10 : memref<!tpu.dma_semaphore, #tpu.memory_space<semaphore_mem>>)
      %add3A_105 = arith.constant 4 : i32
      %add3A_106 = arith.addi %mul3A_92, %add3A_105 : i32
      %add3A_107 = arith.constant 1 : i32
      %add3A_108 = arith.addi %add3A_106, %add3A_107 : i32
      %dma_start3A_109 = arith.constant 625 : i32
      %dma_start3A_110 = arith.constant 0 : i32
      %dma_start3A_111 = tpu.memref_slice %arg8[%dma_start3A_109, %dma_start3A_110] : memref<1000x64xf32, #tpu.memory_space<vmem>> -> memref<125x64xf32, #tpu.memory_space<vmem>>
      %dma_start3A_112 = arith.constant 0 : i32
      %dma_start3A_113 = tpu.memref_slice %arg6[%add3A_108, %dma_start3A_112] : memref<80x125xi32, #tpu.memory_space<vmem>> -> memref<1x125xi32, #tpu.memory_space<vmem>>
      %dma_start3A_114 = tpu.memref_squeeze %dma_start3A_113 : memref<1x125xi32, #tpu.memory_space<vmem>> -> memref<125xi32, #tpu.memory_space<vmem>>
      %dma_start3A_115 = arith.constant 0 : i32
      %dma_start3A_116 = arith.constant 0 : i32
      %dma_start3A_117 = tpu.memref_slice %arg2[%dma_start3A_115, %dma_start3A_116] : memref<10240x64xf32, #tpu.memory_space<hbm>> -> memref<10240x64xf32, #tpu.memory_space<hbm>>
      tpu.enqueue_indirect_dma source(%dma_start3A_117 : memref<10240x64xf32, #tpu.memory_space<hbm>>) target(%dma_start3A_111 : memref<125x64xf32, #tpu.memory_space<vmem>>) offsets(%dma_start3A_114 : memref<125xi32, #tpu.memory_space<vmem>>) semaphore(%arg10 : memref<!tpu.dma_semaphore, #tpu.memory_space<semaphore_mem>>)
      %add3A_118 = arith.constant 4 : i32
      %add3A_119 = arith.addi %mul3A_92, %add3A_118 : i32
      %add3A_120 = arith.constant 2 : i32
      %add3A_121 = arith.addi %add3A_119, %add3A_120 : i32
      %dma_start3A_122 = arith.constant 750 : i32
      %dma_start3A_123 = arith.constant 0 : i32
      %dma_start3A_124 = tpu.memref_slice %arg8[%dma_start3A_122, %dma_start3A_123] : memref<1000x64xf32, #tpu.memory_space<vmem>> -> memref<125x64xf32, #tpu.memory_space<vmem>>
      %dma_start3A_125 = arith.constant 0 : i32
      %dma_start3A_126 = tpu.memref_slice %arg6[%add3A_121, %dma_start3A_125] : memref<80x125xi32, #tpu.memory_space<vmem>> -> memref<1x125xi32, #tpu.memory_space<vmem>>
      %dma_start3A_127 = tpu.memref_squeeze %dma_start3A_126 : memref<1x125xi32, #tpu.memory_space<vmem>> -> memref<125xi32, #tpu.memory_space<vmem>>
      %dma_start3A_128 = arith.constant 0 : i32
      %dma_start3A_129 = arith.constant 0 : i32
      %dma_start3A_130 = tpu.memref_slice %arg2[%dma_start3A_128, %dma_start3A_129] : memref<10240x64xf32, #tpu.memory_space<hbm>> -> memref<10240x64xf32, #tpu.memory_space<hbm>>
      tpu.enqueue_indirect_dma source(%dma_start3A_130 : memref<10240x64xf32, #tpu.memory_space<hbm>>) target(%dma_start3A_124 : memref<125x64xf32, #tpu.memory_space<vmem>>) offsets(%dma_start3A_127 : memref<125xi32, #tpu.memory_space<vmem>>) semaphore(%arg10 : memref<!tpu.dma_semaphore, #tpu.memory_space<semaphore_mem>>)
      %add3A_131 = arith.constant 4 : i32
      %add3A_132 = arith.addi %mul3A_92, %add3A_131 : i32
      %add3A_133 = arith.constant 3 : i32
      %add3A_134 = arith.addi %add3A_132, %add3A_133 : i32
      %dma_start3A_135 = arith.constant 875 : i32
      %dma_start3A_136 = arith.constant 0 : i32
      %dma_start3A_137 = tpu.memref_slice %arg8[%dma_start3A_135, %dma_start3A_136] : memref<1000x64xf32, #tpu.memory_space<vmem>> -> memref<125x64xf32, #tpu.memory_space<vmem>>
      %dma_start3A_138 = arith.constant 0 : i32
      %dma_start3A_139 = tpu.memref_slice %arg6[%add3A_134, %dma_start3A_138] : memref<80x125xi32, #tpu.memory_space<vmem>> -> memref<1x125xi32, #tpu.memory_space<vmem>>
      %dma_start3A_140 = tpu.memref_squeeze %dma_start3A_139 : memref<1x125xi32, #tpu.memory_space<vmem>> -> memref<125xi32, #tpu.memory_space<vmem>>
      %dma_start3A_141 = arith.constant 0 : i32
      %dma_start3A_142 = arith.constant 0 : i32
      %dma_start3A_143 = tpu.memref_slice %arg2[%dma_start3A_141, %dma_start3A_142] : memref<10240x64xf32, #tpu.memory_space<hbm>> -> memref<10240x64xf32, #tpu.memory_space<hbm>>
      tpu.enqueue_indirect_dma source(%dma_start3A_143 : memref<10240x64xf32, #tpu.memory_space<hbm>>) target(%dma_start3A_137 : memref<125x64xf32, #tpu.memory_space<vmem>>) offsets(%dma_start3A_140 : memref<125xi32, #tpu.memory_space<vmem>>) semaphore(%arg10 : memref<!tpu.dma_semaphore, #tpu.memory_space<semaphore_mem>>)
      %dma_wait3A_144 = arith.constant 0 : i32
      %dma_wait3A_145 = arith.constant 0 : i32
      %dma_wait3A_146 = arith.constant 0 : i32
      %dma_wait3A_147 = tpu.memref_slice %arg8[%dma_wait3A_145, %dma_wait3A_146] : memref<1000x64xf32, #tpu.memory_space<vmem>> -> memref<125x64xf32, #tpu.memory_space<vmem>>
      %dma_wait3A_148 = arith.constant 0 : i32
      %dma_wait3A_149 = tpu.memref_slice %arg6[%dma_wait3A_144, %dma_wait3A_148] : memref<80x125xi32, #tpu.memory_space<vmem>> -> memref<1x125xi32, #tpu.memory_space<vmem>>
      %dma_wait3A_150 = tpu.memref_squeeze %dma_wait3A_149 : memref<1x125xi32, #tpu.memory_space<vmem>> -> memref<125xi32, #tpu.memory_space<vmem>>
      %dma_wait3A_151 = arith.constant 0 : i32
      %dma_wait3A_152 = arith.constant 0 : i32
      %dma_wait3A_153 = tpu.memref_slice %arg2[%dma_wait3A_151, %dma_wait3A_152] : memref<10240x64xf32, #tpu.memory_space<hbm>> -> memref<10240x64xf32, #tpu.memory_space<hbm>>
      tpu.wait_indirect_dma semaphore(%arg9 : memref<!tpu.dma_semaphore, #tpu.memory_space<semaphore_mem>>) src(%dma_wait3A_153 : memref<10240x64xf32, #tpu.memory_space<hbm>>) dst(%dma_wait3A_147 : memref<125x64xf32, #tpu.memory_space<vmem>>)
      %dma_wait3A_154 = arith.constant 0 : i32
      %dma_wait3A_155 = arith.constant 125 : i32
      %dma_wait3A_156 = arith.constant 0 : i32
      %dma_wait3A_157 = tpu.memref_slice %arg8[%dma_wait3A_155, %dma_wait3A_156] : memref<1000x64xf32, #tpu.memory_space<vmem>> -> memref<125x64xf32, #tpu.memory_space<vmem>>
      %dma_wait3A_158 = arith.constant 0 : i32
      %dma_wait3A_159 = tpu.memref_slice %arg6[%dma_wait3A_154, %dma_wait3A_158] : memref<80x125xi32, #tpu.memory_space<vmem>> -> memref<1x125xi32, #tpu.memory_space<vmem>>
      %dma_wait3A_160 = tpu.memref_squeeze %dma_wait3A_159 : memref<1x125xi32, #tpu.memory_space<vmem>> -> memref<125xi32, #tpu.memory_space<vmem>>
      %dma_wait3A_161 = arith.constant 0 : i32
      %dma_wait3A_162 = arith.constant 0 : i32
      %dma_wait3A_163 = tpu.memref_slice %arg2[%dma_wait3A_161, %dma_wait3A_162] : memref<10240x64xf32, #tpu.memory_space<hbm>> -> memref<10240x64xf32, #tpu.memory_space<hbm>>
      tpu.wait_indirect_dma semaphore(%arg9 : memref<!tpu.dma_semaphore, #tpu.memory_space<semaphore_mem>>) src(%dma_wait3A_163 : memref<10240x64xf32, #tpu.memory_space<hbm>>) dst(%dma_wait3A_157 : memref<125x64xf32, #tpu.memory_space<vmem>>)
      %dma_wait3A_164 = arith.constant 0 : i32
      %dma_wait3A_165 = arith.constant 250 : i32
      %dma_wait3A_166 = arith.constant 0 : i32
      %dma_wait3A_167 = tpu.memref_slice %arg8[%dma_wait3A_165, %dma_wait3A_166] : memref<1000x64xf32, #tpu.memory_space<vmem>> -> memref<125x64xf32, #tpu.memory_space<vmem>>
      %dma_wait3A_168 = arith.constant 0 : i32
      %dma_wait3A_169 = tpu.memref_slice %arg6[%dma_wait3A_164, %dma_wait3A_168] : memref<80x125xi32, #tpu.memory_space<vmem>> -> memref<1x125xi32, #tpu.memory_space<vmem>>
      %dma_wait3A_170 = tpu.memref_squeeze %dma_wait3A_169 : memref<1x125xi32, #tpu.memory_space<vmem>> -> memref<125xi32, #tpu.memory_space<vmem>>
      %dma_wait3A_171 = arith.constant 0 : i32
      %dma_wait3A_172 = arith.constant 0 : i32
      %dma_wait3A_173 = tpu.memref_slice %arg2[%dma_wait3A_171, %dma_wait3A_172] : memref<10240x64xf32, #tpu.memory_space<hbm>> -> memref<10240x64xf32, #tpu.memory_space<hbm>>
      tpu.wait_indirect_dma semaphore(%arg9 : memref<!tpu.dma_semaphore, #tpu.memory_space<semaphore_mem>>) src(%dma_wait3A_173 : memref<10240x64xf32, #tpu.memory_space<hbm>>) dst(%dma_wait3A_167 : memref<125x64xf32, #tpu.memory_space<vmem>>)
      %dma_wait3A_174 = arith.constant 0 : i32
      %dma_wait3A_175 = arith.constant 375 : i32
      %dma_wait3A_176 = arith.constant 0 : i32
      %dma_wait3A_177 = tpu.memref_slice %arg8[%dma_wait3A_175, %dma_wait3A_176] : memref<1000x64xf32, #tpu.memory_space<vmem>> -> memref<125x64xf32, #tpu.memory_space<vmem>>
      %dma_wait3A_178 = arith.constant 0 : i32
      %dma_wait3A_179 = tpu.memref_slice %arg6[%dma_wait3A_174, %dma_wait3A_178] : memref<80x125xi32, #tpu.memory_space<vmem>> -> memref<1x125xi32, #tpu.memory_space<vmem>>
      %dma_wait3A_180 = tpu.memref_squeeze %dma_wait3A_179 : memref<1x125xi32, #tpu.memory_space<vmem>> -> memref<125xi32, #tpu.memory_space<vmem>>
      %dma_wait3A_181 = arith.constant 0 : i32
      %dma_wait3A_182 = arith.constant 0 : i32
      %dma_wait3A_183 = tpu.memref_slice %arg2[%dma_wait3A_181, %dma_wait3A_182] : memref<10240x64xf32, #tpu.memory_space<hbm>> -> memref<10240x64xf32, #tpu.memory_space<hbm>>
      tpu.wait_indirect_dma semaphore(%arg9 : memref<!tpu.dma_semaphore, #tpu.memory_space<semaphore_mem>>) src(%dma_wait3A_183 : memref<10240x64xf32, #tpu.memory_space<hbm>>) dst(%dma_wait3A_177 : memref<125x64xf32, #tpu.memory_space<vmem>>)
      %add3A_184 = arith.constant 0 : i32
      %add3A_185 = arith.addi %mul3A_92, %add3A_184 : i32
      "tpu.region"() ({
        %run_scoped3A = tpu.sem_alloc : memref<!tpu.dma_semaphore, #tpu.memory_space<semaphore_mem>>
        %dma_start3A_250 = arith.constant 0 : i32
        %dma_start3A_251 = arith.constant 0 : i32
        %dma_start3A_252 = tpu.memref_slice %arg8[%dma_start3A_250, %dma_start3A_251] : memref<1000x64xf32, #tpu.memory_space<vmem>> -> memref<125x64xf32, #tpu.memory_space<vmem>>
        %dma_start3A_253 = arith.constant 0 : i32
        %dma_start3A_254 = tpu.memref_slice %arg7[%add3A_185, %dma_start3A_253] : memref<80x125xi32, #tpu.memory_space<vmem>> -> memref<1x125xi32, #tpu.memory_space<vmem>>
        %dma_start3A_255 = tpu.memref_squeeze %dma_start3A_254 : memref<1x125xi32, #tpu.memory_space<vmem>> -> memref<125xi32, #tpu.memory_space<vmem>>
        %dma_start3A_256 = arith.constant 0 : i32
        %dma_start3A_257 = arith.constant 0 : i32
        %dma_start3A_258 = tpu.memref_slice %arg11[%dma_start3A_256, %dma_start3A_257] : memref<10240x64xf32, #tpu.memory_space<vmem_shared>> -> memref<10240x64xf32, #tpu.memory_space<vmem_shared>>
        tpu.enqueue_indirect_dma source(%dma_start3A_252 : memref<125x64xf32, #tpu.memory_space<vmem>>) target(%dma_start3A_258 : memref<10240x64xf32, #tpu.memory_space<vmem_shared>>) offsets(%dma_start3A_255 : memref<125xi32, #tpu.memory_space<vmem>>) semaphore(%run_scoped3A : memref<!tpu.dma_semaphore, #tpu.memory_space<semaphore_mem>>) {add = true}
        %dma_wait3A_259 = arith.constant 0 : i32
        %dma_wait3A_260 = arith.constant 0 : i32
        %dma_wait3A_261 = tpu.memref_slice %arg8[%dma_wait3A_259, %dma_wait3A_260] : memref<1000x64xf32, #tpu.memory_space<vmem>> -> memref<125x64xf32, #tpu.memory_space<vmem>>
        %dma_wait3A_262 = arith.constant 0 : i32
        %dma_wait3A_263 = tpu.memref_slice %arg7[%add3A_185, %dma_wait3A_262] : memref<80x125xi32, #tpu.memory_space<vmem>> -> memref<1x125xi32, #tpu.memory_space<vmem>>
        %dma_wait3A_264 = tpu.memref_squeeze %dma_wait3A_263 : memref<1x125xi32, #tpu.memory_space<vmem>> -> memref<125xi32, #tpu.memory_space<vmem>>
        %dma_wait3A_265 = arith.constant 0 : i32
        %dma_wait3A_266 = arith.constant 0 : i32
        %dma_wait3A_267 = tpu.memref_slice %arg11[%dma_wait3A_265, %dma_wait3A_266] : memref<10240x64xf32, #tpu.memory_space<vmem_shared>> -> memref<10240x64xf32, #tpu.memory_space<vmem_shared>>
        tpu.wait_indirect_dma semaphore(%run_scoped3A : memref<!tpu.dma_semaphore, #tpu.memory_space<semaphore_mem>>) src(%dma_wait3A_261 : memref<125x64xf32, #tpu.memory_space<vmem>>) dst(%dma_wait3A_267 : memref<10240x64xf32, #tpu.memory_space<vmem_shared>>)
        tpu.yield
      }) : () -> ()
      %add3A_186 = arith.constant 1 : i32
      %add3A_187 = arith.addi %mul3A_92, %add3A_186 : i32
      "tpu.region"() ({
        %run_scoped3A = tpu.sem_alloc : memref<!tpu.dma_semaphore, #tpu.memory_space<semaphore_mem>>
        %dma_start3A_250 = arith.constant 125 : i32
        %dma_start3A_251 = arith.constant 0 : i32
        %dma_start3A_252 = tpu.memref_slice %arg8[%dma_start3A_250, %dma_start3A_251] : memref<1000x64xf32, #tpu.memory_space<vmem>> -> memref<125x64xf32, #tpu.memory_space<vmem>>
        %dma_start3A_253 = arith.constant 0 : i32
        %dma_start3A_254 = tpu.memref_slice %arg7[%add3A_187, %dma_start3A_253] : memref<80x125xi32, #tpu.memory_space<vmem>> -> memref<1x125xi32, #tpu.memory_space<vmem>>
        %dma_start3A_255 = tpu.memref_squeeze %dma_start3A_254 : memref<1x125xi32, #tpu.memory_space<vmem>> -> memref<125xi32, #tpu.memory_space<vmem>>
        %dma_start3A_256 = arith.constant 0 : i32
        %dma_start3A_257 = arith.constant 0 : i32
        %dma_start3A_258 = tpu.memref_slice %arg11[%dma_start3A_256, %dma_start3A_257] : memref<10240x64xf32, #tpu.memory_space<vmem_shared>> -> memref<10240x64xf32, #tpu.memory_space<vmem_shared>>
        tpu.enqueue_indirect_dma source(%dma_start3A_252 : memref<125x64xf32, #tpu.memory_space<vmem>>) target(%dma_start3A_258 : memref<10240x64xf32, #tpu.memory_space<vmem_shared>>) offsets(%dma_start3A_255 : memref<125xi32, #tpu.memory_space<vmem>>) semaphore(%run_scoped3A : memref<!tpu.dma_semaphore, #tpu.memory_space<semaphore_mem>>) {add = true}
        %dma_wait3A_259 = arith.constant 125 : i32
        %dma_wait3A_260 = arith.constant 0 : i32
        %dma_wait3A_261 = tpu.memref_slice %arg8[%dma_wait3A_259, %dma_wait3A_260] : memref<1000x64xf32, #tpu.memory_space<vmem>> -> memref<125x64xf32, #tpu.memory_space<vmem>>
        %dma_wait3A_262 = arith.constant 0 : i32
        %dma_wait3A_263 = tpu.memref_slice %arg7[%add3A_187, %dma_wait3A_262] : memref<80x125xi32, #tpu.memory_space<vmem>> -> memref<1x125xi32, #tpu.memory_space<vmem>>
        %dma_wait3A_264 = tpu.memref_squeeze %dma_wait3A_263 : memref<1x125xi32, #tpu.memory_space<vmem>> -> memref<125xi32, #tpu.memory_space<vmem>>
        %dma_wait3A_265 = arith.constant 0 : i32
        %dma_wait3A_266 = arith.constant 0 : i32
        %dma_wait3A_267 = tpu.memref_slice %arg11[%dma_wait3A_265, %dma_wait3A_266] : memref<10240x64xf32, #tpu.memory_space<vmem_shared>> -> memref<10240x64xf32, #tpu.memory_space<vmem_shared>>
        tpu.wait_indirect_dma semaphore(%run_scoped3A : memref<!tpu.dma_semaphore, #tpu.memory_space<semaphore_mem>>) src(%dma_wait3A_261 : memref<125x64xf32, #tpu.memory_space<vmem>>) dst(%dma_wait3A_267 : memref<10240x64xf32, #tpu.memory_space<vmem_shared>>)
        tpu.yield
      }) : () -> ()
      %add3A_188 = arith.constant 2 : i32
      %add3A_189 = arith.addi %mul3A_92, %add3A_188 : i32
      "tpu.region"() ({
        %run_scoped3A = tpu.sem_alloc : memref<!tpu.dma_semaphore, #tpu.memory_space<semaphore_mem>>
        %dma_start3A_250 = arith.constant 250 : i32
        %dma_start3A_251 = arith.constant 0 : i32
        %dma_start3A_252 = tpu.memref_slice %arg8[%dma_start3A_250, %dma_start3A_251] : memref<1000x64xf32, #tpu.memory_space<vmem>> -> memref<125x64xf32, #tpu.memory_space<vmem>>
        %dma_start3A_253 = arith.constant 0 : i32
        %dma_start3A_254 = tpu.memref_slice %arg7[%add3A_189, %dma_start3A_253] : memref<80x125xi32, #tpu.memory_space<vmem>> -> memref<1x125xi32, #tpu.memory_space<vmem>>
        %dma_start3A_255 = tpu.memref_squeeze %dma_start3A_254 : memref<1x125xi32, #tpu.memory_space<vmem>> -> memref<125xi32, #tpu.memory_space<vmem>>
        %dma_start3A_256 = arith.constant 0 : i32
        %dma_start3A_257 = arith.constant 0 : i32
        %dma_start3A_258 = tpu.memref_slice %arg11[%dma_start3A_256, %dma_start3A_257] : memref<10240x64xf32, #tpu.memory_space<vmem_shared>> -> memref<10240x64xf32, #tpu.memory_space<vmem_shared>>
        tpu.enqueue_indirect_dma source(%dma_start3A_252 : memref<125x64xf32, #tpu.memory_space<vmem>>) target(%dma_start3A_258 : memref<10240x64xf32, #tpu.memory_space<vmem_shared>>) offsets(%dma_start3A_255 : memref<125xi32, #tpu.memory_space<vmem>>) semaphore(%run_scoped3A : memref<!tpu.dma_semaphore, #tpu.memory_space<semaphore_mem>>) {add = true}
        %dma_wait3A_259 = arith.constant 250 : i32
        %dma_wait3A_260 = arith.constant 0 : i32
        %dma_wait3A_261 = tpu.memref_slice %arg8[%dma_wait3A_259, %dma_wait3A_260] : memref<1000x64xf32, #tpu.memory_space<vmem>> -> memref<125x64xf32, #tpu.memory_space<vmem>>
        %dma_wait3A_262 = arith.constant 0 : i32
        %dma_wait3A_263 = tpu.memref_slice %arg7[%add3A_189, %dma_wait3A_262] : memref<80x125xi32, #tpu.memory_space<vmem>> -> memref<1x125xi32, #tpu.memory_space<vmem>>
        %dma_wait3A_264 = tpu.memref_squeeze %dma_wait3A_263 : memref<1x125xi32, #tpu.memory_space<vmem>> -> memref<125xi32, #tpu.memory_space<vmem>>
        %dma_wait3A_265 = arith.constant 0 : i32
        %dma_wait3A_266 = arith.constant 0 : i32
        %dma_wait3A_267 = tpu.memref_slice %arg11[%dma_wait3A_265, %dma_wait3A_266] : memref<10240x64xf32, #tpu.memory_space<vmem_shared>> -> memref<10240x64xf32, #tpu.memory_space<vmem_shared>>
        tpu.wait_indirect_dma semaphore(%run_scoped3A : memref<!tpu.dma_semaphore, #tpu.memory_space<semaphore_mem>>) src(%dma_wait3A_261 : memref<125x64xf32, #tpu.memory_space<vmem>>) dst(%dma_wait3A_267 : memref<10240x64xf32, #tpu.memory_space<vmem_shared>>)
        tpu.yield
      }) : () -> ()
      %add3A_190 = arith.constant 3 : i32
      %add3A_191 = arith.addi %mul3A_92, %add3A_190 : i32
      "tpu.region"() ({
        %run_scoped3A = tpu.sem_alloc : memref<!tpu.dma_semaphore, #tpu.memory_space<semaphore_mem>>
        %dma_start3A_250 = arith.constant 375 : i32
        %dma_start3A_251 = arith.constant 0 : i32
        %dma_start3A_252 = tpu.memref_slice %arg8[%dma_start3A_250, %dma_start3A_251] : memref<1000x64xf32, #tpu.memory_space<vmem>> -> memref<125x64xf32, #tpu.memory_space<vmem>>
        %dma_start3A_253 = arith.constant 0 : i32
        %dma_start3A_254 = tpu.memref_slice %arg7[%add3A_191, %dma_start3A_253] : memref<80x125xi32, #tpu.memory_space<vmem>> -> memref<1x125xi32, #tpu.memory_space<vmem>>
        %dma_start3A_255 = tpu.memref_squeeze %dma_start3A_254 : memref<1x125xi32, #tpu.memory_space<vmem>> -> memref<125xi32, #tpu.memory_space<vmem>>
        %dma_start3A_256 = arith.constant 0 : i32
        %dma_start3A_257 = arith.constant 0 : i32
        %dma_start3A_258 = tpu.memref_slice %arg11[%dma_start3A_256, %dma_start3A_257] : memref<10240x64xf32, #tpu.memory_space<vmem_shared>> -> memref<10240x64xf32, #tpu.memory_space<vmem_shared>>
        tpu.enqueue_indirect_dma source(%dma_start3A_252 : memref<125x64xf32, #tpu.memory_space<vmem>>) target(%dma_start3A_258 : memref<10240x64xf32, #tpu.memory_space<vmem_shared>>) offsets(%dma_start3A_255 : memref<125xi32, #tpu.memory_space<vmem>>) semaphore(%run_scoped3A : memref<!tpu.dma_semaphore, #tpu.memory_space<semaphore_mem>>) {add = true}
        %dma_wait3A_259 = arith.constant 375 : i32
        %dma_wait3A_260 = arith.constant 0 : i32
        %dma_wait3A_261 = tpu.memref_slice %arg8[%dma_wait3A_259, %dma_wait3A_260] : memref<1000x64xf32, #tpu.memory_space<vmem>> -> memref<125x64xf32, #tpu.memory_space<vmem>>
        %dma_wait3A_262 = arith.constant 0 : i32
        %dma_wait3A_263 = tpu.memref_slice %arg7[%add3A_191, %dma_wait3A_262] : memref<80x125xi32, #tpu.memory_space<vmem>> -> memref<1x125xi32, #tpu.memory_space<vmem>>
        %dma_wait3A_264 = tpu.memref_squeeze %dma_wait3A_263 : memref<1x125xi32, #tpu.memory_space<vmem>> -> memref<125xi32, #tpu.memory_space<vmem>>
        %dma_wait3A_265 = arith.constant 0 : i32
        %dma_wait3A_266 = arith.constant 0 : i32
        %dma_wait3A_267 = tpu.memref_slice %arg11[%dma_wait3A_265, %dma_wait3A_266] : memref<10240x64xf32, #tpu.memory_space<vmem_shared>> -> memref<10240x64xf32, #tpu.memory_space<vmem_shared>>
        tpu.wait_indirect_dma semaphore(%run_scoped3A : memref<!tpu.dma_semaphore, #tpu.memory_space<semaphore_mem>>) src(%dma_wait3A_261 : memref<125x64xf32, #tpu.memory_space<vmem>>) dst(%dma_wait3A_267 : memref<10240x64xf32, #tpu.memory_space<vmem_shared>>)
        tpu.yield
      }) : () -> ()
      %lt3A = arith.constant 9 : i32
      %lt3A_192 = arith.cmpi slt, %scan3A_88, %lt3A : i32
      %convert_element_type3A = arith.extui %lt3A_192 : i1 to i32
      %cond3A = arith.constant 0 : i32
      %cond3A_193 = arith.cmpi ne, %convert_element_type3A, %cond3A : i32
      scf.if %cond3A_193 {
        %add3A_250 = arith.constant 8 : i32
        %add3A_251 = arith.addi %mul3A_92, %add3A_250 : i32
        %add3A_252 = arith.constant 0 : i32
        %add3A_253 = arith.addi %add3A_251, %add3A_252 : i32
        %dma_start3A_254 = arith.constant 0 : i32
        %dma_start3A_255 = arith.constant 0 : i32
        %dma_start3A_256 = tpu.memref_slice %arg8[%dma_start3A_254, %dma_start3A_255] : memref<1000x64xf32, #tpu.memory_space<vmem>> -> memref<125x64xf32, #tpu.memory_space<vmem>>
        %dma_start3A_257 = arith.constant 0 : i32
        %dma_start3A_258 = tpu.memref_slice %arg6[%add3A_253, %dma_start3A_257] : memref<80x125xi32, #tpu.memory_space<vmem>> -> memref<1x125xi32, #tpu.memory_space<vmem>>
        %dma_start3A_259 = tpu.memref_squeeze %dma_start3A_258 : memref<1x125xi32, #tpu.memory_space<vmem>> -> memref<125xi32, #tpu.memory_space<vmem>>
        %dma_start3A_260 = arith.constant 0 : i32
        %dma_start3A_261 = arith.constant 0 : i32
        %dma_start3A_262 = tpu.memref_slice %arg2[%dma_start3A_260, %dma_start3A_261] : memref<10240x64xf32, #tpu.memory_space<hbm>> -> memref<10240x64xf32, #tpu.memory_space<hbm>>
        tpu.enqueue_indirect_dma source(%dma_start3A_262 : memref<10240x64xf32, #tpu.memory_space<hbm>>) target(%dma_start3A_256 : memref<125x64xf32, #tpu.memory_space<vmem>>) offsets(%dma_start3A_259 : memref<125xi32, #tpu.memory_space<vmem>>) semaphore(%arg9 : memref<!tpu.dma_semaphore, #tpu.memory_space<semaphore_mem>>)
        %add3A_263 = arith.constant 8 : i32
        %add3A_264 = arith.addi %mul3A_92, %add3A_263 : i32
        %add3A_265 = arith.constant 1 : i32
        %add3A_266 = arith.addi %add3A_264, %add3A_265 : i32
        %dma_start3A_267 = arith.constant 125 : i32
        %dma_start3A_268 = arith.constant 0 : i32
        %dma_start3A_269 = tpu.memref_slice %arg8[%dma_start3A_267, %dma_start3A_268] : memref<1000x64xf32, #tpu.memory_space<vmem>> -> memref<125x64xf32, #tpu.memory_space<vmem>>
        %dma_start3A_270 = arith.constant 0 : i32
        %dma_start3A_271 = tpu.memref_slice %arg6[%add3A_266, %dma_start3A_270] : memref<80x125xi32, #tpu.memory_space<vmem>> -> memref<1x125xi32, #tpu.memory_space<vmem>>
        %dma_start3A_272 = tpu.memref_squeeze %dma_start3A_271 : memref<1x125xi32, #tpu.memory_space<vmem>> -> memref<125xi32, #tpu.memory_space<vmem>>
        %dma_start3A_273 = arith.constant 0 : i32
        %dma_start3A_274 = arith.constant 0 : i32
        %dma_start3A_275 = tpu.memref_slice %arg2[%dma_start3A_273, %dma_start3A_274] : memref<10240x64xf32, #tpu.memory_space<hbm>> -> memref<10240x64xf32, #tpu.memory_space<hbm>>
        tpu.enqueue_indirect_dma source(%dma_start3A_275 : memref<10240x64xf32, #tpu.memory_space<hbm>>) target(%dma_start3A_269 : memref<125x64xf32, #tpu.memory_space<vmem>>) offsets(%dma_start3A_272 : memref<125xi32, #tpu.memory_space<vmem>>) semaphore(%arg9 : memref<!tpu.dma_semaphore, #tpu.memory_space<semaphore_mem>>)
        %add3A_276 = arith.constant 8 : i32
        %add3A_277 = arith.addi %mul3A_92, %add3A_276 : i32
        %add3A_278 = arith.constant 2 : i32
        %add3A_279 = arith.addi %add3A_277, %add3A_278 : i32
        %dma_start3A_280 = arith.constant 250 : i32
        %dma_start3A_281 = arith.constant 0 : i32
        %dma_start3A_282 = tpu.memref_slice %arg8[%dma_start3A_280, %dma_start3A_281] : memref<1000x64xf32, #tpu.memory_space<vmem>> -> memref<125x64xf32, #tpu.memory_space<vmem>>
        %dma_start3A_283 = arith.constant 0 : i32
        %dma_start3A_284 = tpu.memref_slice %arg6[%add3A_279, %dma_start3A_283] : memref<80x125xi32, #tpu.memory_space<vmem>> -> memref<1x125xi32, #tpu.memory_space<vmem>>
        %dma_start3A_285 = tpu.memref_squeeze %dma_start3A_284 : memref<1x125xi32, #tpu.memory_space<vmem>> -> memref<125xi32, #tpu.memory_space<vmem>>
        %dma_start3A_286 = arith.constant 0 : i32
        %dma_start3A_287 = arith.constant 0 : i32
        %dma_start3A_288 = tpu.memref_slice %arg2[%dma_start3A_286, %dma_start3A_287] : memref<10240x64xf32, #tpu.memory_space<hbm>> -> memref<10240x64xf32, #tpu.memory_space<hbm>>
        tpu.enqueue_indirect_dma source(%dma_start3A_288 : memref<10240x64xf32, #tpu.memory_space<hbm>>) target(%dma_start3A_282 : memref<125x64xf32, #tpu.memory_space<vmem>>) offsets(%dma_start3A_285 : memref<125xi32, #tpu.memory_space<vmem>>) semaphore(%arg9 : memref<!tpu.dma_semaphore, #tpu.memory_space<semaphore_mem>>)
        %add3A_289 = arith.constant 8 : i32
        %add3A_290 = arith.addi %mul3A_92, %add3A_289 : i32
        %add3A_291 = arith.constant 3 : i32
        %add3A_292 = arith.addi %add3A_290, %add3A_291 : i32
        %dma_start3A_293 = arith.constant 375 : i32
        %dma_start3A_294 = arith.constant 0 : i32
        %dma_start3A_295 = tpu.memref_slice %arg8[%dma_start3A_293, %dma_start3A_294] : memref<1000x64xf32, #tpu.memory_space<vmem>> -> memref<125x64xf32, #tpu.memory_space<vmem>>
        %dma_start3A_296 = arith.constant 0 : i32
        %dma_start3A_297 = tpu.memref_slice %arg6[%add3A_292, %dma_start3A_296] : memref<80x125xi32, #tpu.memory_space<vmem>> -> memref<1x125xi32, #tpu.memory_space<vmem>>
        %dma_start3A_298 = tpu.memref_squeeze %dma_start3A_297 : memref<1x125xi32, #tpu.memory_space<vmem>> -> memref<125xi32, #tpu.memory_space<vmem>>
        %dma_start3A_299 = arith.constant 0 : i32
        %dma_start3A_300 = arith.constant 0 : i32
        %dma_start3A_301 = tpu.memref_slice %arg2[%dma_start3A_299, %dma_start3A_300] : memref<10240x64xf32, #tpu.memory_space<hbm>> -> memref<10240x64xf32, #tpu.memory_space<hbm>>
        tpu.enqueue_indirect_dma source(%dma_start3A_301 : memref<10240x64xf32, #tpu.memory_space<hbm>>) target(%dma_start3A_295 : memref<125x64xf32, #tpu.memory_space<vmem>>) offsets(%dma_start3A_298 : memref<125xi32, #tpu.memory_space<vmem>>) semaphore(%arg9 : memref<!tpu.dma_semaphore, #tpu.memory_space<semaphore_mem>>)
      } else {
      }
      %dma_wait3A_194 = arith.constant 0 : i32
      %dma_wait3A_195 = arith.constant 500 : i32
      %dma_wait3A_196 = arith.constant 0 : i32
      %dma_wait3A_197 = tpu.memref_slice %arg8[%dma_wait3A_195, %dma_wait3A_196] : memref<1000x64xf32, #tpu.memory_space<vmem>> -> memref<125x64xf32, #tpu.memory_space<vmem>>
      %dma_wait3A_198 = arith.constant 0 : i32
      %dma_wait3A_199 = tpu.memref_slice %arg6[%dma_wait3A_194, %dma_wait3A_198] : memref<80x125xi32, #tpu.memory_space<vmem>> -> memref<1x125xi32, #tpu.memory_space<vmem>>
      %dma_wait3A_200 = tpu.memref_squeeze %dma_wait3A_199 : memref<1x125xi32, #tpu.memory_space<vmem>> -> memref<125xi32, #tpu.memory_space<vmem>>
      %dma_wait3A_201 = arith.constant 0 : i32
      %dma_wait3A_202 = arith.constant 0 : i32
      %dma_wait3A_203 = tpu.memref_slice %arg2[%dma_wait3A_201, %dma_wait3A_202] : memref<10240x64xf32, #tpu.memory_space<hbm>> -> memref<10240x64xf32, #tpu.memory_space<hbm>>
      tpu.wait_indirect_dma semaphore(%arg10 : memref<!tpu.dma_semaphore, #tpu.memory_space<semaphore_mem>>) src(%dma_wait3A_203 : memref<10240x64xf32, #tpu.memory_space<hbm>>) dst(%dma_wait3A_197 : memref<125x64xf32, #tpu.memory_space<vmem>>)
      %dma_wait3A_204 = arith.constant 0 : i32
      %dma_wait3A_205 = arith.constant 625 : i32
      %dma_wait3A_206 = arith.constant 0 : i32
      %dma_wait3A_207 = tpu.memref_slice %arg8[%dma_wait3A_205, %dma_wait3A_206] : memref<1000x64xf32, #tpu.memory_space<vmem>> -> memref<125x64xf32, #tpu.memory_space<vmem>>
      %dma_wait3A_208 = arith.constant 0 : i32
      %dma_wait3A_209 = tpu.memref_slice %arg6[%dma_wait3A_204, %dma_wait3A_208] : memref<80x125xi32, #tpu.memory_space<vmem>> -> memref<1x125xi32, #tpu.memory_space<vmem>>
      %dma_wait3A_210 = tpu.memref_squeeze %dma_wait3A_209 : memref<1x125xi32, #tpu.memory_space<vmem>> -> memref<125xi32, #tpu.memory_space<vmem>>
      %dma_wait3A_211 = arith.constant 0 : i32
      %dma_wait3A_212 = arith.constant 0 : i32
      %dma_wait3A_213 = tpu.memref_slice %arg2[%dma_wait3A_211, %dma_wait3A_212] : memref<10240x64xf32, #tpu.memory_space<hbm>> -> memref<10240x64xf32, #tpu.memory_space<hbm>>
      tpu.wait_indirect_dma semaphore(%arg10 : memref<!tpu.dma_semaphore, #tpu.memory_space<semaphore_mem>>) src(%dma_wait3A_213 : memref<10240x64xf32, #tpu.memory_space<hbm>>) dst(%dma_wait3A_207 : memref<125x64xf32, #tpu.memory_space<vmem>>)
      %dma_wait3A_214 = arith.constant 0 : i32
      %dma_wait3A_215 = arith.constant 750 : i32
      %dma_wait3A_216 = arith.constant 0 : i32
      %dma_wait3A_217 = tpu.memref_slice %arg8[%dma_wait3A_215, %dma_wait3A_216] : memref<1000x64xf32, #tpu.memory_space<vmem>> -> memref<125x64xf32, #tpu.memory_space<vmem>>
      %dma_wait3A_218 = arith.constant 0 : i32
      %dma_wait3A_219 = tpu.memref_slice %arg6[%dma_wait3A_214, %dma_wait3A_218] : memref<80x125xi32, #tpu.memory_space<vmem>> -> memref<1x125xi32, #tpu.memory_space<vmem>>
      %dma_wait3A_220 = tpu.memref_squeeze %dma_wait3A_219 : memref<1x125xi32, #tpu.memory_space<vmem>> -> memref<125xi32, #tpu.memory_space<vmem>>
      %dma_wait3A_221 = arith.constant 0 : i32
      %dma_wait3A_222 = arith.constant 0 : i32
      %dma_wait3A_223 = tpu.memref_slice %arg2[%dma_wait3A_221, %dma_wait3A_222] : memref<10240x64xf32, #tpu.memory_space<hbm>> -> memref<10240x64xf32, #tpu.memory_space<hbm>>
      tpu.wait_indirect_dma semaphore(%arg10 : memref<!tpu.dma_semaphore, #tpu.memory_space<semaphore_mem>>) src(%dma_wait3A_223 : memref<10240x64xf32, #tpu.memory_space<hbm>>) dst(%dma_wait3A_217 : memref<125x64xf32, #tpu.memory_space<vmem>>)
      %dma_wait3A_224 = arith.constant 0 : i32
      %dma_wait3A_225 = arith.constant 875 : i32
      %dma_wait3A_226 = arith.constant 0 : i32
      %dma_wait3A_227 = tpu.memref_slice %arg8[%dma_wait3A_225, %dma_wait3A_226] : memref<1000x64xf32, #tpu.memory_space<vmem>> -> memref<125x64xf32, #tpu.memory_space<vmem>>
      %dma_wait3A_228 = arith.constant 0 : i32
      %dma_wait3A_229 = tpu.memref_slice %arg6[%dma_wait3A_224, %dma_wait3A_228] : memref<80x125xi32, #tpu.memory_space<vmem>> -> memref<1x125xi32, #tpu.memory_space<vmem>>
      %dma_wait3A_230 = tpu.memref_squeeze %dma_wait3A_229 : memref<1x125xi32, #tpu.memory_space<vmem>> -> memref<125xi32, #tpu.memory_space<vmem>>
      %dma_wait3A_231 = arith.constant 0 : i32
      %dma_wait3A_232 = arith.constant 0 : i32
      %dma_wait3A_233 = tpu.memref_slice %arg2[%dma_wait3A_231, %dma_wait3A_232] : memref<10240x64xf32, #tpu.memory_space<hbm>> -> memref<10240x64xf32, #tpu.memory_space<hbm>>
      tpu.wait_indirect_dma semaphore(%arg10 : memref<!tpu.dma_semaphore, #tpu.memory_space<semaphore_mem>>) src(%dma_wait3A_233 : memref<10240x64xf32, #tpu.memory_space<hbm>>) dst(%dma_wait3A_227 : memref<125x64xf32, #tpu.memory_space<vmem>>)
      %add3A_234 = arith.constant 4 : i32
      %add3A_235 = arith.addi %mul3A_92, %add3A_234 : i32
      %add3A_236 = arith.constant 0 : i32
      %add3A_237 = arith.addi %add3A_235, %add3A_236 : i32
      "tpu.region"() ({
        %run_scoped3A = tpu.sem_alloc : memref<!tpu.dma_semaphore, #tpu.memory_space<semaphore_mem>>
        %dma_start3A_250 = arith.constant 500 : i32
        %dma_start3A_251 = arith.constant 0 : i32
        %dma_start3A_252 = tpu.memref_slice %arg8[%dma_start3A_250, %dma_start3A_251] : memref<1000x64xf32, #tpu.memory_space<vmem>> -> memref<125x64xf32, #tpu.memory_space<vmem>>
        %dma_start3A_253 = arith.constant 0 : i32
        %dma_start3A_254 = tpu.memref_slice %arg7[%add3A_237, %dma_start3A_253] : memref<80x125xi32, #tpu.memory_space<vmem>> -> memref<1x125xi32, #tpu.memory_space<vmem>>
        %dma_start3A_255 = tpu.memref_squeeze %dma_start3A_254 : memref<1x125xi32, #tpu.memory_space<vmem>> -> memref<125xi32, #tpu.memory_space<vmem>>
        %dma_start3A_256 = arith.constant 0 : i32
        %dma_start3A_257 = arith.constant 0 : i32
        %dma_start3A_258 = tpu.memref_slice %arg11[%dma_start3A_256, %dma_start3A_257] : memref<10240x64xf32, #tpu.memory_space<vmem_shared>> -> memref<10240x64xf32, #tpu.memory_space<vmem_shared>>
        tpu.enqueue_indirect_dma source(%dma_start3A_252 : memref<125x64xf32, #tpu.memory_space<vmem>>) target(%dma_start3A_258 : memref<10240x64xf32, #tpu.memory_space<vmem_shared>>) offsets(%dma_start3A_255 : memref<125xi32, #tpu.memory_space<vmem>>) semaphore(%run_scoped3A : memref<!tpu.dma_semaphore, #tpu.memory_space<semaphore_mem>>) {add = true}
        %dma_wait3A_259 = arith.constant 500 : i32
        %dma_wait3A_260 = arith.constant 0 : i32
        %dma_wait3A_261 = tpu.memref_slice %arg8[%dma_wait3A_259, %dma_wait3A_260] : memref<1000x64xf32, #tpu.memory_space<vmem>> -> memref<125x64xf32, #tpu.memory_space<vmem>>
        %dma_wait3A_262 = arith.constant 0 : i32
        %dma_wait3A_263 = tpu.memref_slice %arg7[%add3A_237, %dma_wait3A_262] : memref<80x125xi32, #tpu.memory_space<vmem>> -> memref<1x125xi32, #tpu.memory_space<vmem>>
        %dma_wait3A_264 = tpu.memref_squeeze %dma_wait3A_263 : memref<1x125xi32, #tpu.memory_space<vmem>> -> memref<125xi32, #tpu.memory_space<vmem>>
        %dma_wait3A_265 = arith.constant 0 : i32
        %dma_wait3A_266 = arith.constant 0 : i32
        %dma_wait3A_267 = tpu.memref_slice %arg11[%dma_wait3A_265, %dma_wait3A_266] : memref<10240x64xf32, #tpu.memory_space<vmem_shared>> -> memref<10240x64xf32, #tpu.memory_space<vmem_shared>>
        tpu.wait_indirect_dma semaphore(%run_scoped3A : memref<!tpu.dma_semaphore, #tpu.memory_space<semaphore_mem>>) src(%dma_wait3A_261 : memref<125x64xf32, #tpu.memory_space<vmem>>) dst(%dma_wait3A_267 : memref<10240x64xf32, #tpu.memory_space<vmem_shared>>)
        tpu.yield
      }) : () -> ()
      %add3A_238 = arith.constant 4 : i32
      %add3A_239 = arith.addi %mul3A_92, %add3A_238 : i32
      %add3A_240 = arith.constant 1 : i32
      %add3A_241 = arith.addi %add3A_239, %add3A_240 : i32
      "tpu.region"() ({
        %run_scoped3A = tpu.sem_alloc : memref<!tpu.dma_semaphore, #tpu.memory_space<semaphore_mem>>
        %dma_start3A_250 = arith.constant 625 : i32
        %dma_start3A_251 = arith.constant 0 : i32
        %dma_start3A_252 = tpu.memref_slice %arg8[%dma_start3A_250, %dma_start3A_251] : memref<1000x64xf32, #tpu.memory_space<vmem>> -> memref<125x64xf32, #tpu.memory_space<vmem>>
        %dma_start3A_253 = arith.constant 0 : i32
        %dma_start3A_254 = tpu.memref_slice %arg7[%add3A_241, %dma_start3A_253] : memref<80x125xi32, #tpu.memory_space<vmem>> -> memref<1x125xi32, #tpu.memory_space<vmem>>
        %dma_start3A_255 = tpu.memref_squeeze %dma_start3A_254 : memref<1x125xi32, #tpu.memory_space<vmem>> -> memref<125xi32, #tpu.memory_space<vmem>>
        %dma_start3A_256 = arith.constant 0 : i32
        %dma_start3A_257 = arith.constant 0 : i32
        %dma_start3A_258 = tpu.memref_slice %arg11[%dma_start3A_256, %dma_start3A_257] : memref<10240x64xf32, #tpu.memory_space<vmem_shared>> -> memref<10240x64xf32, #tpu.memory_space<vmem_shared>>
        tpu.enqueue_indirect_dma source(%dma_start3A_252 : memref<125x64xf32, #tpu.memory_space<vmem>>) target(%dma_start3A_258 : memref<10240x64xf32, #tpu.memory_space<vmem_shared>>) offsets(%dma_start3A_255 : memref<125xi32, #tpu.memory_space<vmem>>) semaphore(%run_scoped3A : memref<!tpu.dma_semaphore, #tpu.memory_space<semaphore_mem>>) {add = true}
        %dma_wait3A_259 = arith.constant 625 : i32
        %dma_wait3A_260 = arith.constant 0 : i32
        %dma_wait3A_261 = tpu.memref_slice %arg8[%dma_wait3A_259, %dma_wait3A_260] : memref<1000x64xf32, #tpu.memory_space<vmem>> -> memref<125x64xf32, #tpu.memory_space<vmem>>
        %dma_wait3A_262 = arith.constant 0 : i32
        %dma_wait3A_263 = tpu.memref_slice %arg7[%add3A_241, %dma_wait3A_262] : memref<80x125xi32, #tpu.memory_space<vmem>> -> memref<1x125xi32, #tpu.memory_space<vmem>>
        %dma_wait3A_264 = tpu.memref_squeeze %dma_wait3A_263 : memref<1x125xi32, #tpu.memory_space<vmem>> -> memref<125xi32, #tpu.memory_space<vmem>>
        %dma_wait3A_265 = arith.constant 0 : i32
        %dma_wait3A_266 = arith.constant 0 : i32
        %dma_wait3A_267 = tpu.memref_slice %arg11[%dma_wait3A_265, %dma_wait3A_266] : memref<10240x64xf32, #tpu.memory_space<vmem_shared>> -> memref<10240x64xf32, #tpu.memory_space<vmem_shared>>
        tpu.wait_indirect_dma semaphore(%run_scoped3A : memref<!tpu.dma_semaphore, #tpu.memory_space<semaphore_mem>>) src(%dma_wait3A_261 : memref<125x64xf32, #tpu.memory_space<vmem>>) dst(%dma_wait3A_267 : memref<10240x64xf32, #tpu.memory_space<vmem_shared>>)
        tpu.yield
      }) : () -> ()
      %add3A_242 = arith.constant 4 : i32
      %add3A_243 = arith.addi %mul3A_92, %add3A_242 : i32
      %add3A_244 = arith.constant 2 : i32
      %add3A_245 = arith.addi %add3A_243, %add3A_244 : i32
      "tpu.region"() ({
        %run_scoped3A = tpu.sem_alloc : memref<!tpu.dma_semaphore, #tpu.memory_space<semaphore_mem>>
        %dma_start3A_250 = arith.constant 750 : i32
        %dma_start3A_251 = arith.constant 0 : i32
        %dma_start3A_252 = tpu.memref_slice %arg8[%dma_start3A_250, %dma_start3A_251] : memref<1000x64xf32, #tpu.memory_space<vmem>> -> memref<125x64xf32, #tpu.memory_space<vmem>>
        %dma_start3A_253 = arith.constant 0 : i32
        %dma_start3A_254 = tpu.memref_slice %arg7[%add3A_245, %dma_start3A_253] : memref<80x125xi32, #tpu.memory_space<vmem>> -> memref<1x125xi32, #tpu.memory_space<vmem>>
        %dma_start3A_255 = tpu.memref_squeeze %dma_start3A_254 : memref<1x125xi32, #tpu.memory_space<vmem>> -> memref<125xi32, #tpu.memory_space<vmem>>
        %dma_start3A_256 = arith.constant 0 : i32
        %dma_start3A_257 = arith.constant 0 : i32
        %dma_start3A_258 = tpu.memref_slice %arg11[%dma_start3A_256, %dma_start3A_257] : memref<10240x64xf32, #tpu.memory_space<vmem_shared>> -> memref<10240x64xf32, #tpu.memory_space<vmem_shared>>
        tpu.enqueue_indirect_dma source(%dma_start3A_252 : memref<125x64xf32, #tpu.memory_space<vmem>>) target(%dma_start3A_258 : memref<10240x64xf32, #tpu.memory_space<vmem_shared>>) offsets(%dma_start3A_255 : memref<125xi32, #tpu.memory_space<vmem>>) semaphore(%run_scoped3A : memref<!tpu.dma_semaphore, #tpu.memory_space<semaphore_mem>>) {add = true}
        %dma_wait3A_259 = arith.constant 750 : i32
        %dma_wait3A_260 = arith.constant 0 : i32
        %dma_wait3A_261 = tpu.memref_slice %arg8[%dma_wait3A_259, %dma_wait3A_260] : memref<1000x64xf32, #tpu.memory_space<vmem>> -> memref<125x64xf32, #tpu.memory_space<vmem>>
        %dma_wait3A_262 = arith.constant 0 : i32
        %dma_wait3A_263 = tpu.memref_slice %arg7[%add3A_245, %dma_wait3A_262] : memref<80x125xi32, #tpu.memory_space<vmem>> -> memref<1x125xi32, #tpu.memory_space<vmem>>
        %dma_wait3A_264 = tpu.memref_squeeze %dma_wait3A_263 : memref<1x125xi32, #tpu.memory_space<vmem>> -> memref<125xi32, #tpu.memory_space<vmem>>
        %dma_wait3A_265 = arith.constant 0 : i32
        %dma_wait3A_266 = arith.constant 0 : i32
        %dma_wait3A_267 = tpu.memref_slice %arg11[%dma_wait3A_265, %dma_wait3A_266] : memref<10240x64xf32, #tpu.memory_space<vmem_shared>> -> memref<10240x64xf32, #tpu.memory_space<vmem_shared>>
        tpu.wait_indirect_dma semaphore(%run_scoped3A : memref<!tpu.dma_semaphore, #tpu.memory_space<semaphore_mem>>) src(%dma_wait3A_261 : memref<125x64xf32, #tpu.memory_space<vmem>>) dst(%dma_wait3A_267 : memref<10240x64xf32, #tpu.memory_space<vmem_shared>>)
        tpu.yield
      }) : () -> ()
      %add3A_246 = arith.constant 4 : i32
      %add3A_247 = arith.addi %mul3A_92, %add3A_246 : i32
      %add3A_248 = arith.constant 3 : i32
      %add3A_249 = arith.addi %add3A_247, %add3A_248 : i32
      "tpu.region"() ({
        %run_scoped3A = tpu.sem_alloc : memref<!tpu.dma_semaphore, #tpu.memory_space<semaphore_mem>>
        %dma_start3A_250 = arith.constant 875 : i32
        %dma_start3A_251 = arith.constant 0 : i32
        %dma_start3A_252 = tpu.memref_slice %arg8[%dma_start3A_250, %dma_start3A_251] : memref<1000x64xf32, #tpu.memory_space<vmem>> -> memref<125x64xf32, #tpu.memory_space<vmem>>
        %dma_start3A_253 = arith.constant 0 : i32
        %dma_start3A_254 = tpu.memref_slice %arg7[%add3A_249, %dma_start3A_253] : memref<80x125xi32, #tpu.memory_space<vmem>> -> memref<1x125xi32, #tpu.memory_space<vmem>>
        %dma_start3A_255 = tpu.memref_squeeze %dma_start3A_254 : memref<1x125xi32, #tpu.memory_space<vmem>> -> memref<125xi32, #tpu.memory_space<vmem>>
        %dma_start3A_256 = arith.constant 0 : i32
        %dma_start3A_257 = arith.constant 0 : i32
        %dma_start3A_258 = tpu.memref_slice %arg11[%dma_start3A_256, %dma_start3A_257] : memref<10240x64xf32, #tpu.memory_space<vmem_shared>> -> memref<10240x64xf32, #tpu.memory_space<vmem_shared>>
        tpu.enqueue_indirect_dma source(%dma_start3A_252 : memref<125x64xf32, #tpu.memory_space<vmem>>) target(%dma_start3A_258 : memref<10240x64xf32, #tpu.memory_space<vmem_shared>>) offsets(%dma_start3A_255 : memref<125xi32, #tpu.memory_space<vmem>>) semaphore(%run_scoped3A : memref<!tpu.dma_semaphore, #tpu.memory_space<semaphore_mem>>) {add = true}
        %dma_wait3A_259 = arith.constant 875 : i32
        %dma_wait3A_260 = arith.constant 0 : i32
        %dma_wait3A_261 = tpu.memref_slice %arg8[%dma_wait3A_259, %dma_wait3A_260] : memref<1000x64xf32, #tpu.memory_space<vmem>> -> memref<125x64xf32, #tpu.memory_space<vmem>>
        %dma_wait3A_262 = arith.constant 0 : i32
        %dma_wait3A_263 = tpu.memref_slice %arg7[%add3A_249, %dma_wait3A_262] : memref<80x125xi32, #tpu.memory_space<vmem>> -> memref<1x125xi32, #tpu.memory_space<vmem>>
        %dma_wait3A_264 = tpu.memref_squeeze %dma_wait3A_263 : memref<1x125xi32, #tpu.memory_space<vmem>> -> memref<125xi32, #tpu.memory_space<vmem>>
        %dma_wait3A_265 = arith.constant 0 : i32
        %dma_wait3A_266 = arith.constant 0 : i32
        %dma_wait3A_267 = tpu.memref_slice %arg11[%dma_wait3A_265, %dma_wait3A_266] : memref<10240x64xf32, #tpu.memory_space<vmem_shared>> -> memref<10240x64xf32, #tpu.memory_space<vmem_shared>>
        tpu.wait_indirect_dma semaphore(%run_scoped3A : memref<!tpu.dma_semaphore, #tpu.memory_space<semaphore_mem>>) src(%dma_wait3A_261 : memref<125x64xf32, #tpu.memory_space<vmem>>) dst(%dma_wait3A_267 : memref<10240x64xf32, #tpu.memory_space<vmem_shared>>)
        tpu.yield
      }) : () -> ()
    }
    %scan3A_82 = arith.constant 10 : i32
    %barrier3A_83 = arith.constant 0 : index
    tpu.barrier barrier_id(%barrier3A_83)
    %mul3A_84 = arith.constant 640 : i32
    %mul3A_85 = arith.muli %arg1, %mul3A_84 : i32
    %mul3A_86 = arith.constant 640 : i32
    %mul3A_87 = arith.muli %arg1, %mul3A_86 : i32
    "tpu.region"() ({
      %run_scoped3A = tpu.sem_alloc : memref<!tpu.dma_semaphore, #tpu.memory_space<semaphore_mem>>
      %dma_start3A_88 = arith.constant 0 : i32
      %dma_start3A_89 = tpu.memref_slice %arg5[%arg0, %mul3A_87, %dma_start3A_88] : memref<2x10240x64xf32, #tpu.memory_space<hbm>> -> memref<1x640x64xf32, #tpu.memory_space<hbm>>
      %dma_start3A_90 = tpu.memref_squeeze %dma_start3A_89 : memref<1x640x64xf32, #tpu.memory_space<hbm>> -> memref<640x64xf32, #tpu.memory_space<hbm>>
      %dma_start3A_91 = arith.constant 0 : i32
      %dma_start3A_92 = tpu.memref_slice %arg11[%mul3A_85, %dma_start3A_91] : memref<10240x64xf32, #tpu.memory_space<vmem_shared>> -> memref<640x64xf32, #tpu.memory_space<vmem_shared>>
      tpu.enqueue_dma source(%dma_start3A_92 : memref<640x64xf32, #tpu.memory_space<vmem_shared>>) target(%dma_start3A_90 : memref<640x64xf32, #tpu.memory_space<hbm>>) target_semaphore(%run_scoped3A : memref<!tpu.dma_semaphore, #tpu.memory_space<semaphore_mem>>)
      %dma_wait3A_93 = arith.constant 0 : i32
      %dma_wait3A_94 = tpu.memref_slice %arg5[%arg0, %mul3A_87, %dma_wait3A_93] : memref<2x10240x64xf32, #tpu.memory_space<hbm>> -> memref<1x640x64xf32, #tpu.memory_space<hbm>>
      %dma_wait3A_95 = tpu.memref_squeeze %dma_wait3A_94 : memref<1x640x64xf32, #tpu.memory_space<hbm>> -> memref<640x64xf32, #tpu.memory_space<hbm>>
      %dma_wait3A_96 = arith.constant 0 : i32
      %dma_wait3A_97 = tpu.memref_slice %arg11[%mul3A_85, %dma_wait3A_96] : memref<10240x64xf32, #tpu.memory_space<vmem_shared>> -> memref<640x64xf32, #tpu.memory_space<vmem_shared>>
      tpu.wait_dma2 semaphore(%run_scoped3A : memref<!tpu.dma_semaphore, #tpu.memory_space<semaphore_mem>>) src(%dma_wait3A_97 : memref<640x64xf32, #tpu.memory_space<vmem_shared>>) dst(%dma_wait3A_95 : memref<640x64xf32, #tpu.memory_space<hbm>>)
      tpu.yield
    }) : () -> ()
    return
  }
}

#map = affine_map<(d0, d1) -> (0, 0)>
#map1 = affine_map<(d0, d1) -> (0, 0, 0)>
module attributes {stable_mosaic.version = 14 : i64} {
  func.func @_agg_body(%arg0: i32, %arg1: i32, %arg2: memref<10240x32xf32, #tpu.memory_space<hbm>>, %arg3: memref<16x160x125xi32, #tpu.memory_space<hbm>>, %arg4: memref<16x160x125xi32, #tpu.memory_space<hbm>>, %arg5: memref<2x10240x32xf32, #tpu.memory_space<hbm>>, %arg6: memref<80x125xi32, #tpu.memory_space<vmem>>, %arg7: memref<80x125xi32, #tpu.memory_space<vmem>>, %arg8: memref<2000x32xf32, #tpu.memory_space<vmem>>, %arg9: memref<!tpu.dma_semaphore, #tpu.memory_space<semaphore_mem>>, %arg10: memref<!tpu.dma_semaphore, #tpu.memory_space<semaphore_mem>>, %arg11: memref<10240x32xf32, #tpu.memory_space<vmem_shared>>) attributes {dimension_semantics = [#tpu.dimension_semantics<core_parallel>, #tpu.dimension_semantics<subcore_parallel>], iteration_bounds = array<i64: 2, 16>, scalar_prefetch = 0 : i64, scratch_operands = 6 : i64, tpu.core_type = #tpu.core_type<sc_vector_subcore>, window_params = [{transform_indices = #map}, {transform_indices = #map1}, {transform_indices = #map1}, {transform_indices = #map1}]} {
    %broadcast_in_dim3A = arith.constant 0.000000e+00 : f32
    %broadcast_in_dim3A_0 = vector.broadcast %broadcast_in_dim3A : f32 to vector<16xf32>
    %mul3A = arith.constant 80 : i32
    %mul3A_1 = arith.muli %arg0, %mul3A : i32
    %dma_start3A = arith.constant 0 : i32
    %dma_start3A_2 = tpu.memref_slice %arg3[%arg1, %mul3A_1, %dma_start3A] : memref<16x160x125xi32, #tpu.memory_space<hbm>> -> memref<1x80x125xi32, #tpu.memory_space<hbm>>
    %dma_start3A_3 = tpu.memref_squeeze %dma_start3A_2 : memref<1x80x125xi32, #tpu.memory_space<hbm>> -> memref<80x125xi32, #tpu.memory_space<hbm>>
    %dma_start3A_4 = arith.constant 0 : i32
    %dma_start3A_5 = tpu.memref_slice %arg3[%arg1, %mul3A_1, %dma_start3A_4] : memref<16x160x125xi32, #tpu.memory_space<hbm>> -> memref<1x80x125xi32, #tpu.memory_space<hbm>>
    %dma_start3A_6 = tpu.memref_squeeze %dma_start3A_5 : memref<1x80x125xi32, #tpu.memory_space<hbm>> -> memref<80x125xi32, #tpu.memory_space<hbm>>
    tpu.enqueue_dma source(%dma_start3A_6 : memref<80x125xi32, #tpu.memory_space<hbm>>) target(%arg6 : memref<80x125xi32, #tpu.memory_space<vmem>>) target_semaphore(%arg9 : memref<!tpu.dma_semaphore, #tpu.memory_space<semaphore_mem>>)
    %mul3A_7 = arith.constant 80 : i32
    %mul3A_8 = arith.muli %arg0, %mul3A_7 : i32
    %dma_start3A_9 = arith.constant 0 : i32
    %dma_start3A_10 = tpu.memref_slice %arg4[%arg1, %mul3A_8, %dma_start3A_9] : memref<16x160x125xi32, #tpu.memory_space<hbm>> -> memref<1x80x125xi32, #tpu.memory_space<hbm>>
    %dma_start3A_11 = tpu.memref_squeeze %dma_start3A_10 : memref<1x80x125xi32, #tpu.memory_space<hbm>> -> memref<80x125xi32, #tpu.memory_space<hbm>>
    %dma_start3A_12 = arith.constant 0 : i32
    %dma_start3A_13 = tpu.memref_slice %arg4[%arg1, %mul3A_8, %dma_start3A_12] : memref<16x160x125xi32, #tpu.memory_space<hbm>> -> memref<1x80x125xi32, #tpu.memory_space<hbm>>
    %dma_start3A_14 = tpu.memref_squeeze %dma_start3A_13 : memref<1x80x125xi32, #tpu.memory_space<hbm>> -> memref<80x125xi32, #tpu.memory_space<hbm>>
    tpu.enqueue_dma source(%dma_start3A_14 : memref<80x125xi32, #tpu.memory_space<hbm>>) target(%arg7 : memref<80x125xi32, #tpu.memory_space<vmem>>) target_semaphore(%arg10 : memref<!tpu.dma_semaphore, #tpu.memory_space<semaphore_mem>>)
    %scan3A = arith.constant 0 : i32
    %scan3A_15 = arith.constant 0 : i32
    %scan3A_16 = arith.constant 640 : i32
    %scan3A_17 = arith.addi %scan3A_15, %scan3A_16 : i32
    %scan3A_18 = arith.constant 1 : i32
    scf.for %scan3A_128 = %scan3A_15 to %scan3A_17 step %scan3A_18  : i32 {
      %swap3A = arith.index_cast %scan3A_128 : i32 to index
      %swap3A_129 = arith.constant 0 : index
      %swap3A_130 = tpu.vector_load %arg8[%swap3A, %swap3A_129] {strides = array<i32>} : memref<2000x32xf32, #tpu.memory_space<vmem>>, vector<16xf32>,
      tpu.vector_store %arg8[%swap3A, %swap3A_129], %broadcast_in_dim3A_0 {strides = array<i32>} : memref<2000x32xf32, #tpu.memory_space<vmem>>, vector<16xf32>,
      %swap3A_131 = arith.index_cast %scan3A_128 : i32 to index
      %swap3A_132 = arith.constant 16 : index
      %swap3A_133 = tpu.vector_load %arg8[%swap3A_131, %swap3A_132] {strides = array<i32>} : memref<2000x32xf32, #tpu.memory_space<vmem>>, vector<16xf32>,
      tpu.vector_store %arg8[%swap3A_131, %swap3A_132], %broadcast_in_dim3A_0 {strides = array<i32>} : memref<2000x32xf32, #tpu.memory_space<vmem>>, vector<16xf32>,
    }
    %scan3A_19 = arith.constant 640 : i32
    %mul3A_20 = arith.constant 640 : i32
    %mul3A_21 = arith.muli %arg1, %mul3A_20 : i32
    "tpu.region"() ({
      %run_scoped3A = tpu.sem_alloc : memref<!tpu.dma_semaphore, #tpu.memory_space<semaphore_mem>>
      %dma_start3A_128 = arith.constant 0 : i32
      %dma_start3A_129 = arith.constant 0 : i32
      %dma_start3A_130 = tpu.memref_slice %arg8[%dma_start3A_128, %dma_start3A_129] : memref<2000x32xf32, #tpu.memory_space<vmem>> -> memref<640x32xf32, #tpu.memory_space<vmem>>
      %dma_start3A_131 = arith.constant 0 : i32
      %dma_start3A_132 = tpu.memref_slice %arg11[%mul3A_21, %dma_start3A_131] : memref<10240x32xf32, #tpu.memory_space<vmem_shared>> -> memref<640x32xf32, #tpu.memory_space<vmem_shared>>
      %dma_start3A_133 = arith.constant 0 : i32
      %dma_start3A_134 = tpu.memref_slice %arg11[%mul3A_21, %dma_start3A_133] : memref<10240x32xf32, #tpu.memory_space<vmem_shared>> -> memref<640x32xf32, #tpu.memory_space<vmem_shared>>
      %dma_start3A_135 = arith.constant 0 : i32
      %dma_start3A_136 = arith.constant 0 : i32
      %dma_start3A_137 = tpu.memref_slice %arg8[%dma_start3A_135, %dma_start3A_136] : memref<2000x32xf32, #tpu.memory_space<vmem>> -> memref<640x32xf32, #tpu.memory_space<vmem>>
      tpu.enqueue_dma source(%dma_start3A_137 : memref<640x32xf32, #tpu.memory_space<vmem>>) target(%dma_start3A_134 : memref<640x32xf32, #tpu.memory_space<vmem_shared>>) target_semaphore(%run_scoped3A : memref<!tpu.dma_semaphore, #tpu.memory_space<semaphore_mem>>)
      %dma_wait3A_138 = arith.constant 0 : i32
      %dma_wait3A_139 = arith.constant 0 : i32
      %dma_wait3A_140 = tpu.memref_slice %arg8[%dma_wait3A_138, %dma_wait3A_139] : memref<2000x32xf32, #tpu.memory_space<vmem>> -> memref<640x32xf32, #tpu.memory_space<vmem>>
      %dma_wait3A_141 = arith.constant 0 : i32
      %dma_wait3A_142 = tpu.memref_slice %arg11[%mul3A_21, %dma_wait3A_141] : memref<10240x32xf32, #tpu.memory_space<vmem_shared>> -> memref<640x32xf32, #tpu.memory_space<vmem_shared>>
      %dma_wait3A_143 = arith.constant 0 : i32
      %dma_wait3A_144 = tpu.memref_slice %arg11[%mul3A_21, %dma_wait3A_143] : memref<10240x32xf32, #tpu.memory_space<vmem_shared>> -> memref<640x32xf32, #tpu.memory_space<vmem_shared>>
      %dma_wait3A_145 = arith.constant 0 : i32
      %dma_wait3A_146 = arith.constant 0 : i32
      %dma_wait3A_147 = tpu.memref_slice %arg8[%dma_wait3A_145, %dma_wait3A_146] : memref<2000x32xf32, #tpu.memory_space<vmem>> -> memref<640x32xf32, #tpu.memory_space<vmem>>
      tpu.wait_dma2 semaphore(%run_scoped3A : memref<!tpu.dma_semaphore, #tpu.memory_space<semaphore_mem>>) src(%dma_wait3A_147 : memref<640x32xf32, #tpu.memory_space<vmem>>) dst(%dma_wait3A_144 : memref<640x32xf32, #tpu.memory_space<vmem_shared>>)
      tpu.yield
    }) : () -> ()
    %mul3A_22 = arith.constant 80 : i32
    %mul3A_23 = arith.muli %arg0, %mul3A_22 : i32
    %dma_wait3A = arith.constant 0 : i32
    %dma_wait3A_24 = tpu.memref_slice %arg3[%arg1, %mul3A_23, %dma_wait3A] : memref<16x160x125xi32, #tpu.memory_space<hbm>> -> memref<1x80x125xi32, #tpu.memory_space<hbm>>
    %dma_wait3A_25 = tpu.memref_squeeze %dma_wait3A_24 : memref<1x80x125xi32, #tpu.memory_space<hbm>> -> memref<80x125xi32, #tpu.memory_space<hbm>>
    %dma_wait3A_26 = arith.constant 0 : i32
    %dma_wait3A_27 = tpu.memref_slice %arg3[%arg1, %mul3A_23, %dma_wait3A_26] : memref<16x160x125xi32, #tpu.memory_space<hbm>> -> memref<1x80x125xi32, #tpu.memory_space<hbm>>
    %dma_wait3A_28 = tpu.memref_squeeze %dma_wait3A_27 : memref<1x80x125xi32, #tpu.memory_space<hbm>> -> memref<80x125xi32, #tpu.memory_space<hbm>>
    tpu.wait_dma2 semaphore(%arg9 : memref<!tpu.dma_semaphore, #tpu.memory_space<semaphore_mem>>) src(%dma_wait3A_28 : memref<80x125xi32, #tpu.memory_space<hbm>>) dst(%arg6 : memref<80x125xi32, #tpu.memory_space<vmem>>)
    %mul3A_29 = arith.constant 80 : i32
    %mul3A_30 = arith.muli %arg0, %mul3A_29 : i32
    %dma_wait3A_31 = arith.constant 0 : i32
    %dma_wait3A_32 = tpu.memref_slice %arg4[%arg1, %mul3A_30, %dma_wait3A_31] : memref<16x160x125xi32, #tpu.memory_space<hbm>> -> memref<1x80x125xi32, #tpu.memory_space<hbm>>
    %dma_wait3A_33 = tpu.memref_squeeze %dma_wait3A_32 : memref<1x80x125xi32, #tpu.memory_space<hbm>> -> memref<80x125xi32, #tpu.memory_space<hbm>>
    %dma_wait3A_34 = arith.constant 0 : i32
    %dma_wait3A_35 = tpu.memref_slice %arg4[%arg1, %mul3A_30, %dma_wait3A_34] : memref<16x160x125xi32, #tpu.memory_space<hbm>> -> memref<1x80x125xi32, #tpu.memory_space<hbm>>
    %dma_wait3A_36 = tpu.memref_squeeze %dma_wait3A_35 : memref<1x80x125xi32, #tpu.memory_space<hbm>> -> memref<80x125xi32, #tpu.memory_space<hbm>>
    tpu.wait_dma2 semaphore(%arg10 : memref<!tpu.dma_semaphore, #tpu.memory_space<semaphore_mem>>) src(%dma_wait3A_36 : memref<80x125xi32, #tpu.memory_space<hbm>>) dst(%arg7 : memref<80x125xi32, #tpu.memory_space<vmem>>)
    %barrier3A = arith.constant 0 : index
    tpu.barrier barrier_id(%barrier3A)
    %dma_start3A_37 = arith.constant 0 : i32
    %dma_start3A_38 = arith.constant 0 : i32
    %dma_start3A_39 = arith.constant 0 : i32
    %dma_start3A_40 = tpu.memref_slice %arg8[%dma_start3A_38, %dma_start3A_39] : memref<2000x32xf32, #tpu.memory_space<vmem>> -> memref<125x32xf32, #tpu.memory_space<vmem>>
    %dma_start3A_41 = arith.constant 0 : i32
    %dma_start3A_42 = tpu.memref_slice %arg6[%dma_start3A_37, %dma_start3A_41] : memref<80x125xi32, #tpu.memory_space<vmem>> -> memref<1x125xi32, #tpu.memory_space<vmem>>
    %dma_start3A_43 = tpu.memref_squeeze %dma_start3A_42 : memref<1x125xi32, #tpu.memory_space<vmem>> -> memref<125xi32, #tpu.memory_space<vmem>>
    %dma_start3A_44 = arith.constant 0 : i32
    %dma_start3A_45 = arith.constant 0 : i32
    %dma_start3A_46 = tpu.memref_slice %arg2[%dma_start3A_44, %dma_start3A_45] : memref<10240x32xf32, #tpu.memory_space<hbm>> -> memref<10240x32xf32, #tpu.memory_space<hbm>>
    tpu.enqueue_indirect_dma source(%dma_start3A_46 : memref<10240x32xf32, #tpu.memory_space<hbm>>) target(%dma_start3A_40 : memref<125x32xf32, #tpu.memory_space<vmem>>) offsets(%dma_start3A_43 : memref<125xi32, #tpu.memory_space<vmem>>) semaphore(%arg9 : memref<!tpu.dma_semaphore, #tpu.memory_space<semaphore_mem>>)
    %dma_start3A_47 = arith.constant 1 : i32
    %dma_start3A_48 = arith.constant 125 : i32
    %dma_start3A_49 = arith.constant 0 : i32
    %dma_start3A_50 = tpu.memref_slice %arg8[%dma_start3A_48, %dma_start3A_49] : memref<2000x32xf32, #tpu.memory_space<vmem>> -> memref<125x32xf32, #tpu.memory_space<vmem>>
    %dma_start3A_51 = arith.constant 0 : i32
    %dma_start3A_52 = tpu.memref_slice %arg6[%dma_start3A_47, %dma_start3A_51] : memref<80x125xi32, #tpu.memory_space<vmem>> -> memref<1x125xi32, #tpu.memory_space<vmem>>
    %dma_start3A_53 = tpu.memref_squeeze %dma_start3A_52 : memref<1x125xi32, #tpu.memory_space<vmem>> -> memref<125xi32, #tpu.memory_space<vmem>>
    %dma_start3A_54 = arith.constant 0 : i32
    %dma_start3A_55 = arith.constant 0 : i32
    %dma_start3A_56 = tpu.memref_slice %arg2[%dma_start3A_54, %dma_start3A_55] : memref<10240x32xf32, #tpu.memory_space<hbm>> -> memref<10240x32xf32, #tpu.memory_space<hbm>>
    tpu.enqueue_indirect_dma source(%dma_start3A_56 : memref<10240x32xf32, #tpu.memory_space<hbm>>) target(%dma_start3A_50 : memref<125x32xf32, #tpu.memory_space<vmem>>) offsets(%dma_start3A_53 : memref<125xi32, #tpu.memory_space<vmem>>) semaphore(%arg9 : memref<!tpu.dma_semaphore, #tpu.memory_space<semaphore_mem>>)
    %dma_start3A_57 = arith.constant 2 : i32
    %dma_start3A_58 = arith.constant 250 : i32
    %dma_start3A_59 = arith.constant 0 : i32
    %dma_start3A_60 = tpu.memref_slice %arg8[%dma_start3A_58, %dma_start3A_59] : memref<2000x32xf32, #tpu.memory_space<vmem>> -> memref<125x32xf32, #tpu.memory_space<vmem>>
    %dma_start3A_61 = arith.constant 0 : i32
    %dma_start3A_62 = tpu.memref_slice %arg6[%dma_start3A_57, %dma_start3A_61] : memref<80x125xi32, #tpu.memory_space<vmem>> -> memref<1x125xi32, #tpu.memory_space<vmem>>
    %dma_start3A_63 = tpu.memref_squeeze %dma_start3A_62 : memref<1x125xi32, #tpu.memory_space<vmem>> -> memref<125xi32, #tpu.memory_space<vmem>>
    %dma_start3A_64 = arith.constant 0 : i32
    %dma_start3A_65 = arith.constant 0 : i32
    %dma_start3A_66 = tpu.memref_slice %arg2[%dma_start3A_64, %dma_start3A_65] : memref<10240x32xf32, #tpu.memory_space<hbm>> -> memref<10240x32xf32, #tpu.memory_space<hbm>>
    tpu.enqueue_indirect_dma source(%dma_start3A_66 : memref<10240x32xf32, #tpu.memory_space<hbm>>) target(%dma_start3A_60 : memref<125x32xf32, #tpu.memory_space<vmem>>) offsets(%dma_start3A_63 : memref<125xi32, #tpu.memory_space<vmem>>) semaphore(%arg9 : memref<!tpu.dma_semaphore, #tpu.memory_space<semaphore_mem>>)
    %dma_start3A_67 = arith.constant 3 : i32
    %dma_start3A_68 = arith.constant 375 : i32
    %dma_start3A_69 = arith.constant 0 : i32
    %dma_start3A_70 = tpu.memref_slice %arg8[%dma_start3A_68, %dma_start3A_69] : memref<2000x32xf32, #tpu.memory_space<vmem>> -> memref<125x32xf32, #tpu.memory_space<vmem>>
    %dma_start3A_71 = arith.constant 0 : i32
    %dma_start3A_72 = tpu.memref_slice %arg6[%dma_start3A_67, %dma_start3A_71] : memref<80x125xi32, #tpu.memory_space<vmem>> -> memref<1x125xi32, #tpu.memory_space<vmem>>
    %dma_start3A_73 = tpu.memref_squeeze %dma_start3A_72 : memref<1x125xi32, #tpu.memory_space<vmem>> -> memref<125xi32, #tpu.memory_space<vmem>>
    %dma_start3A_74 = arith.constant 0 : i32
    %dma_start3A_75 = arith.constant 0 : i32
    %dma_start3A_76 = tpu.memref_slice %arg2[%dma_start3A_74, %dma_start3A_75] : memref<10240x32xf32, #tpu.memory_space<hbm>> -> memref<10240x32xf32, #tpu.memory_space<hbm>>
    tpu.enqueue_indirect_dma source(%dma_start3A_76 : memref<10240x32xf32, #tpu.memory_space<hbm>>) target(%dma_start3A_70 : memref<125x32xf32, #tpu.memory_space<vmem>>) offsets(%dma_start3A_73 : memref<125xi32, #tpu.memory_space<vmem>>) semaphore(%arg9 : memref<!tpu.dma_semaphore, #tpu.memory_space<semaphore_mem>>)
    %dma_start3A_77 = arith.constant 4 : i32
    %dma_start3A_78 = arith.constant 500 : i32
    %dma_start3A_79 = arith.constant 0 : i32
    %dma_start3A_80 = tpu.memref_slice %arg8[%dma_start3A_78, %dma_start3A_79] : memref<2000x32xf32, #tpu.memory_space<vmem>> -> memref<125x32xf32, #tpu.memory_space<vmem>>
    %dma_start3A_81 = arith.constant 0 : i32
    %dma_start3A_82 = tpu.memref_slice %arg6[%dma_start3A_77, %dma_start3A_81] : memref<80x125xi32, #tpu.memory_space<vmem>> -> memref<1x125xi32, #tpu.memory_space<vmem>>
    %dma_start3A_83 = tpu.memref_squeeze %dma_start3A_82 : memref<1x125xi32, #tpu.memory_space<vmem>> -> memref<125xi32, #tpu.memory_space<vmem>>
    %dma_start3A_84 = arith.constant 0 : i32
    %dma_start3A_85 = arith.constant 0 : i32
    %dma_start3A_86 = tpu.memref_slice %arg2[%dma_start3A_84, %dma_start3A_85] : memref<10240x32xf32, #tpu.memory_space<hbm>> -> memref<10240x32xf32, #tpu.memory_space<hbm>>
    tpu.enqueue_indirect_dma source(%dma_start3A_86 : memref<10240x32xf32, #tpu.memory_space<hbm>>) target(%dma_start3A_80 : memref<125x32xf32, #tpu.memory_space<vmem>>) offsets(%dma_start3A_83 : memref<125xi32, #tpu.memory_space<vmem>>) semaphore(%arg9 : memref<!tpu.dma_semaphore, #tpu.memory_space<semaphore_mem>>)
    %dma_start3A_87 = arith.constant 5 : i32
    %dma_start3A_88 = arith.constant 625 : i32
    %dma_start3A_89 = arith.constant 0 : i32
    %dma_start3A_90 = tpu.memref_slice %arg8[%dma_start3A_88, %dma_start3A_89] : memref<2000x32xf32, #tpu.memory_space<vmem>> -> memref<125x32xf32, #tpu.memory_space<vmem>>
    %dma_start3A_91 = arith.constant 0 : i32
    %dma_start3A_92 = tpu.memref_slice %arg6[%dma_start3A_87, %dma_start3A_91] : memref<80x125xi32, #tpu.memory_space<vmem>> -> memref<1x125xi32, #tpu.memory_space<vmem>>
    %dma_start3A_93 = tpu.memref_squeeze %dma_start3A_92 : memref<1x125xi32, #tpu.memory_space<vmem>> -> memref<125xi32, #tpu.memory_space<vmem>>
    %dma_start3A_94 = arith.constant 0 : i32
    %dma_start3A_95 = arith.constant 0 : i32
    %dma_start3A_96 = tpu.memref_slice %arg2[%dma_start3A_94, %dma_start3A_95] : memref<10240x32xf32, #tpu.memory_space<hbm>> -> memref<10240x32xf32, #tpu.memory_space<hbm>>
    tpu.enqueue_indirect_dma source(%dma_start3A_96 : memref<10240x32xf32, #tpu.memory_space<hbm>>) target(%dma_start3A_90 : memref<125x32xf32, #tpu.memory_space<vmem>>) offsets(%dma_start3A_93 : memref<125xi32, #tpu.memory_space<vmem>>) semaphore(%arg9 : memref<!tpu.dma_semaphore, #tpu.memory_space<semaphore_mem>>)
    %dma_start3A_97 = arith.constant 6 : i32
    %dma_start3A_98 = arith.constant 750 : i32
    %dma_start3A_99 = arith.constant 0 : i32
    %dma_start3A_100 = tpu.memref_slice %arg8[%dma_start3A_98, %dma_start3A_99] : memref<2000x32xf32, #tpu.memory_space<vmem>> -> memref<125x32xf32, #tpu.memory_space<vmem>>
    %dma_start3A_101 = arith.constant 0 : i32
    %dma_start3A_102 = tpu.memref_slice %arg6[%dma_start3A_97, %dma_start3A_101] : memref<80x125xi32, #tpu.memory_space<vmem>> -> memref<1x125xi32, #tpu.memory_space<vmem>>
    %dma_start3A_103 = tpu.memref_squeeze %dma_start3A_102 : memref<1x125xi32, #tpu.memory_space<vmem>> -> memref<125xi32, #tpu.memory_space<vmem>>
    %dma_start3A_104 = arith.constant 0 : i32
    %dma_start3A_105 = arith.constant 0 : i32
    %dma_start3A_106 = tpu.memref_slice %arg2[%dma_start3A_104, %dma_start3A_105] : memref<10240x32xf32, #tpu.memory_space<hbm>> -> memref<10240x32xf32, #tpu.memory_space<hbm>>
    tpu.enqueue_indirect_dma source(%dma_start3A_106 : memref<10240x32xf32, #tpu.memory_space<hbm>>) target(%dma_start3A_100 : memref<125x32xf32, #tpu.memory_space<vmem>>) offsets(%dma_start3A_103 : memref<125xi32, #tpu.memory_space<vmem>>) semaphore(%arg9 : memref<!tpu.dma_semaphore, #tpu.memory_space<semaphore_mem>>)
    %dma_start3A_107 = arith.constant 7 : i32
    %dma_start3A_108 = arith.constant 875 : i32
    %dma_start3A_109 = arith.constant 0 : i32
    %dma_start3A_110 = tpu.memref_slice %arg8[%dma_start3A_108, %dma_start3A_109] : memref<2000x32xf32, #tpu.memory_space<vmem>> -> memref<125x32xf32, #tpu.memory_space<vmem>>
    %dma_start3A_111 = arith.constant 0 : i32
    %dma_start3A_112 = tpu.memref_slice %arg6[%dma_start3A_107, %dma_start3A_111] : memref<80x125xi32, #tpu.memory_space<vmem>> -> memref<1x125xi32, #tpu.memory_space<vmem>>
    %dma_start3A_113 = tpu.memref_squeeze %dma_start3A_112 : memref<1x125xi32, #tpu.memory_space<vmem>> -> memref<125xi32, #tpu.memory_space<vmem>>
    %dma_start3A_114 = arith.constant 0 : i32
    %dma_start3A_115 = arith.constant 0 : i32
    %dma_start3A_116 = tpu.memref_slice %arg2[%dma_start3A_114, %dma_start3A_115] : memref<10240x32xf32, #tpu.memory_space<hbm>> -> memref<10240x32xf32, #tpu.memory_space<hbm>>
    tpu.enqueue_indirect_dma source(%dma_start3A_116 : memref<10240x32xf32, #tpu.memory_space<hbm>>) target(%dma_start3A_110 : memref<125x32xf32, #tpu.memory_space<vmem>>) offsets(%dma_start3A_113 : memref<125xi32, #tpu.memory_space<vmem>>) semaphore(%arg9 : memref<!tpu.dma_semaphore, #tpu.memory_space<semaphore_mem>>)
    %scan3A_117 = arith.constant 0 : i32
    %scan3A_118 = arith.constant 0 : i32
    %scan3A_119 = arith.constant 5 : i32
    %scan3A_120 = arith.addi %scan3A_118, %scan3A_119 : i32
    %scan3A_121 = arith.constant 1 : i32
    scf.for %scan3A_128 = %scan3A_118 to %scan3A_120 step %scan3A_121  : i32 {
      %mul3A_129 = arith.constant 2 : i32
      %mul3A_130 = arith.muli %mul3A_129, %scan3A_128 : i32
      %mul3A_131 = arith.constant 8 : i32
      %mul3A_132 = arith.muli %mul3A_130, %mul3A_131 : i32
      %add3A = arith.constant 8 : i32
      %add3A_133 = arith.addi %mul3A_132, %add3A : i32
      %add3A_134 = arith.constant 0 : i32
      %add3A_135 = arith.addi %add3A_133, %add3A_134 : i32
      %dma_start3A_136 = arith.constant 1000 : i32
      %dma_start3A_137 = arith.constant 0 : i32
      %dma_start3A_138 = tpu.memref_slice %arg8[%dma_start3A_136, %dma_start3A_137] : memref<2000x32xf32, #tpu.memory_space<vmem>> -> memref<125x32xf32, #tpu.memory_space<vmem>>
      %dma_start3A_139 = arith.constant 0 : i32
      %dma_start3A_140 = tpu.memref_slice %arg6[%add3A_135, %dma_start3A_139] : memref<80x125xi32, #tpu.memory_space<vmem>> -> memref<1x125xi32, #tpu.memory_space<vmem>>
      %dma_start3A_141 = tpu.memref_squeeze %dma_start3A_140 : memref<1x125xi32, #tpu.memory_space<vmem>> -> memref<125xi32, #tpu.memory_space<vmem>>
      %dma_start3A_142 = arith.constant 0 : i32
      %dma_start3A_143 = arith.constant 0 : i32
      %dma_start3A_144 = tpu.memref_slice %arg2[%dma_start3A_142, %dma_start3A_143] : memref<10240x32xf32, #tpu.memory_space<hbm>> -> memref<10240x32xf32, #tpu.memory_space<hbm>>
      tpu.enqueue_indirect_dma source(%dma_start3A_144 : memref<10240x32xf32, #tpu.memory_space<hbm>>) target(%dma_start3A_138 : memref<125x32xf32, #tpu.memory_space<vmem>>) offsets(%dma_start3A_141 : memref<125xi32, #tpu.memory_space<vmem>>) semaphore(%arg10 : memref<!tpu.dma_semaphore, #tpu.memory_space<semaphore_mem>>)
      %add3A_145 = arith.constant 8 : i32
      %add3A_146 = arith.addi %mul3A_132, %add3A_145 : i32
      %add3A_147 = arith.constant 1 : i32
      %add3A_148 = arith.addi %add3A_146, %add3A_147 : i32
      %dma_start3A_149 = arith.constant 1125 : i32
      %dma_start3A_150 = arith.constant 0 : i32
      %dma_start3A_151 = tpu.memref_slice %arg8[%dma_start3A_149, %dma_start3A_150] : memref<2000x32xf32, #tpu.memory_space<vmem>> -> memref<125x32xf32, #tpu.memory_space<vmem>>
      %dma_start3A_152 = arith.constant 0 : i32
      %dma_start3A_153 = tpu.memref_slice %arg6[%add3A_148, %dma_start3A_152] : memref<80x125xi32, #tpu.memory_space<vmem>> -> memref<1x125xi32, #tpu.memory_space<vmem>>
      %dma_start3A_154 = tpu.memref_squeeze %dma_start3A_153 : memref<1x125xi32, #tpu.memory_space<vmem>> -> memref<125xi32, #tpu.memory_space<vmem>>
      %dma_start3A_155 = arith.constant 0 : i32
      %dma_start3A_156 = arith.constant 0 : i32
      %dma_start3A_157 = tpu.memref_slice %arg2[%dma_start3A_155, %dma_start3A_156] : memref<10240x32xf32, #tpu.memory_space<hbm>> -> memref<10240x32xf32, #tpu.memory_space<hbm>>
      tpu.enqueue_indirect_dma source(%dma_start3A_157 : memref<10240x32xf32, #tpu.memory_space<hbm>>) target(%dma_start3A_151 : memref<125x32xf32, #tpu.memory_space<vmem>>) offsets(%dma_start3A_154 : memref<125xi32, #tpu.memory_space<vmem>>) semaphore(%arg10 : memref<!tpu.dma_semaphore, #tpu.memory_space<semaphore_mem>>)
      %add3A_158 = arith.constant 8 : i32
      %add3A_159 = arith.addi %mul3A_132, %add3A_158 : i32
      %add3A_160 = arith.constant 2 : i32
      %add3A_161 = arith.addi %add3A_159, %add3A_160 : i32
      %dma_start3A_162 = arith.constant 1250 : i32
      %dma_start3A_163 = arith.constant 0 : i32
      %dma_start3A_164 = tpu.memref_slice %arg8[%dma_start3A_162, %dma_start3A_163] : memref<2000x32xf32, #tpu.memory_space<vmem>> -> memref<125x32xf32, #tpu.memory_space<vmem>>
      %dma_start3A_165 = arith.constant 0 : i32
      %dma_start3A_166 = tpu.memref_slice %arg6[%add3A_161, %dma_start3A_165] : memref<80x125xi32, #tpu.memory_space<vmem>> -> memref<1x125xi32, #tpu.memory_space<vmem>>
      %dma_start3A_167 = tpu.memref_squeeze %dma_start3A_166 : memref<1x125xi32, #tpu.memory_space<vmem>> -> memref<125xi32, #tpu.memory_space<vmem>>
      %dma_start3A_168 = arith.constant 0 : i32
      %dma_start3A_169 = arith.constant 0 : i32
      %dma_start3A_170 = tpu.memref_slice %arg2[%dma_start3A_168, %dma_start3A_169] : memref<10240x32xf32, #tpu.memory_space<hbm>> -> memref<10240x32xf32, #tpu.memory_space<hbm>>
      tpu.enqueue_indirect_dma source(%dma_start3A_170 : memref<10240x32xf32, #tpu.memory_space<hbm>>) target(%dma_start3A_164 : memref<125x32xf32, #tpu.memory_space<vmem>>) offsets(%dma_start3A_167 : memref<125xi32, #tpu.memory_space<vmem>>) semaphore(%arg10 : memref<!tpu.dma_semaphore, #tpu.memory_space<semaphore_mem>>)
      %add3A_171 = arith.constant 8 : i32
      %add3A_172 = arith.addi %mul3A_132, %add3A_171 : i32
      %add3A_173 = arith.constant 3 : i32
      %add3A_174 = arith.addi %add3A_172, %add3A_173 : i32
      %dma_start3A_175 = arith.constant 1375 : i32
      %dma_start3A_176 = arith.constant 0 : i32
      %dma_start3A_177 = tpu.memref_slice %arg8[%dma_start3A_175, %dma_start3A_176] : memref<2000x32xf32, #tpu.memory_space<vmem>> -> memref<125x32xf32, #tpu.memory_space<vmem>>
      %dma_start3A_178 = arith.constant 0 : i32
      %dma_start3A_179 = tpu.memref_slice %arg6[%add3A_174, %dma_start3A_178] : memref<80x125xi32, #tpu.memory_space<vmem>> -> memref<1x125xi32, #tpu.memory_space<vmem>>
      %dma_start3A_180 = tpu.memref_squeeze %dma_start3A_179 : memref<1x125xi32, #tpu.memory_space<vmem>> -> memref<125xi32, #tpu.memory_space<vmem>>
      %dma_start3A_181 = arith.constant 0 : i32
      %dma_start3A_182 = arith.constant 0 : i32
      %dma_start3A_183 = tpu.memref_slice %arg2[%dma_start3A_181, %dma_start3A_182] : memref<10240x32xf32, #tpu.memory_space<hbm>> -> memref<10240x32xf32, #tpu.memory_space<hbm>>
      tpu.enqueue_indirect_dma source(%dma_start3A_183 : memref<10240x32xf32, #tpu.memory_space<hbm>>) target(%dma_start3A_177 : memref<125x32xf32, #tpu.memory_space<vmem>>) offsets(%dma_start3A_180 : memref<125xi32, #tpu.memory_space<vmem>>) semaphore(%arg10 : memref<!tpu.dma_semaphore, #tpu.memory_space<semaphore_mem>>)
      %add3A_184 = arith.constant 8 : i32
      %add3A_185 = arith.addi %mul3A_132, %add3A_184 : i32
      %add3A_186 = arith.constant 4 : i32
      %add3A_187 = arith.addi %add3A_185, %add3A_186 : i32
      %dma_start3A_188 = arith.constant 1500 : i32
      %dma_start3A_189 = arith.constant 0 : i32
      %dma_start3A_190 = tpu.memref_slice %arg8[%dma_start3A_188, %dma_start3A_189] : memref<2000x32xf32, #tpu.memory_space<vmem>> -> memref<125x32xf32, #tpu.memory_space<vmem>>
      %dma_start3A_191 = arith.constant 0 : i32
      %dma_start3A_192 = tpu.memref_slice %arg6[%add3A_187, %dma_start3A_191] : memref<80x125xi32, #tpu.memory_space<vmem>> -> memref<1x125xi32, #tpu.memory_space<vmem>>
      %dma_start3A_193 = tpu.memref_squeeze %dma_start3A_192 : memref<1x125xi32, #tpu.memory_space<vmem>> -> memref<125xi32, #tpu.memory_space<vmem>>
      %dma_start3A_194 = arith.constant 0 : i32
      %dma_start3A_195 = arith.constant 0 : i32
      %dma_start3A_196 = tpu.memref_slice %arg2[%dma_start3A_194, %dma_start3A_195] : memref<10240x32xf32, #tpu.memory_space<hbm>> -> memref<10240x32xf32, #tpu.memory_space<hbm>>
      tpu.enqueue_indirect_dma source(%dma_start3A_196 : memref<10240x32xf32, #tpu.memory_space<hbm>>) target(%dma_start3A_190 : memref<125x32xf32, #tpu.memory_space<vmem>>) offsets(%dma_start3A_193 : memref<125xi32, #tpu.memory_space<vmem>>) semaphore(%arg10 : memref<!tpu.dma_semaphore, #tpu.memory_space<semaphore_mem>>)
      %add3A_197 = arith.constant 8 : i32
      %add3A_198 = arith.addi %mul3A_132, %add3A_197 : i32
      %add3A_199 = arith.constant 5 : i32
      %add3A_200 = arith.addi %add3A_198, %add3A_199 : i32
      %dma_start3A_201 = arith.constant 1625 : i32
      %dma_start3A_202 = arith.constant 0 : i32
      %dma_start3A_203 = tpu.memref_slice %arg8[%dma_start3A_201, %dma_start3A_202] : memref<2000x32xf32, #tpu.memory_space<vmem>> -> memref<125x32xf32, #tpu.memory_space<vmem>>
      %dma_start3A_204 = arith.constant 0 : i32
      %dma_start3A_205 = tpu.memref_slice %arg6[%add3A_200, %dma_start3A_204] : memref<80x125xi32, #tpu.memory_space<vmem>> -> memref<1x125xi32, #tpu.memory_space<vmem>>
      %dma_start3A_206 = tpu.memref_squeeze %dma_start3A_205 : memref<1x125xi32, #tpu.memory_space<vmem>> -> memref<125xi32, #tpu.memory_space<vmem>>
      %dma_start3A_207 = arith.constant 0 : i32
      %dma_start3A_208 = arith.constant 0 : i32
      %dma_start3A_209 = tpu.memref_slice %arg2[%dma_start3A_207, %dma_start3A_208] : memref<10240x32xf32, #tpu.memory_space<hbm>> -> memref<10240x32xf32, #tpu.memory_space<hbm>>
      tpu.enqueue_indirect_dma source(%dma_start3A_209 : memref<10240x32xf32, #tpu.memory_space<hbm>>) target(%dma_start3A_203 : memref<125x32xf32, #tpu.memory_space<vmem>>) offsets(%dma_start3A_206 : memref<125xi32, #tpu.memory_space<vmem>>) semaphore(%arg10 : memref<!tpu.dma_semaphore, #tpu.memory_space<semaphore_mem>>)
      %add3A_210 = arith.constant 8 : i32
      %add3A_211 = arith.addi %mul3A_132, %add3A_210 : i32
      %add3A_212 = arith.constant 6 : i32
      %add3A_213 = arith.addi %add3A_211, %add3A_212 : i32
      %dma_start3A_214 = arith.constant 1750 : i32
      %dma_start3A_215 = arith.constant 0 : i32
      %dma_start3A_216 = tpu.memref_slice %arg8[%dma_start3A_214, %dma_start3A_215] : memref<2000x32xf32, #tpu.memory_space<vmem>> -> memref<125x32xf32, #tpu.memory_space<vmem>>
      %dma_start3A_217 = arith.constant 0 : i32
      %dma_start3A_218 = tpu.memref_slice %arg6[%add3A_213, %dma_start3A_217] : memref<80x125xi32, #tpu.memory_space<vmem>> -> memref<1x125xi32, #tpu.memory_space<vmem>>
      %dma_start3A_219 = tpu.memref_squeeze %dma_start3A_218 : memref<1x125xi32, #tpu.memory_space<vmem>> -> memref<125xi32, #tpu.memory_space<vmem>>
      %dma_start3A_220 = arith.constant 0 : i32
      %dma_start3A_221 = arith.constant 0 : i32
      %dma_start3A_222 = tpu.memref_slice %arg2[%dma_start3A_220, %dma_start3A_221] : memref<10240x32xf32, #tpu.memory_space<hbm>> -> memref<10240x32xf32, #tpu.memory_space<hbm>>
      tpu.enqueue_indirect_dma source(%dma_start3A_222 : memref<10240x32xf32, #tpu.memory_space<hbm>>) target(%dma_start3A_216 : memref<125x32xf32, #tpu.memory_space<vmem>>) offsets(%dma_start3A_219 : memref<125xi32, #tpu.memory_space<vmem>>) semaphore(%arg10 : memref<!tpu.dma_semaphore, #tpu.memory_space<semaphore_mem>>)
      %add3A_223 = arith.constant 8 : i32
      %add3A_224 = arith.addi %mul3A_132, %add3A_223 : i32
      %add3A_225 = arith.constant 7 : i32
      %add3A_226 = arith.addi %add3A_224, %add3A_225 : i32
      %dma_start3A_227 = arith.constant 1875 : i32
      %dma_start3A_228 = arith.constant 0 : i32
      %dma_start3A_229 = tpu.memref_slice %arg8[%dma_start3A_227, %dma_start3A_228] : memref<2000x32xf32, #tpu.memory_space<vmem>> -> memref<125x32xf32, #tpu.memory_space<vmem>>
      %dma_start3A_230 = arith.constant 0 : i32
      %dma_start3A_231 = tpu.memref_slice %arg6[%add3A_226, %dma_start3A_230] : memref<80x125xi32, #tpu.memory_space<vmem>> -> memref<1x125xi32, #tpu.memory_space<vmem>>
      %dma_start3A_232 = tpu.memref_squeeze %dma_start3A_231 : memref<1x125xi32, #tpu.memory_space<vmem>> -> memref<125xi32, #tpu.memory_space<vmem>>
      %dma_start3A_233 = arith.constant 0 : i32
      %dma_start3A_234 = arith.constant 0 : i32
      %dma_start3A_235 = tpu.memref_slice %arg2[%dma_start3A_233, %dma_start3A_234] : memref<10240x32xf32, #tpu.memory_space<hbm>> -> memref<10240x32xf32, #tpu.memory_space<hbm>>
      tpu.enqueue_indirect_dma source(%dma_start3A_235 : memref<10240x32xf32, #tpu.memory_space<hbm>>) target(%dma_start3A_229 : memref<125x32xf32, #tpu.memory_space<vmem>>) offsets(%dma_start3A_232 : memref<125xi32, #tpu.memory_space<vmem>>) semaphore(%arg10 : memref<!tpu.dma_semaphore, #tpu.memory_space<semaphore_mem>>)
      %dma_wait3A_236 = arith.constant 0 : i32
      %dma_wait3A_237 = arith.constant 0 : i32
      %dma_wait3A_238 = arith.constant 0 : i32
      %dma_wait3A_239 = tpu.memref_slice %arg8[%dma_wait3A_237, %dma_wait3A_238] : memref<2000x32xf32, #tpu.memory_space<vmem>> -> memref<125x32xf32, #tpu.memory_space<vmem>>
      %dma_wait3A_240 = arith.constant 0 : i32
      %dma_wait3A_241 = tpu.memref_slice %arg6[%dma_wait3A_236, %dma_wait3A_240] : memref<80x125xi32, #tpu.memory_space<vmem>> -> memref<1x125xi32, #tpu.memory_space<vmem>>
      %dma_wait3A_242 = tpu.memref_squeeze %dma_wait3A_241 : memref<1x125xi32, #tpu.memory_space<vmem>> -> memref<125xi32, #tpu.memory_space<vmem>>
      %dma_wait3A_243 = arith.constant 0 : i32
      %dma_wait3A_244 = arith.constant 0 : i32
      %dma_wait3A_245 = tpu.memref_slice %arg2[%dma_wait3A_243, %dma_wait3A_244] : memref<10240x32xf32, #tpu.memory_space<hbm>> -> memref<10240x32xf32, #tpu.memory_space<hbm>>
      tpu.wait_indirect_dma semaphore(%arg9 : memref<!tpu.dma_semaphore, #tpu.memory_space<semaphore_mem>>) src(%dma_wait3A_245 : memref<10240x32xf32, #tpu.memory_space<hbm>>) dst(%dma_wait3A_239 : memref<125x32xf32, #tpu.memory_space<vmem>>)
      %dma_wait3A_246 = arith.constant 0 : i32
      %dma_wait3A_247 = arith.constant 125 : i32
      %dma_wait3A_248 = arith.constant 0 : i32
      %dma_wait3A_249 = tpu.memref_slice %arg8[%dma_wait3A_247, %dma_wait3A_248] : memref<2000x32xf32, #tpu.memory_space<vmem>> -> memref<125x32xf32, #tpu.memory_space<vmem>>
      %dma_wait3A_250 = arith.constant 0 : i32
      %dma_wait3A_251 = tpu.memref_slice %arg6[%dma_wait3A_246, %dma_wait3A_250] : memref<80x125xi32, #tpu.memory_space<vmem>> -> memref<1x125xi32, #tpu.memory_space<vmem>>
      %dma_wait3A_252 = tpu.memref_squeeze %dma_wait3A_251 : memref<1x125xi32, #tpu.memory_space<vmem>> -> memref<125xi32, #tpu.memory_space<vmem>>
      %dma_wait3A_253 = arith.constant 0 : i32
      %dma_wait3A_254 = arith.constant 0 : i32
      %dma_wait3A_255 = tpu.memref_slice %arg2[%dma_wait3A_253, %dma_wait3A_254] : memref<10240x32xf32, #tpu.memory_space<hbm>> -> memref<10240x32xf32, #tpu.memory_space<hbm>>
      tpu.wait_indirect_dma semaphore(%arg9 : memref<!tpu.dma_semaphore, #tpu.memory_space<semaphore_mem>>) src(%dma_wait3A_255 : memref<10240x32xf32, #tpu.memory_space<hbm>>) dst(%dma_wait3A_249 : memref<125x32xf32, #tpu.memory_space<vmem>>)
      %dma_wait3A_256 = arith.constant 0 : i32
      %dma_wait3A_257 = arith.constant 250 : i32
      %dma_wait3A_258 = arith.constant 0 : i32
      %dma_wait3A_259 = tpu.memref_slice %arg8[%dma_wait3A_257, %dma_wait3A_258] : memref<2000x32xf32, #tpu.memory_space<vmem>> -> memref<125x32xf32, #tpu.memory_space<vmem>>
      %dma_wait3A_260 = arith.constant 0 : i32
      %dma_wait3A_261 = tpu.memref_slice %arg6[%dma_wait3A_256, %dma_wait3A_260] : memref<80x125xi32, #tpu.memory_space<vmem>> -> memref<1x125xi32, #tpu.memory_space<vmem>>
      %dma_wait3A_262 = tpu.memref_squeeze %dma_wait3A_261 : memref<1x125xi32, #tpu.memory_space<vmem>> -> memref<125xi32, #tpu.memory_space<vmem>>
      %dma_wait3A_263 = arith.constant 0 : i32
      %dma_wait3A_264 = arith.constant 0 : i32
      %dma_wait3A_265 = tpu.memref_slice %arg2[%dma_wait3A_263, %dma_wait3A_264] : memref<10240x32xf32, #tpu.memory_space<hbm>> -> memref<10240x32xf32, #tpu.memory_space<hbm>>
      tpu.wait_indirect_dma semaphore(%arg9 : memref<!tpu.dma_semaphore, #tpu.memory_space<semaphore_mem>>) src(%dma_wait3A_265 : memref<10240x32xf32, #tpu.memory_space<hbm>>) dst(%dma_wait3A_259 : memref<125x32xf32, #tpu.memory_space<vmem>>)
      %dma_wait3A_266 = arith.constant 0 : i32
      %dma_wait3A_267 = arith.constant 375 : i32
      %dma_wait3A_268 = arith.constant 0 : i32
      %dma_wait3A_269 = tpu.memref_slice %arg8[%dma_wait3A_267, %dma_wait3A_268] : memref<2000x32xf32, #tpu.memory_space<vmem>> -> memref<125x32xf32, #tpu.memory_space<vmem>>
      %dma_wait3A_270 = arith.constant 0 : i32
      %dma_wait3A_271 = tpu.memref_slice %arg6[%dma_wait3A_266, %dma_wait3A_270] : memref<80x125xi32, #tpu.memory_space<vmem>> -> memref<1x125xi32, #tpu.memory_space<vmem>>
      %dma_wait3A_272 = tpu.memref_squeeze %dma_wait3A_271 : memref<1x125xi32, #tpu.memory_space<vmem>> -> memref<125xi32, #tpu.memory_space<vmem>>
      %dma_wait3A_273 = arith.constant 0 : i32
      %dma_wait3A_274 = arith.constant 0 : i32
      %dma_wait3A_275 = tpu.memref_slice %arg2[%dma_wait3A_273, %dma_wait3A_274] : memref<10240x32xf32, #tpu.memory_space<hbm>> -> memref<10240x32xf32, #tpu.memory_space<hbm>>
      tpu.wait_indirect_dma semaphore(%arg9 : memref<!tpu.dma_semaphore, #tpu.memory_space<semaphore_mem>>) src(%dma_wait3A_275 : memref<10240x32xf32, #tpu.memory_space<hbm>>) dst(%dma_wait3A_269 : memref<125x32xf32, #tpu.memory_space<vmem>>)
      %dma_wait3A_276 = arith.constant 0 : i32
      %dma_wait3A_277 = arith.constant 500 : i32
      %dma_wait3A_278 = arith.constant 0 : i32
      %dma_wait3A_279 = tpu.memref_slice %arg8[%dma_wait3A_277, %dma_wait3A_278] : memref<2000x32xf32, #tpu.memory_space<vmem>> -> memref<125x32xf32, #tpu.memory_space<vmem>>
      %dma_wait3A_280 = arith.constant 0 : i32
      %dma_wait3A_281 = tpu.memref_slice %arg6[%dma_wait3A_276, %dma_wait3A_280] : memref<80x125xi32, #tpu.memory_space<vmem>> -> memref<1x125xi32, #tpu.memory_space<vmem>>
      %dma_wait3A_282 = tpu.memref_squeeze %dma_wait3A_281 : memref<1x125xi32, #tpu.memory_space<vmem>> -> memref<125xi32, #tpu.memory_space<vmem>>
      %dma_wait3A_283 = arith.constant 0 : i32
      %dma_wait3A_284 = arith.constant 0 : i32
      %dma_wait3A_285 = tpu.memref_slice %arg2[%dma_wait3A_283, %dma_wait3A_284] : memref<10240x32xf32, #tpu.memory_space<hbm>> -> memref<10240x32xf32, #tpu.memory_space<hbm>>
      tpu.wait_indirect_dma semaphore(%arg9 : memref<!tpu.dma_semaphore, #tpu.memory_space<semaphore_mem>>) src(%dma_wait3A_285 : memref<10240x32xf32, #tpu.memory_space<hbm>>) dst(%dma_wait3A_279 : memref<125x32xf32, #tpu.memory_space<vmem>>)
      %dma_wait3A_286 = arith.constant 0 : i32
      %dma_wait3A_287 = arith.constant 625 : i32
      %dma_wait3A_288 = arith.constant 0 : i32
      %dma_wait3A_289 = tpu.memref_slice %arg8[%dma_wait3A_287, %dma_wait3A_288] : memref<2000x32xf32, #tpu.memory_space<vmem>> -> memref<125x32xf32, #tpu.memory_space<vmem>>
      %dma_wait3A_290 = arith.constant 0 : i32
      %dma_wait3A_291 = tpu.memref_slice %arg6[%dma_wait3A_286, %dma_wait3A_290] : memref<80x125xi32, #tpu.memory_space<vmem>> -> memref<1x125xi32, #tpu.memory_space<vmem>>
      %dma_wait3A_292 = tpu.memref_squeeze %dma_wait3A_291 : memref<1x125xi32, #tpu.memory_space<vmem>> -> memref<125xi32, #tpu.memory_space<vmem>>
      %dma_wait3A_293 = arith.constant 0 : i32
      %dma_wait3A_294 = arith.constant 0 : i32
      %dma_wait3A_295 = tpu.memref_slice %arg2[%dma_wait3A_293, %dma_wait3A_294] : memref<10240x32xf32, #tpu.memory_space<hbm>> -> memref<10240x32xf32, #tpu.memory_space<hbm>>
      tpu.wait_indirect_dma semaphore(%arg9 : memref<!tpu.dma_semaphore, #tpu.memory_space<semaphore_mem>>) src(%dma_wait3A_295 : memref<10240x32xf32, #tpu.memory_space<hbm>>) dst(%dma_wait3A_289 : memref<125x32xf32, #tpu.memory_space<vmem>>)
      %dma_wait3A_296 = arith.constant 0 : i32
      %dma_wait3A_297 = arith.constant 750 : i32
      %dma_wait3A_298 = arith.constant 0 : i32
      %dma_wait3A_299 = tpu.memref_slice %arg8[%dma_wait3A_297, %dma_wait3A_298] : memref<2000x32xf32, #tpu.memory_space<vmem>> -> memref<125x32xf32, #tpu.memory_space<vmem>>
      %dma_wait3A_300 = arith.constant 0 : i32
      %dma_wait3A_301 = tpu.memref_slice %arg6[%dma_wait3A_296, %dma_wait3A_300] : memref<80x125xi32, #tpu.memory_space<vmem>> -> memref<1x125xi32, #tpu.memory_space<vmem>>
      %dma_wait3A_302 = tpu.memref_squeeze %dma_wait3A_301 : memref<1x125xi32, #tpu.memory_space<vmem>> -> memref<125xi32, #tpu.memory_space<vmem>>
      %dma_wait3A_303 = arith.constant 0 : i32
      %dma_wait3A_304 = arith.constant 0 : i32
      %dma_wait3A_305 = tpu.memref_slice %arg2[%dma_wait3A_303, %dma_wait3A_304] : memref<10240x32xf32, #tpu.memory_space<hbm>> -> memref<10240x32xf32, #tpu.memory_space<hbm>>
      tpu.wait_indirect_dma semaphore(%arg9 : memref<!tpu.dma_semaphore, #tpu.memory_space<semaphore_mem>>) src(%dma_wait3A_305 : memref<10240x32xf32, #tpu.memory_space<hbm>>) dst(%dma_wait3A_299 : memref<125x32xf32, #tpu.memory_space<vmem>>)
      %dma_wait3A_306 = arith.constant 0 : i32
      %dma_wait3A_307 = arith.constant 875 : i32
      %dma_wait3A_308 = arith.constant 0 : i32
      %dma_wait3A_309 = tpu.memref_slice %arg8[%dma_wait3A_307, %dma_wait3A_308] : memref<2000x32xf32, #tpu.memory_space<vmem>> -> memref<125x32xf32, #tpu.memory_space<vmem>>
      %dma_wait3A_310 = arith.constant 0 : i32
      %dma_wait3A_311 = tpu.memref_slice %arg6[%dma_wait3A_306, %dma_wait3A_310] : memref<80x125xi32, #tpu.memory_space<vmem>> -> memref<1x125xi32, #tpu.memory_space<vmem>>
      %dma_wait3A_312 = tpu.memref_squeeze %dma_wait3A_311 : memref<1x125xi32, #tpu.memory_space<vmem>> -> memref<125xi32, #tpu.memory_space<vmem>>
      %dma_wait3A_313 = arith.constant 0 : i32
      %dma_wait3A_314 = arith.constant 0 : i32
      %dma_wait3A_315 = tpu.memref_slice %arg2[%dma_wait3A_313, %dma_wait3A_314] : memref<10240x32xf32, #tpu.memory_space<hbm>> -> memref<10240x32xf32, #tpu.memory_space<hbm>>
      tpu.wait_indirect_dma semaphore(%arg9 : memref<!tpu.dma_semaphore, #tpu.memory_space<semaphore_mem>>) src(%dma_wait3A_315 : memref<10240x32xf32, #tpu.memory_space<hbm>>) dst(%dma_wait3A_309 : memref<125x32xf32, #tpu.memory_space<vmem>>)
      %add3A_316 = arith.constant 0 : i32
      %add3A_317 = arith.addi %mul3A_132, %add3A_316 : i32
      "tpu.region"() ({
        %run_scoped3A = tpu.sem_alloc : memref<!tpu.dma_semaphore, #tpu.memory_space<semaphore_mem>>
        %dma_start3A_446 = arith.constant 0 : i32
        %dma_start3A_447 = arith.constant 0 : i32
        %dma_start3A_448 = tpu.memref_slice %arg8[%dma_start3A_446, %dma_start3A_447] : memref<2000x32xf32, #tpu.memory_space<vmem>> -> memref<125x32xf32, #tpu.memory_space<vmem>>
        %dma_start3A_449 = arith.constant 0 : i32
        %dma_start3A_450 = tpu.memref_slice %arg7[%add3A_317, %dma_start3A_449] : memref<80x125xi32, #tpu.memory_space<vmem>> -> memref<1x125xi32, #tpu.memory_space<vmem>>
        %dma_start3A_451 = tpu.memref_squeeze %dma_start3A_450 : memref<1x125xi32, #tpu.memory_space<vmem>> -> memref<125xi32, #tpu.memory_space<vmem>>
        %dma_start3A_452 = arith.constant 0 : i32
        %dma_start3A_453 = arith.constant 0 : i32
        %dma_start3A_454 = tpu.memref_slice %arg11[%dma_start3A_452, %dma_start3A_453] : memref<10240x32xf32, #tpu.memory_space<vmem_shared>> -> memref<10240x32xf32, #tpu.memory_space<vmem_shared>>
        tpu.enqueue_indirect_dma source(%dma_start3A_448 : memref<125x32xf32, #tpu.memory_space<vmem>>) target(%dma_start3A_454 : memref<10240x32xf32, #tpu.memory_space<vmem_shared>>) offsets(%dma_start3A_451 : memref<125xi32, #tpu.memory_space<vmem>>) semaphore(%run_scoped3A : memref<!tpu.dma_semaphore, #tpu.memory_space<semaphore_mem>>) {add = true}
        %dma_wait3A_455 = arith.constant 0 : i32
        %dma_wait3A_456 = arith.constant 0 : i32
        %dma_wait3A_457 = tpu.memref_slice %arg8[%dma_wait3A_455, %dma_wait3A_456] : memref<2000x32xf32, #tpu.memory_space<vmem>> -> memref<125x32xf32, #tpu.memory_space<vmem>>
        %dma_wait3A_458 = arith.constant 0 : i32
        %dma_wait3A_459 = tpu.memref_slice %arg7[%add3A_317, %dma_wait3A_458] : memref<80x125xi32, #tpu.memory_space<vmem>> -> memref<1x125xi32, #tpu.memory_space<vmem>>
        %dma_wait3A_460 = tpu.memref_squeeze %dma_wait3A_459 : memref<1x125xi32, #tpu.memory_space<vmem>> -> memref<125xi32, #tpu.memory_space<vmem>>
        %dma_wait3A_461 = arith.constant 0 : i32
        %dma_wait3A_462 = arith.constant 0 : i32
        %dma_wait3A_463 = tpu.memref_slice %arg11[%dma_wait3A_461, %dma_wait3A_462] : memref<10240x32xf32, #tpu.memory_space<vmem_shared>> -> memref<10240x32xf32, #tpu.memory_space<vmem_shared>>
        tpu.wait_indirect_dma semaphore(%run_scoped3A : memref<!tpu.dma_semaphore, #tpu.memory_space<semaphore_mem>>) src(%dma_wait3A_457 : memref<125x32xf32, #tpu.memory_space<vmem>>) dst(%dma_wait3A_463 : memref<10240x32xf32, #tpu.memory_space<vmem_shared>>)
        tpu.yield
      }) : () -> ()
      %add3A_318 = arith.constant 1 : i32
      %add3A_319 = arith.addi %mul3A_132, %add3A_318 : i32
      "tpu.region"() ({
        %run_scoped3A = tpu.sem_alloc : memref<!tpu.dma_semaphore, #tpu.memory_space<semaphore_mem>>
        %dma_start3A_446 = arith.constant 125 : i32
        %dma_start3A_447 = arith.constant 0 : i32
        %dma_start3A_448 = tpu.memref_slice %arg8[%dma_start3A_446, %dma_start3A_447] : memref<2000x32xf32, #tpu.memory_space<vmem>> -> memref<125x32xf32, #tpu.memory_space<vmem>>
        %dma_start3A_449 = arith.constant 0 : i32
        %dma_start3A_450 = tpu.memref_slice %arg7[%add3A_319, %dma_start3A_449] : memref<80x125xi32, #tpu.memory_space<vmem>> -> memref<1x125xi32, #tpu.memory_space<vmem>>
        %dma_start3A_451 = tpu.memref_squeeze %dma_start3A_450 : memref<1x125xi32, #tpu.memory_space<vmem>> -> memref<125xi32, #tpu.memory_space<vmem>>
        %dma_start3A_452 = arith.constant 0 : i32
        %dma_start3A_453 = arith.constant 0 : i32
        %dma_start3A_454 = tpu.memref_slice %arg11[%dma_start3A_452, %dma_start3A_453] : memref<10240x32xf32, #tpu.memory_space<vmem_shared>> -> memref<10240x32xf32, #tpu.memory_space<vmem_shared>>
        tpu.enqueue_indirect_dma source(%dma_start3A_448 : memref<125x32xf32, #tpu.memory_space<vmem>>) target(%dma_start3A_454 : memref<10240x32xf32, #tpu.memory_space<vmem_shared>>) offsets(%dma_start3A_451 : memref<125xi32, #tpu.memory_space<vmem>>) semaphore(%run_scoped3A : memref<!tpu.dma_semaphore, #tpu.memory_space<semaphore_mem>>) {add = true}
        %dma_wait3A_455 = arith.constant 125 : i32
        %dma_wait3A_456 = arith.constant 0 : i32
        %dma_wait3A_457 = tpu.memref_slice %arg8[%dma_wait3A_455, %dma_wait3A_456] : memref<2000x32xf32, #tpu.memory_space<vmem>> -> memref<125x32xf32, #tpu.memory_space<vmem>>
        %dma_wait3A_458 = arith.constant 0 : i32
        %dma_wait3A_459 = tpu.memref_slice %arg7[%add3A_319, %dma_wait3A_458] : memref<80x125xi32, #tpu.memory_space<vmem>> -> memref<1x125xi32, #tpu.memory_space<vmem>>
        %dma_wait3A_460 = tpu.memref_squeeze %dma_wait3A_459 : memref<1x125xi32, #tpu.memory_space<vmem>> -> memref<125xi32, #tpu.memory_space<vmem>>
        %dma_wait3A_461 = arith.constant 0 : i32
        %dma_wait3A_462 = arith.constant 0 : i32
        %dma_wait3A_463 = tpu.memref_slice %arg11[%dma_wait3A_461, %dma_wait3A_462] : memref<10240x32xf32, #tpu.memory_space<vmem_shared>> -> memref<10240x32xf32, #tpu.memory_space<vmem_shared>>
        tpu.wait_indirect_dma semaphore(%run_scoped3A : memref<!tpu.dma_semaphore, #tpu.memory_space<semaphore_mem>>) src(%dma_wait3A_457 : memref<125x32xf32, #tpu.memory_space<vmem>>) dst(%dma_wait3A_463 : memref<10240x32xf32, #tpu.memory_space<vmem_shared>>)
        tpu.yield
      }) : () -> ()
      %add3A_320 = arith.constant 2 : i32
      %add3A_321 = arith.addi %mul3A_132, %add3A_320 : i32
      "tpu.region"() ({
        %run_scoped3A = tpu.sem_alloc : memref<!tpu.dma_semaphore, #tpu.memory_space<semaphore_mem>>
        %dma_start3A_446 = arith.constant 250 : i32
        %dma_start3A_447 = arith.constant 0 : i32
        %dma_start3A_448 = tpu.memref_slice %arg8[%dma_start3A_446, %dma_start3A_447] : memref<2000x32xf32, #tpu.memory_space<vmem>> -> memref<125x32xf32, #tpu.memory_space<vmem>>
        %dma_start3A_449 = arith.constant 0 : i32
        %dma_start3A_450 = tpu.memref_slice %arg7[%add3A_321, %dma_start3A_449] : memref<80x125xi32, #tpu.memory_space<vmem>> -> memref<1x125xi32, #tpu.memory_space<vmem>>
        %dma_start3A_451 = tpu.memref_squeeze %dma_start3A_450 : memref<1x125xi32, #tpu.memory_space<vmem>> -> memref<125xi32, #tpu.memory_space<vmem>>
        %dma_start3A_452 = arith.constant 0 : i32
        %dma_start3A_453 = arith.constant 0 : i32
        %dma_start3A_454 = tpu.memref_slice %arg11[%dma_start3A_452, %dma_start3A_453] : memref<10240x32xf32, #tpu.memory_space<vmem_shared>> -> memref<10240x32xf32, #tpu.memory_space<vmem_shared>>
        tpu.enqueue_indirect_dma source(%dma_start3A_448 : memref<125x32xf32, #tpu.memory_space<vmem>>) target(%dma_start3A_454 : memref<10240x32xf32, #tpu.memory_space<vmem_shared>>) offsets(%dma_start3A_451 : memref<125xi32, #tpu.memory_space<vmem>>) semaphore(%run_scoped3A : memref<!tpu.dma_semaphore, #tpu.memory_space<semaphore_mem>>) {add = true}
        %dma_wait3A_455 = arith.constant 250 : i32
        %dma_wait3A_456 = arith.constant 0 : i32
        %dma_wait3A_457 = tpu.memref_slice %arg8[%dma_wait3A_455, %dma_wait3A_456] : memref<2000x32xf32, #tpu.memory_space<vmem>> -> memref<125x32xf32, #tpu.memory_space<vmem>>
        %dma_wait3A_458 = arith.constant 0 : i32
        %dma_wait3A_459 = tpu.memref_slice %arg7[%add3A_321, %dma_wait3A_458] : memref<80x125xi32, #tpu.memory_space<vmem>> -> memref<1x125xi32, #tpu.memory_space<vmem>>
        %dma_wait3A_460 = tpu.memref_squeeze %dma_wait3A_459 : memref<1x125xi32, #tpu.memory_space<vmem>> -> memref<125xi32, #tpu.memory_space<vmem>>
        %dma_wait3A_461 = arith.constant 0 : i32
        %dma_wait3A_462 = arith.constant 0 : i32
        %dma_wait3A_463 = tpu.memref_slice %arg11[%dma_wait3A_461, %dma_wait3A_462] : memref<10240x32xf32, #tpu.memory_space<vmem_shared>> -> memref<10240x32xf32, #tpu.memory_space<vmem_shared>>
        tpu.wait_indirect_dma semaphore(%run_scoped3A : memref<!tpu.dma_semaphore, #tpu.memory_space<semaphore_mem>>) src(%dma_wait3A_457 : memref<125x32xf32, #tpu.memory_space<vmem>>) dst(%dma_wait3A_463 : memref<10240x32xf32, #tpu.memory_space<vmem_shared>>)
        tpu.yield
      }) : () -> ()
      %add3A_322 = arith.constant 3 : i32
      %add3A_323 = arith.addi %mul3A_132, %add3A_322 : i32
      "tpu.region"() ({
        %run_scoped3A = tpu.sem_alloc : memref<!tpu.dma_semaphore, #tpu.memory_space<semaphore_mem>>
        %dma_start3A_446 = arith.constant 375 : i32
        %dma_start3A_447 = arith.constant 0 : i32
        %dma_start3A_448 = tpu.memref_slice %arg8[%dma_start3A_446, %dma_start3A_447] : memref<2000x32xf32, #tpu.memory_space<vmem>> -> memref<125x32xf32, #tpu.memory_space<vmem>>
        %dma_start3A_449 = arith.constant 0 : i32
        %dma_start3A_450 = tpu.memref_slice %arg7[%add3A_323, %dma_start3A_449] : memref<80x125xi32, #tpu.memory_space<vmem>> -> memref<1x125xi32, #tpu.memory_space<vmem>>
        %dma_start3A_451 = tpu.memref_squeeze %dma_start3A_450 : memref<1x125xi32, #tpu.memory_space<vmem>> -> memref<125xi32, #tpu.memory_space<vmem>>
        %dma_start3A_452 = arith.constant 0 : i32
        %dma_start3A_453 = arith.constant 0 : i32
        %dma_start3A_454 = tpu.memref_slice %arg11[%dma_start3A_452, %dma_start3A_453] : memref<10240x32xf32, #tpu.memory_space<vmem_shared>> -> memref<10240x32xf32, #tpu.memory_space<vmem_shared>>
        tpu.enqueue_indirect_dma source(%dma_start3A_448 : memref<125x32xf32, #tpu.memory_space<vmem>>) target(%dma_start3A_454 : memref<10240x32xf32, #tpu.memory_space<vmem_shared>>) offsets(%dma_start3A_451 : memref<125xi32, #tpu.memory_space<vmem>>) semaphore(%run_scoped3A : memref<!tpu.dma_semaphore, #tpu.memory_space<semaphore_mem>>) {add = true}
        %dma_wait3A_455 = arith.constant 375 : i32
        %dma_wait3A_456 = arith.constant 0 : i32
        %dma_wait3A_457 = tpu.memref_slice %arg8[%dma_wait3A_455, %dma_wait3A_456] : memref<2000x32xf32, #tpu.memory_space<vmem>> -> memref<125x32xf32, #tpu.memory_space<vmem>>
        %dma_wait3A_458 = arith.constant 0 : i32
        %dma_wait3A_459 = tpu.memref_slice %arg7[%add3A_323, %dma_wait3A_458] : memref<80x125xi32, #tpu.memory_space<vmem>> -> memref<1x125xi32, #tpu.memory_space<vmem>>
        %dma_wait3A_460 = tpu.memref_squeeze %dma_wait3A_459 : memref<1x125xi32, #tpu.memory_space<vmem>> -> memref<125xi32, #tpu.memory_space<vmem>>
        %dma_wait3A_461 = arith.constant 0 : i32
        %dma_wait3A_462 = arith.constant 0 : i32
        %dma_wait3A_463 = tpu.memref_slice %arg11[%dma_wait3A_461, %dma_wait3A_462] : memref<10240x32xf32, #tpu.memory_space<vmem_shared>> -> memref<10240x32xf32, #tpu.memory_space<vmem_shared>>
        tpu.wait_indirect_dma semaphore(%run_scoped3A : memref<!tpu.dma_semaphore, #tpu.memory_space<semaphore_mem>>) src(%dma_wait3A_457 : memref<125x32xf32, #tpu.memory_space<vmem>>) dst(%dma_wait3A_463 : memref<10240x32xf32, #tpu.memory_space<vmem_shared>>)
        tpu.yield
      }) : () -> ()
      %add3A_324 = arith.constant 4 : i32
      %add3A_325 = arith.addi %mul3A_132, %add3A_324 : i32
      "tpu.region"() ({
        %run_scoped3A = tpu.sem_alloc : memref<!tpu.dma_semaphore, #tpu.memory_space<semaphore_mem>>
        %dma_start3A_446 = arith.constant 500 : i32
        %dma_start3A_447 = arith.constant 0 : i32
        %dma_start3A_448 = tpu.memref_slice %arg8[%dma_start3A_446, %dma_start3A_447] : memref<2000x32xf32, #tpu.memory_space<vmem>> -> memref<125x32xf32, #tpu.memory_space<vmem>>
        %dma_start3A_449 = arith.constant 0 : i32
        %dma_start3A_450 = tpu.memref_slice %arg7[%add3A_325, %dma_start3A_449] : memref<80x125xi32, #tpu.memory_space<vmem>> -> memref<1x125xi32, #tpu.memory_space<vmem>>
        %dma_start3A_451 = tpu.memref_squeeze %dma_start3A_450 : memref<1x125xi32, #tpu.memory_space<vmem>> -> memref<125xi32, #tpu.memory_space<vmem>>
        %dma_start3A_452 = arith.constant 0 : i32
        %dma_start3A_453 = arith.constant 0 : i32
        %dma_start3A_454 = tpu.memref_slice %arg11[%dma_start3A_452, %dma_start3A_453] : memref<10240x32xf32, #tpu.memory_space<vmem_shared>> -> memref<10240x32xf32, #tpu.memory_space<vmem_shared>>
        tpu.enqueue_indirect_dma source(%dma_start3A_448 : memref<125x32xf32, #tpu.memory_space<vmem>>) target(%dma_start3A_454 : memref<10240x32xf32, #tpu.memory_space<vmem_shared>>) offsets(%dma_start3A_451 : memref<125xi32, #tpu.memory_space<vmem>>) semaphore(%run_scoped3A : memref<!tpu.dma_semaphore, #tpu.memory_space<semaphore_mem>>) {add = true}
        %dma_wait3A_455 = arith.constant 500 : i32
        %dma_wait3A_456 = arith.constant 0 : i32
        %dma_wait3A_457 = tpu.memref_slice %arg8[%dma_wait3A_455, %dma_wait3A_456] : memref<2000x32xf32, #tpu.memory_space<vmem>> -> memref<125x32xf32, #tpu.memory_space<vmem>>
        %dma_wait3A_458 = arith.constant 0 : i32
        %dma_wait3A_459 = tpu.memref_slice %arg7[%add3A_325, %dma_wait3A_458] : memref<80x125xi32, #tpu.memory_space<vmem>> -> memref<1x125xi32, #tpu.memory_space<vmem>>
        %dma_wait3A_460 = tpu.memref_squeeze %dma_wait3A_459 : memref<1x125xi32, #tpu.memory_space<vmem>> -> memref<125xi32, #tpu.memory_space<vmem>>
        %dma_wait3A_461 = arith.constant 0 : i32
        %dma_wait3A_462 = arith.constant 0 : i32
        %dma_wait3A_463 = tpu.memref_slice %arg11[%dma_wait3A_461, %dma_wait3A_462] : memref<10240x32xf32, #tpu.memory_space<vmem_shared>> -> memref<10240x32xf32, #tpu.memory_space<vmem_shared>>
        tpu.wait_indirect_dma semaphore(%run_scoped3A : memref<!tpu.dma_semaphore, #tpu.memory_space<semaphore_mem>>) src(%dma_wait3A_457 : memref<125x32xf32, #tpu.memory_space<vmem>>) dst(%dma_wait3A_463 : memref<10240x32xf32, #tpu.memory_space<vmem_shared>>)
        tpu.yield
      }) : () -> ()
      %add3A_326 = arith.constant 5 : i32
      %add3A_327 = arith.addi %mul3A_132, %add3A_326 : i32
      "tpu.region"() ({
        %run_scoped3A = tpu.sem_alloc : memref<!tpu.dma_semaphore, #tpu.memory_space<semaphore_mem>>
        %dma_start3A_446 = arith.constant 625 : i32
        %dma_start3A_447 = arith.constant 0 : i32
        %dma_start3A_448 = tpu.memref_slice %arg8[%dma_start3A_446, %dma_start3A_447] : memref<2000x32xf32, #tpu.memory_space<vmem>> -> memref<125x32xf32, #tpu.memory_space<vmem>>
        %dma_start3A_449 = arith.constant 0 : i32
        %dma_start3A_450 = tpu.memref_slice %arg7[%add3A_327, %dma_start3A_449] : memref<80x125xi32, #tpu.memory_space<vmem>> -> memref<1x125xi32, #tpu.memory_space<vmem>>
        %dma_start3A_451 = tpu.memref_squeeze %dma_start3A_450 : memref<1x125xi32, #tpu.memory_space<vmem>> -> memref<125xi32, #tpu.memory_space<vmem>>
        %dma_start3A_452 = arith.constant 0 : i32
        %dma_start3A_453 = arith.constant 0 : i32
        %dma_start3A_454 = tpu.memref_slice %arg11[%dma_start3A_452, %dma_start3A_453] : memref<10240x32xf32, #tpu.memory_space<vmem_shared>> -> memref<10240x32xf32, #tpu.memory_space<vmem_shared>>
        tpu.enqueue_indirect_dma source(%dma_start3A_448 : memref<125x32xf32, #tpu.memory_space<vmem>>) target(%dma_start3A_454 : memref<10240x32xf32, #tpu.memory_space<vmem_shared>>) offsets(%dma_start3A_451 : memref<125xi32, #tpu.memory_space<vmem>>) semaphore(%run_scoped3A : memref<!tpu.dma_semaphore, #tpu.memory_space<semaphore_mem>>) {add = true}
        %dma_wait3A_455 = arith.constant 625 : i32
        %dma_wait3A_456 = arith.constant 0 : i32
        %dma_wait3A_457 = tpu.memref_slice %arg8[%dma_wait3A_455, %dma_wait3A_456] : memref<2000x32xf32, #tpu.memory_space<vmem>> -> memref<125x32xf32, #tpu.memory_space<vmem>>
        %dma_wait3A_458 = arith.constant 0 : i32
        %dma_wait3A_459 = tpu.memref_slice %arg7[%add3A_327, %dma_wait3A_458] : memref<80x125xi32, #tpu.memory_space<vmem>> -> memref<1x125xi32, #tpu.memory_space<vmem>>
        %dma_wait3A_460 = tpu.memref_squeeze %dma_wait3A_459 : memref<1x125xi32, #tpu.memory_space<vmem>> -> memref<125xi32, #tpu.memory_space<vmem>>
        %dma_wait3A_461 = arith.constant 0 : i32
        %dma_wait3A_462 = arith.constant 0 : i32
        %dma_wait3A_463 = tpu.memref_slice %arg11[%dma_wait3A_461, %dma_wait3A_462] : memref<10240x32xf32, #tpu.memory_space<vmem_shared>> -> memref<10240x32xf32, #tpu.memory_space<vmem_shared>>
        tpu.wait_indirect_dma semaphore(%run_scoped3A : memref<!tpu.dma_semaphore, #tpu.memory_space<semaphore_mem>>) src(%dma_wait3A_457 : memref<125x32xf32, #tpu.memory_space<vmem>>) dst(%dma_wait3A_463 : memref<10240x32xf32, #tpu.memory_space<vmem_shared>>)
        tpu.yield
      }) : () -> ()
      %add3A_328 = arith.constant 6 : i32
      %add3A_329 = arith.addi %mul3A_132, %add3A_328 : i32
      "tpu.region"() ({
        %run_scoped3A = tpu.sem_alloc : memref<!tpu.dma_semaphore, #tpu.memory_space<semaphore_mem>>
        %dma_start3A_446 = arith.constant 750 : i32
        %dma_start3A_447 = arith.constant 0 : i32
        %dma_start3A_448 = tpu.memref_slice %arg8[%dma_start3A_446, %dma_start3A_447] : memref<2000x32xf32, #tpu.memory_space<vmem>> -> memref<125x32xf32, #tpu.memory_space<vmem>>
        %dma_start3A_449 = arith.constant 0 : i32
        %dma_start3A_450 = tpu.memref_slice %arg7[%add3A_329, %dma_start3A_449] : memref<80x125xi32, #tpu.memory_space<vmem>> -> memref<1x125xi32, #tpu.memory_space<vmem>>
        %dma_start3A_451 = tpu.memref_squeeze %dma_start3A_450 : memref<1x125xi32, #tpu.memory_space<vmem>> -> memref<125xi32, #tpu.memory_space<vmem>>
        %dma_start3A_452 = arith.constant 0 : i32
        %dma_start3A_453 = arith.constant 0 : i32
        %dma_start3A_454 = tpu.memref_slice %arg11[%dma_start3A_452, %dma_start3A_453] : memref<10240x32xf32, #tpu.memory_space<vmem_shared>> -> memref<10240x32xf32, #tpu.memory_space<vmem_shared>>
        tpu.enqueue_indirect_dma source(%dma_start3A_448 : memref<125x32xf32, #tpu.memory_space<vmem>>) target(%dma_start3A_454 : memref<10240x32xf32, #tpu.memory_space<vmem_shared>>) offsets(%dma_start3A_451 : memref<125xi32, #tpu.memory_space<vmem>>) semaphore(%run_scoped3A : memref<!tpu.dma_semaphore, #tpu.memory_space<semaphore_mem>>) {add = true}
        %dma_wait3A_455 = arith.constant 750 : i32
        %dma_wait3A_456 = arith.constant 0 : i32
        %dma_wait3A_457 = tpu.memref_slice %arg8[%dma_wait3A_455, %dma_wait3A_456] : memref<2000x32xf32, #tpu.memory_space<vmem>> -> memref<125x32xf32, #tpu.memory_space<vmem>>
        %dma_wait3A_458 = arith.constant 0 : i32
        %dma_wait3A_459 = tpu.memref_slice %arg7[%add3A_329, %dma_wait3A_458] : memref<80x125xi32, #tpu.memory_space<vmem>> -> memref<1x125xi32, #tpu.memory_space<vmem>>
        %dma_wait3A_460 = tpu.memref_squeeze %dma_wait3A_459 : memref<1x125xi32, #tpu.memory_space<vmem>> -> memref<125xi32, #tpu.memory_space<vmem>>
        %dma_wait3A_461 = arith.constant 0 : i32
        %dma_wait3A_462 = arith.constant 0 : i32
        %dma_wait3A_463 = tpu.memref_slice %arg11[%dma_wait3A_461, %dma_wait3A_462] : memref<10240x32xf32, #tpu.memory_space<vmem_shared>> -> memref<10240x32xf32, #tpu.memory_space<vmem_shared>>
        tpu.wait_indirect_dma semaphore(%run_scoped3A : memref<!tpu.dma_semaphore, #tpu.memory_space<semaphore_mem>>) src(%dma_wait3A_457 : memref<125x32xf32, #tpu.memory_space<vmem>>) dst(%dma_wait3A_463 : memref<10240x32xf32, #tpu.memory_space<vmem_shared>>)
        tpu.yield
      }) : () -> ()
      %add3A_330 = arith.constant 7 : i32
      %add3A_331 = arith.addi %mul3A_132, %add3A_330 : i32
      "tpu.region"() ({
        %run_scoped3A = tpu.sem_alloc : memref<!tpu.dma_semaphore, #tpu.memory_space<semaphore_mem>>
        %dma_start3A_446 = arith.constant 875 : i32
        %dma_start3A_447 = arith.constant 0 : i32
        %dma_start3A_448 = tpu.memref_slice %arg8[%dma_start3A_446, %dma_start3A_447] : memref<2000x32xf32, #tpu.memory_space<vmem>> -> memref<125x32xf32, #tpu.memory_space<vmem>>
        %dma_start3A_449 = arith.constant 0 : i32
        %dma_start3A_450 = tpu.memref_slice %arg7[%add3A_331, %dma_start3A_449] : memref<80x125xi32, #tpu.memory_space<vmem>> -> memref<1x125xi32, #tpu.memory_space<vmem>>
        %dma_start3A_451 = tpu.memref_squeeze %dma_start3A_450 : memref<1x125xi32, #tpu.memory_space<vmem>> -> memref<125xi32, #tpu.memory_space<vmem>>
        %dma_start3A_452 = arith.constant 0 : i32
        %dma_start3A_453 = arith.constant 0 : i32
        %dma_start3A_454 = tpu.memref_slice %arg11[%dma_start3A_452, %dma_start3A_453] : memref<10240x32xf32, #tpu.memory_space<vmem_shared>> -> memref<10240x32xf32, #tpu.memory_space<vmem_shared>>
        tpu.enqueue_indirect_dma source(%dma_start3A_448 : memref<125x32xf32, #tpu.memory_space<vmem>>) target(%dma_start3A_454 : memref<10240x32xf32, #tpu.memory_space<vmem_shared>>) offsets(%dma_start3A_451 : memref<125xi32, #tpu.memory_space<vmem>>) semaphore(%run_scoped3A : memref<!tpu.dma_semaphore, #tpu.memory_space<semaphore_mem>>) {add = true}
        %dma_wait3A_455 = arith.constant 875 : i32
        %dma_wait3A_456 = arith.constant 0 : i32
        %dma_wait3A_457 = tpu.memref_slice %arg8[%dma_wait3A_455, %dma_wait3A_456] : memref<2000x32xf32, #tpu.memory_space<vmem>> -> memref<125x32xf32, #tpu.memory_space<vmem>>
        %dma_wait3A_458 = arith.constant 0 : i32
        %dma_wait3A_459 = tpu.memref_slice %arg7[%add3A_331, %dma_wait3A_458] : memref<80x125xi32, #tpu.memory_space<vmem>> -> memref<1x125xi32, #tpu.memory_space<vmem>>
        %dma_wait3A_460 = tpu.memref_squeeze %dma_wait3A_459 : memref<1x125xi32, #tpu.memory_space<vmem>> -> memref<125xi32, #tpu.memory_space<vmem>>
        %dma_wait3A_461 = arith.constant 0 : i32
        %dma_wait3A_462 = arith.constant 0 : i32
        %dma_wait3A_463 = tpu.memref_slice %arg11[%dma_wait3A_461, %dma_wait3A_462] : memref<10240x32xf32, #tpu.memory_space<vmem_shared>> -> memref<10240x32xf32, #tpu.memory_space<vmem_shared>>
        tpu.wait_indirect_dma semaphore(%run_scoped3A : memref<!tpu.dma_semaphore, #tpu.memory_space<semaphore_mem>>) src(%dma_wait3A_457 : memref<125x32xf32, #tpu.memory_space<vmem>>) dst(%dma_wait3A_463 : memref<10240x32xf32, #tpu.memory_space<vmem_shared>>)
        tpu.yield
      }) : () -> ()
      %lt3A = arith.constant 4 : i32
      %lt3A_332 = arith.cmpi slt, %scan3A_128, %lt3A : i32
      %convert_element_type3A = arith.extui %lt3A_332 : i1 to i32
      %cond3A = arith.constant 0 : i32
      %cond3A_333 = arith.cmpi ne, %convert_element_type3A, %cond3A : i32
      scf.if %cond3A_333 {
        %add3A_446 = arith.constant 16 : i32
        %add3A_447 = arith.addi %mul3A_132, %add3A_446 : i32
        %add3A_448 = arith.constant 0 : i32
        %add3A_449 = arith.addi %add3A_447, %add3A_448 : i32
        %dma_start3A_450 = arith.constant 0 : i32
        %dma_start3A_451 = arith.constant 0 : i32
        %dma_start3A_452 = tpu.memref_slice %arg8[%dma_start3A_450, %dma_start3A_451] : memref<2000x32xf32, #tpu.memory_space<vmem>> -> memref<125x32xf32, #tpu.memory_space<vmem>>
        %dma_start3A_453 = arith.constant 0 : i32
        %dma_start3A_454 = tpu.memref_slice %arg6[%add3A_449, %dma_start3A_453] : memref<80x125xi32, #tpu.memory_space<vmem>> -> memref<1x125xi32, #tpu.memory_space<vmem>>
        %dma_start3A_455 = tpu.memref_squeeze %dma_start3A_454 : memref<1x125xi32, #tpu.memory_space<vmem>> -> memref<125xi32, #tpu.memory_space<vmem>>
        %dma_start3A_456 = arith.constant 0 : i32
        %dma_start3A_457 = arith.constant 0 : i32
        %dma_start3A_458 = tpu.memref_slice %arg2[%dma_start3A_456, %dma_start3A_457] : memref<10240x32xf32, #tpu.memory_space<hbm>> -> memref<10240x32xf32, #tpu.memory_space<hbm>>
        tpu.enqueue_indirect_dma source(%dma_start3A_458 : memref<10240x32xf32, #tpu.memory_space<hbm>>) target(%dma_start3A_452 : memref<125x32xf32, #tpu.memory_space<vmem>>) offsets(%dma_start3A_455 : memref<125xi32, #tpu.memory_space<vmem>>) semaphore(%arg9 : memref<!tpu.dma_semaphore, #tpu.memory_space<semaphore_mem>>)
        %add3A_459 = arith.constant 16 : i32
        %add3A_460 = arith.addi %mul3A_132, %add3A_459 : i32
        %add3A_461 = arith.constant 1 : i32
        %add3A_462 = arith.addi %add3A_460, %add3A_461 : i32
        %dma_start3A_463 = arith.constant 125 : i32
        %dma_start3A_464 = arith.constant 0 : i32
        %dma_start3A_465 = tpu.memref_slice %arg8[%dma_start3A_463, %dma_start3A_464] : memref<2000x32xf32, #tpu.memory_space<vmem>> -> memref<125x32xf32, #tpu.memory_space<vmem>>
        %dma_start3A_466 = arith.constant 0 : i32
        %dma_start3A_467 = tpu.memref_slice %arg6[%add3A_462, %dma_start3A_466] : memref<80x125xi32, #tpu.memory_space<vmem>> -> memref<1x125xi32, #tpu.memory_space<vmem>>
        %dma_start3A_468 = tpu.memref_squeeze %dma_start3A_467 : memref<1x125xi32, #tpu.memory_space<vmem>> -> memref<125xi32, #tpu.memory_space<vmem>>
        %dma_start3A_469 = arith.constant 0 : i32
        %dma_start3A_470 = arith.constant 0 : i32
        %dma_start3A_471 = tpu.memref_slice %arg2[%dma_start3A_469, %dma_start3A_470] : memref<10240x32xf32, #tpu.memory_space<hbm>> -> memref<10240x32xf32, #tpu.memory_space<hbm>>
        tpu.enqueue_indirect_dma source(%dma_start3A_471 : memref<10240x32xf32, #tpu.memory_space<hbm>>) target(%dma_start3A_465 : memref<125x32xf32, #tpu.memory_space<vmem>>) offsets(%dma_start3A_468 : memref<125xi32, #tpu.memory_space<vmem>>) semaphore(%arg9 : memref<!tpu.dma_semaphore, #tpu.memory_space<semaphore_mem>>)
        %add3A_472 = arith.constant 16 : i32
        %add3A_473 = arith.addi %mul3A_132, %add3A_472 : i32
        %add3A_474 = arith.constant 2 : i32
        %add3A_475 = arith.addi %add3A_473, %add3A_474 : i32
        %dma_start3A_476 = arith.constant 250 : i32
        %dma_start3A_477 = arith.constant 0 : i32
        %dma_start3A_478 = tpu.memref_slice %arg8[%dma_start3A_476, %dma_start3A_477] : memref<2000x32xf32, #tpu.memory_space<vmem>> -> memref<125x32xf32, #tpu.memory_space<vmem>>
        %dma_start3A_479 = arith.constant 0 : i32
        %dma_start3A_480 = tpu.memref_slice %arg6[%add3A_475, %dma_start3A_479] : memref<80x125xi32, #tpu.memory_space<vmem>> -> memref<1x125xi32, #tpu.memory_space<vmem>>
        %dma_start3A_481 = tpu.memref_squeeze %dma_start3A_480 : memref<1x125xi32, #tpu.memory_space<vmem>> -> memref<125xi32, #tpu.memory_space<vmem>>
        %dma_start3A_482 = arith.constant 0 : i32
        %dma_start3A_483 = arith.constant 0 : i32
        %dma_start3A_484 = tpu.memref_slice %arg2[%dma_start3A_482, %dma_start3A_483] : memref<10240x32xf32, #tpu.memory_space<hbm>> -> memref<10240x32xf32, #tpu.memory_space<hbm>>
        tpu.enqueue_indirect_dma source(%dma_start3A_484 : memref<10240x32xf32, #tpu.memory_space<hbm>>) target(%dma_start3A_478 : memref<125x32xf32, #tpu.memory_space<vmem>>) offsets(%dma_start3A_481 : memref<125xi32, #tpu.memory_space<vmem>>) semaphore(%arg9 : memref<!tpu.dma_semaphore, #tpu.memory_space<semaphore_mem>>)
        %add3A_485 = arith.constant 16 : i32
        %add3A_486 = arith.addi %mul3A_132, %add3A_485 : i32
        %add3A_487 = arith.constant 3 : i32
        %add3A_488 = arith.addi %add3A_486, %add3A_487 : i32
        %dma_start3A_489 = arith.constant 375 : i32
        %dma_start3A_490 = arith.constant 0 : i32
        %dma_start3A_491 = tpu.memref_slice %arg8[%dma_start3A_489, %dma_start3A_490] : memref<2000x32xf32, #tpu.memory_space<vmem>> -> memref<125x32xf32, #tpu.memory_space<vmem>>
        %dma_start3A_492 = arith.constant 0 : i32
        %dma_start3A_493 = tpu.memref_slice %arg6[%add3A_488, %dma_start3A_492] : memref<80x125xi32, #tpu.memory_space<vmem>> -> memref<1x125xi32, #tpu.memory_space<vmem>>
        %dma_start3A_494 = tpu.memref_squeeze %dma_start3A_493 : memref<1x125xi32, #tpu.memory_space<vmem>> -> memref<125xi32, #tpu.memory_space<vmem>>
        %dma_start3A_495 = arith.constant 0 : i32
        %dma_start3A_496 = arith.constant 0 : i32
        %dma_start3A_497 = tpu.memref_slice %arg2[%dma_start3A_495, %dma_start3A_496] : memref<10240x32xf32, #tpu.memory_space<hbm>> -> memref<10240x32xf32, #tpu.memory_space<hbm>>
        tpu.enqueue_indirect_dma source(%dma_start3A_497 : memref<10240x32xf32, #tpu.memory_space<hbm>>) target(%dma_start3A_491 : memref<125x32xf32, #tpu.memory_space<vmem>>) offsets(%dma_start3A_494 : memref<125xi32, #tpu.memory_space<vmem>>) semaphore(%arg9 : memref<!tpu.dma_semaphore, #tpu.memory_space<semaphore_mem>>)
        %add3A_498 = arith.constant 16 : i32
        %add3A_499 = arith.addi %mul3A_132, %add3A_498 : i32
        %add3A_500 = arith.constant 4 : i32
        %add3A_501 = arith.addi %add3A_499, %add3A_500 : i32
        %dma_start3A_502 = arith.constant 500 : i32
        %dma_start3A_503 = arith.constant 0 : i32
        %dma_start3A_504 = tpu.memref_slice %arg8[%dma_start3A_502, %dma_start3A_503] : memref<2000x32xf32, #tpu.memory_space<vmem>> -> memref<125x32xf32, #tpu.memory_space<vmem>>
        %dma_start3A_505 = arith.constant 0 : i32
        %dma_start3A_506 = tpu.memref_slice %arg6[%add3A_501, %dma_start3A_505] : memref<80x125xi32, #tpu.memory_space<vmem>> -> memref<1x125xi32, #tpu.memory_space<vmem>>
        %dma_start3A_507 = tpu.memref_squeeze %dma_start3A_506 : memref<1x125xi32, #tpu.memory_space<vmem>> -> memref<125xi32, #tpu.memory_space<vmem>>
        %dma_start3A_508 = arith.constant 0 : i32
        %dma_start3A_509 = arith.constant 0 : i32
        %dma_start3A_510 = tpu.memref_slice %arg2[%dma_start3A_508, %dma_start3A_509] : memref<10240x32xf32, #tpu.memory_space<hbm>> -> memref<10240x32xf32, #tpu.memory_space<hbm>>
        tpu.enqueue_indirect_dma source(%dma_start3A_510 : memref<10240x32xf32, #tpu.memory_space<hbm>>) target(%dma_start3A_504 : memref<125x32xf32, #tpu.memory_space<vmem>>) offsets(%dma_start3A_507 : memref<125xi32, #tpu.memory_space<vmem>>) semaphore(%arg9 : memref<!tpu.dma_semaphore, #tpu.memory_space<semaphore_mem>>)
        %add3A_511 = arith.constant 16 : i32
        %add3A_512 = arith.addi %mul3A_132, %add3A_511 : i32
        %add3A_513 = arith.constant 5 : i32
        %add3A_514 = arith.addi %add3A_512, %add3A_513 : i32
        %dma_start3A_515 = arith.constant 625 : i32
        %dma_start3A_516 = arith.constant 0 : i32
        %dma_start3A_517 = tpu.memref_slice %arg8[%dma_start3A_515, %dma_start3A_516] : memref<2000x32xf32, #tpu.memory_space<vmem>> -> memref<125x32xf32, #tpu.memory_space<vmem>>
        %dma_start3A_518 = arith.constant 0 : i32
        %dma_start3A_519 = tpu.memref_slice %arg6[%add3A_514, %dma_start3A_518] : memref<80x125xi32, #tpu.memory_space<vmem>> -> memref<1x125xi32, #tpu.memory_space<vmem>>
        %dma_start3A_520 = tpu.memref_squeeze %dma_start3A_519 : memref<1x125xi32, #tpu.memory_space<vmem>> -> memref<125xi32, #tpu.memory_space<vmem>>
        %dma_start3A_521 = arith.constant 0 : i32
        %dma_start3A_522 = arith.constant 0 : i32
        %dma_start3A_523 = tpu.memref_slice %arg2[%dma_start3A_521, %dma_start3A_522] : memref<10240x32xf32, #tpu.memory_space<hbm>> -> memref<10240x32xf32, #tpu.memory_space<hbm>>
        tpu.enqueue_indirect_dma source(%dma_start3A_523 : memref<10240x32xf32, #tpu.memory_space<hbm>>) target(%dma_start3A_517 : memref<125x32xf32, #tpu.memory_space<vmem>>) offsets(%dma_start3A_520 : memref<125xi32, #tpu.memory_space<vmem>>) semaphore(%arg9 : memref<!tpu.dma_semaphore, #tpu.memory_space<semaphore_mem>>)
        %add3A_524 = arith.constant 16 : i32
        %add3A_525 = arith.addi %mul3A_132, %add3A_524 : i32
        %add3A_526 = arith.constant 6 : i32
        %add3A_527 = arith.addi %add3A_525, %add3A_526 : i32
        %dma_start3A_528 = arith.constant 750 : i32
        %dma_start3A_529 = arith.constant 0 : i32
        %dma_start3A_530 = tpu.memref_slice %arg8[%dma_start3A_528, %dma_start3A_529] : memref<2000x32xf32, #tpu.memory_space<vmem>> -> memref<125x32xf32, #tpu.memory_space<vmem>>
        %dma_start3A_531 = arith.constant 0 : i32
        %dma_start3A_532 = tpu.memref_slice %arg6[%add3A_527, %dma_start3A_531] : memref<80x125xi32, #tpu.memory_space<vmem>> -> memref<1x125xi32, #tpu.memory_space<vmem>>
        %dma_start3A_533 = tpu.memref_squeeze %dma_start3A_532 : memref<1x125xi32, #tpu.memory_space<vmem>> -> memref<125xi32, #tpu.memory_space<vmem>>
        %dma_start3A_534 = arith.constant 0 : i32
        %dma_start3A_535 = arith.constant 0 : i32
        %dma_start3A_536 = tpu.memref_slice %arg2[%dma_start3A_534, %dma_start3A_535] : memref<10240x32xf32, #tpu.memory_space<hbm>> -> memref<10240x32xf32, #tpu.memory_space<hbm>>
        tpu.enqueue_indirect_dma source(%dma_start3A_536 : memref<10240x32xf32, #tpu.memory_space<hbm>>) target(%dma_start3A_530 : memref<125x32xf32, #tpu.memory_space<vmem>>) offsets(%dma_start3A_533 : memref<125xi32, #tpu.memory_space<vmem>>) semaphore(%arg9 : memref<!tpu.dma_semaphore, #tpu.memory_space<semaphore_mem>>)
        %add3A_537 = arith.constant 16 : i32
        %add3A_538 = arith.addi %mul3A_132, %add3A_537 : i32
        %add3A_539 = arith.constant 7 : i32
        %add3A_540 = arith.addi %add3A_538, %add3A_539 : i32
        %dma_start3A_541 = arith.constant 875 : i32
        %dma_start3A_542 = arith.constant 0 : i32
        %dma_start3A_543 = tpu.memref_slice %arg8[%dma_start3A_541, %dma_start3A_542] : memref<2000x32xf32, #tpu.memory_space<vmem>> -> memref<125x32xf32, #tpu.memory_space<vmem>>
        %dma_start3A_544 = arith.constant 0 : i32
        %dma_start3A_545 = tpu.memref_slice %arg6[%add3A_540, %dma_start3A_544] : memref<80x125xi32, #tpu.memory_space<vmem>> -> memref<1x125xi32, #tpu.memory_space<vmem>>
        %dma_start3A_546 = tpu.memref_squeeze %dma_start3A_545 : memref<1x125xi32, #tpu.memory_space<vmem>> -> memref<125xi32, #tpu.memory_space<vmem>>
        %dma_start3A_547 = arith.constant 0 : i32
        %dma_start3A_548 = arith.constant 0 : i32
        %dma_start3A_549 = tpu.memref_slice %arg2[%dma_start3A_547, %dma_start3A_548] : memref<10240x32xf32, #tpu.memory_space<hbm>> -> memref<10240x32xf32, #tpu.memory_space<hbm>>
        tpu.enqueue_indirect_dma source(%dma_start3A_549 : memref<10240x32xf32, #tpu.memory_space<hbm>>) target(%dma_start3A_543 : memref<125x32xf32, #tpu.memory_space<vmem>>) offsets(%dma_start3A_546 : memref<125xi32, #tpu.memory_space<vmem>>) semaphore(%arg9 : memref<!tpu.dma_semaphore, #tpu.memory_space<semaphore_mem>>)
      } else {
      }
      %dma_wait3A_334 = arith.constant 0 : i32
      %dma_wait3A_335 = arith.constant 1000 : i32
      %dma_wait3A_336 = arith.constant 0 : i32
      %dma_wait3A_337 = tpu.memref_slice %arg8[%dma_wait3A_335, %dma_wait3A_336] : memref<2000x32xf32, #tpu.memory_space<vmem>> -> memref<125x32xf32, #tpu.memory_space<vmem>>
      %dma_wait3A_338 = arith.constant 0 : i32
      %dma_wait3A_339 = tpu.memref_slice %arg6[%dma_wait3A_334, %dma_wait3A_338] : memref<80x125xi32, #tpu.memory_space<vmem>> -> memref<1x125xi32, #tpu.memory_space<vmem>>
      %dma_wait3A_340 = tpu.memref_squeeze %dma_wait3A_339 : memref<1x125xi32, #tpu.memory_space<vmem>> -> memref<125xi32, #tpu.memory_space<vmem>>
      %dma_wait3A_341 = arith.constant 0 : i32
      %dma_wait3A_342 = arith.constant 0 : i32
      %dma_wait3A_343 = tpu.memref_slice %arg2[%dma_wait3A_341, %dma_wait3A_342] : memref<10240x32xf32, #tpu.memory_space<hbm>> -> memref<10240x32xf32, #tpu.memory_space<hbm>>
      tpu.wait_indirect_dma semaphore(%arg10 : memref<!tpu.dma_semaphore, #tpu.memory_space<semaphore_mem>>) src(%dma_wait3A_343 : memref<10240x32xf32, #tpu.memory_space<hbm>>) dst(%dma_wait3A_337 : memref<125x32xf32, #tpu.memory_space<vmem>>)
      %dma_wait3A_344 = arith.constant 0 : i32
      %dma_wait3A_345 = arith.constant 1125 : i32
      %dma_wait3A_346 = arith.constant 0 : i32
      %dma_wait3A_347 = tpu.memref_slice %arg8[%dma_wait3A_345, %dma_wait3A_346] : memref<2000x32xf32, #tpu.memory_space<vmem>> -> memref<125x32xf32, #tpu.memory_space<vmem>>
      %dma_wait3A_348 = arith.constant 0 : i32
      %dma_wait3A_349 = tpu.memref_slice %arg6[%dma_wait3A_344, %dma_wait3A_348] : memref<80x125xi32, #tpu.memory_space<vmem>> -> memref<1x125xi32, #tpu.memory_space<vmem>>
      %dma_wait3A_350 = tpu.memref_squeeze %dma_wait3A_349 : memref<1x125xi32, #tpu.memory_space<vmem>> -> memref<125xi32, #tpu.memory_space<vmem>>
      %dma_wait3A_351 = arith.constant 0 : i32
      %dma_wait3A_352 = arith.constant 0 : i32
      %dma_wait3A_353 = tpu.memref_slice %arg2[%dma_wait3A_351, %dma_wait3A_352] : memref<10240x32xf32, #tpu.memory_space<hbm>> -> memref<10240x32xf32, #tpu.memory_space<hbm>>
      tpu.wait_indirect_dma semaphore(%arg10 : memref<!tpu.dma_semaphore, #tpu.memory_space<semaphore_mem>>) src(%dma_wait3A_353 : memref<10240x32xf32, #tpu.memory_space<hbm>>) dst(%dma_wait3A_347 : memref<125x32xf32, #tpu.memory_space<vmem>>)
      %dma_wait3A_354 = arith.constant 0 : i32
      %dma_wait3A_355 = arith.constant 1250 : i32
      %dma_wait3A_356 = arith.constant 0 : i32
      %dma_wait3A_357 = tpu.memref_slice %arg8[%dma_wait3A_355, %dma_wait3A_356] : memref<2000x32xf32, #tpu.memory_space<vmem>> -> memref<125x32xf32, #tpu.memory_space<vmem>>
      %dma_wait3A_358 = arith.constant 0 : i32
      %dma_wait3A_359 = tpu.memref_slice %arg6[%dma_wait3A_354, %dma_wait3A_358] : memref<80x125xi32, #tpu.memory_space<vmem>> -> memref<1x125xi32, #tpu.memory_space<vmem>>
      %dma_wait3A_360 = tpu.memref_squeeze %dma_wait3A_359 : memref<1x125xi32, #tpu.memory_space<vmem>> -> memref<125xi32, #tpu.memory_space<vmem>>
      %dma_wait3A_361 = arith.constant 0 : i32
      %dma_wait3A_362 = arith.constant 0 : i32
      %dma_wait3A_363 = tpu.memref_slice %arg2[%dma_wait3A_361, %dma_wait3A_362] : memref<10240x32xf32, #tpu.memory_space<hbm>> -> memref<10240x32xf32, #tpu.memory_space<hbm>>
      tpu.wait_indirect_dma semaphore(%arg10 : memref<!tpu.dma_semaphore, #tpu.memory_space<semaphore_mem>>) src(%dma_wait3A_363 : memref<10240x32xf32, #tpu.memory_space<hbm>>) dst(%dma_wait3A_357 : memref<125x32xf32, #tpu.memory_space<vmem>>)
      %dma_wait3A_364 = arith.constant 0 : i32
      %dma_wait3A_365 = arith.constant 1375 : i32
      %dma_wait3A_366 = arith.constant 0 : i32
      %dma_wait3A_367 = tpu.memref_slice %arg8[%dma_wait3A_365, %dma_wait3A_366] : memref<2000x32xf32, #tpu.memory_space<vmem>> -> memref<125x32xf32, #tpu.memory_space<vmem>>
      %dma_wait3A_368 = arith.constant 0 : i32
      %dma_wait3A_369 = tpu.memref_slice %arg6[%dma_wait3A_364, %dma_wait3A_368] : memref<80x125xi32, #tpu.memory_space<vmem>> -> memref<1x125xi32, #tpu.memory_space<vmem>>
      %dma_wait3A_370 = tpu.memref_squeeze %dma_wait3A_369 : memref<1x125xi32, #tpu.memory_space<vmem>> -> memref<125xi32, #tpu.memory_space<vmem>>
      %dma_wait3A_371 = arith.constant 0 : i32
      %dma_wait3A_372 = arith.constant 0 : i32
      %dma_wait3A_373 = tpu.memref_slice %arg2[%dma_wait3A_371, %dma_wait3A_372] : memref<10240x32xf32, #tpu.memory_space<hbm>> -> memref<10240x32xf32, #tpu.memory_space<hbm>>
      tpu.wait_indirect_dma semaphore(%arg10 : memref<!tpu.dma_semaphore, #tpu.memory_space<semaphore_mem>>) src(%dma_wait3A_373 : memref<10240x32xf32, #tpu.memory_space<hbm>>) dst(%dma_wait3A_367 : memref<125x32xf32, #tpu.memory_space<vmem>>)
      %dma_wait3A_374 = arith.constant 0 : i32
      %dma_wait3A_375 = arith.constant 1500 : i32
      %dma_wait3A_376 = arith.constant 0 : i32
      %dma_wait3A_377 = tpu.memref_slice %arg8[%dma_wait3A_375, %dma_wait3A_376] : memref<2000x32xf32, #tpu.memory_space<vmem>> -> memref<125x32xf32, #tpu.memory_space<vmem>>
      %dma_wait3A_378 = arith.constant 0 : i32
      %dma_wait3A_379 = tpu.memref_slice %arg6[%dma_wait3A_374, %dma_wait3A_378] : memref<80x125xi32, #tpu.memory_space<vmem>> -> memref<1x125xi32, #tpu.memory_space<vmem>>
      %dma_wait3A_380 = tpu.memref_squeeze %dma_wait3A_379 : memref<1x125xi32, #tpu.memory_space<vmem>> -> memref<125xi32, #tpu.memory_space<vmem>>
      %dma_wait3A_381 = arith.constant 0 : i32
      %dma_wait3A_382 = arith.constant 0 : i32
      %dma_wait3A_383 = tpu.memref_slice %arg2[%dma_wait3A_381, %dma_wait3A_382] : memref<10240x32xf32, #tpu.memory_space<hbm>> -> memref<10240x32xf32, #tpu.memory_space<hbm>>
      tpu.wait_indirect_dma semaphore(%arg10 : memref<!tpu.dma_semaphore, #tpu.memory_space<semaphore_mem>>) src(%dma_wait3A_383 : memref<10240x32xf32, #tpu.memory_space<hbm>>) dst(%dma_wait3A_377 : memref<125x32xf32, #tpu.memory_space<vmem>>)
      %dma_wait3A_384 = arith.constant 0 : i32
      %dma_wait3A_385 = arith.constant 1625 : i32
      %dma_wait3A_386 = arith.constant 0 : i32
      %dma_wait3A_387 = tpu.memref_slice %arg8[%dma_wait3A_385, %dma_wait3A_386] : memref<2000x32xf32, #tpu.memory_space<vmem>> -> memref<125x32xf32, #tpu.memory_space<vmem>>
      %dma_wait3A_388 = arith.constant 0 : i32
      %dma_wait3A_389 = tpu.memref_slice %arg6[%dma_wait3A_384, %dma_wait3A_388] : memref<80x125xi32, #tpu.memory_space<vmem>> -> memref<1x125xi32, #tpu.memory_space<vmem>>
      %dma_wait3A_390 = tpu.memref_squeeze %dma_wait3A_389 : memref<1x125xi32, #tpu.memory_space<vmem>> -> memref<125xi32, #tpu.memory_space<vmem>>
      %dma_wait3A_391 = arith.constant 0 : i32
      %dma_wait3A_392 = arith.constant 0 : i32
      %dma_wait3A_393 = tpu.memref_slice %arg2[%dma_wait3A_391, %dma_wait3A_392] : memref<10240x32xf32, #tpu.memory_space<hbm>> -> memref<10240x32xf32, #tpu.memory_space<hbm>>
      tpu.wait_indirect_dma semaphore(%arg10 : memref<!tpu.dma_semaphore, #tpu.memory_space<semaphore_mem>>) src(%dma_wait3A_393 : memref<10240x32xf32, #tpu.memory_space<hbm>>) dst(%dma_wait3A_387 : memref<125x32xf32, #tpu.memory_space<vmem>>)
      %dma_wait3A_394 = arith.constant 0 : i32
      %dma_wait3A_395 = arith.constant 1750 : i32
      %dma_wait3A_396 = arith.constant 0 : i32
      %dma_wait3A_397 = tpu.memref_slice %arg8[%dma_wait3A_395, %dma_wait3A_396] : memref<2000x32xf32, #tpu.memory_space<vmem>> -> memref<125x32xf32, #tpu.memory_space<vmem>>
      %dma_wait3A_398 = arith.constant 0 : i32
      %dma_wait3A_399 = tpu.memref_slice %arg6[%dma_wait3A_394, %dma_wait3A_398] : memref<80x125xi32, #tpu.memory_space<vmem>> -> memref<1x125xi32, #tpu.memory_space<vmem>>
      %dma_wait3A_400 = tpu.memref_squeeze %dma_wait3A_399 : memref<1x125xi32, #tpu.memory_space<vmem>> -> memref<125xi32, #tpu.memory_space<vmem>>
      %dma_wait3A_401 = arith.constant 0 : i32
      %dma_wait3A_402 = arith.constant 0 : i32
      %dma_wait3A_403 = tpu.memref_slice %arg2[%dma_wait3A_401, %dma_wait3A_402] : memref<10240x32xf32, #tpu.memory_space<hbm>> -> memref<10240x32xf32, #tpu.memory_space<hbm>>
      tpu.wait_indirect_dma semaphore(%arg10 : memref<!tpu.dma_semaphore, #tpu.memory_space<semaphore_mem>>) src(%dma_wait3A_403 : memref<10240x32xf32, #tpu.memory_space<hbm>>) dst(%dma_wait3A_397 : memref<125x32xf32, #tpu.memory_space<vmem>>)
      %dma_wait3A_404 = arith.constant 0 : i32
      %dma_wait3A_405 = arith.constant 1875 : i32
      %dma_wait3A_406 = arith.constant 0 : i32
      %dma_wait3A_407 = tpu.memref_slice %arg8[%dma_wait3A_405, %dma_wait3A_406] : memref<2000x32xf32, #tpu.memory_space<vmem>> -> memref<125x32xf32, #tpu.memory_space<vmem>>
      %dma_wait3A_408 = arith.constant 0 : i32
      %dma_wait3A_409 = tpu.memref_slice %arg6[%dma_wait3A_404, %dma_wait3A_408] : memref<80x125xi32, #tpu.memory_space<vmem>> -> memref<1x125xi32, #tpu.memory_space<vmem>>
      %dma_wait3A_410 = tpu.memref_squeeze %dma_wait3A_409 : memref<1x125xi32, #tpu.memory_space<vmem>> -> memref<125xi32, #tpu.memory_space<vmem>>
      %dma_wait3A_411 = arith.constant 0 : i32
      %dma_wait3A_412 = arith.constant 0 : i32
      %dma_wait3A_413 = tpu.memref_slice %arg2[%dma_wait3A_411, %dma_wait3A_412] : memref<10240x32xf32, #tpu.memory_space<hbm>> -> memref<10240x32xf32, #tpu.memory_space<hbm>>
      tpu.wait_indirect_dma semaphore(%arg10 : memref<!tpu.dma_semaphore, #tpu.memory_space<semaphore_mem>>) src(%dma_wait3A_413 : memref<10240x32xf32, #tpu.memory_space<hbm>>) dst(%dma_wait3A_407 : memref<125x32xf32, #tpu.memory_space<vmem>>)
      %add3A_414 = arith.constant 8 : i32
      %add3A_415 = arith.addi %mul3A_132, %add3A_414 : i32
      %add3A_416 = arith.constant 0 : i32
      %add3A_417 = arith.addi %add3A_415, %add3A_416 : i32
      "tpu.region"() ({
        %run_scoped3A = tpu.sem_alloc : memref<!tpu.dma_semaphore, #tpu.memory_space<semaphore_mem>>
        %dma_start3A_446 = arith.constant 1000 : i32
        %dma_start3A_447 = arith.constant 0 : i32
        %dma_start3A_448 = tpu.memref_slice %arg8[%dma_start3A_446, %dma_start3A_447] : memref<2000x32xf32, #tpu.memory_space<vmem>> -> memref<125x32xf32, #tpu.memory_space<vmem>>
        %dma_start3A_449 = arith.constant 0 : i32
        %dma_start3A_450 = tpu.memref_slice %arg7[%add3A_417, %dma_start3A_449] : memref<80x125xi32, #tpu.memory_space<vmem>> -> memref<1x125xi32, #tpu.memory_space<vmem>>
        %dma_start3A_451 = tpu.memref_squeeze %dma_start3A_450 : memref<1x125xi32, #tpu.memory_space<vmem>> -> memref<125xi32, #tpu.memory_space<vmem>>
        %dma_start3A_452 = arith.constant 0 : i32
        %dma_start3A_453 = arith.constant 0 : i32
        %dma_start3A_454 = tpu.memref_slice %arg11[%dma_start3A_452, %dma_start3A_453] : memref<10240x32xf32, #tpu.memory_space<vmem_shared>> -> memref<10240x32xf32, #tpu.memory_space<vmem_shared>>
        tpu.enqueue_indirect_dma source(%dma_start3A_448 : memref<125x32xf32, #tpu.memory_space<vmem>>) target(%dma_start3A_454 : memref<10240x32xf32, #tpu.memory_space<vmem_shared>>) offsets(%dma_start3A_451 : memref<125xi32, #tpu.memory_space<vmem>>) semaphore(%run_scoped3A : memref<!tpu.dma_semaphore, #tpu.memory_space<semaphore_mem>>) {add = true}
        %dma_wait3A_455 = arith.constant 1000 : i32
        %dma_wait3A_456 = arith.constant 0 : i32
        %dma_wait3A_457 = tpu.memref_slice %arg8[%dma_wait3A_455, %dma_wait3A_456] : memref<2000x32xf32, #tpu.memory_space<vmem>> -> memref<125x32xf32, #tpu.memory_space<vmem>>
        %dma_wait3A_458 = arith.constant 0 : i32
        %dma_wait3A_459 = tpu.memref_slice %arg7[%add3A_417, %dma_wait3A_458] : memref<80x125xi32, #tpu.memory_space<vmem>> -> memref<1x125xi32, #tpu.memory_space<vmem>>
        %dma_wait3A_460 = tpu.memref_squeeze %dma_wait3A_459 : memref<1x125xi32, #tpu.memory_space<vmem>> -> memref<125xi32, #tpu.memory_space<vmem>>
        %dma_wait3A_461 = arith.constant 0 : i32
        %dma_wait3A_462 = arith.constant 0 : i32
        %dma_wait3A_463 = tpu.memref_slice %arg11[%dma_wait3A_461, %dma_wait3A_462] : memref<10240x32xf32, #tpu.memory_space<vmem_shared>> -> memref<10240x32xf32, #tpu.memory_space<vmem_shared>>
        tpu.wait_indirect_dma semaphore(%run_scoped3A : memref<!tpu.dma_semaphore, #tpu.memory_space<semaphore_mem>>) src(%dma_wait3A_457 : memref<125x32xf32, #tpu.memory_space<vmem>>) dst(%dma_wait3A_463 : memref<10240x32xf32, #tpu.memory_space<vmem_shared>>)
        tpu.yield
      }) : () -> ()
      %add3A_418 = arith.constant 8 : i32
      %add3A_419 = arith.addi %mul3A_132, %add3A_418 : i32
      %add3A_420 = arith.constant 1 : i32
      %add3A_421 = arith.addi %add3A_419, %add3A_420 : i32
      "tpu.region"() ({
        %run_scoped3A = tpu.sem_alloc : memref<!tpu.dma_semaphore, #tpu.memory_space<semaphore_mem>>
        %dma_start3A_446 = arith.constant 1125 : i32
        %dma_start3A_447 = arith.constant 0 : i32
        %dma_start3A_448 = tpu.memref_slice %arg8[%dma_start3A_446, %dma_start3A_447] : memref<2000x32xf32, #tpu.memory_space<vmem>> -> memref<125x32xf32, #tpu.memory_space<vmem>>
        %dma_start3A_449 = arith.constant 0 : i32
        %dma_start3A_450 = tpu.memref_slice %arg7[%add3A_421, %dma_start3A_449] : memref<80x125xi32, #tpu.memory_space<vmem>> -> memref<1x125xi32, #tpu.memory_space<vmem>>
        %dma_start3A_451 = tpu.memref_squeeze %dma_start3A_450 : memref<1x125xi32, #tpu.memory_space<vmem>> -> memref<125xi32, #tpu.memory_space<vmem>>
        %dma_start3A_452 = arith.constant 0 : i32
        %dma_start3A_453 = arith.constant 0 : i32
        %dma_start3A_454 = tpu.memref_slice %arg11[%dma_start3A_452, %dma_start3A_453] : memref<10240x32xf32, #tpu.memory_space<vmem_shared>> -> memref<10240x32xf32, #tpu.memory_space<vmem_shared>>
        tpu.enqueue_indirect_dma source(%dma_start3A_448 : memref<125x32xf32, #tpu.memory_space<vmem>>) target(%dma_start3A_454 : memref<10240x32xf32, #tpu.memory_space<vmem_shared>>) offsets(%dma_start3A_451 : memref<125xi32, #tpu.memory_space<vmem>>) semaphore(%run_scoped3A : memref<!tpu.dma_semaphore, #tpu.memory_space<semaphore_mem>>) {add = true}
        %dma_wait3A_455 = arith.constant 1125 : i32
        %dma_wait3A_456 = arith.constant 0 : i32
        %dma_wait3A_457 = tpu.memref_slice %arg8[%dma_wait3A_455, %dma_wait3A_456] : memref<2000x32xf32, #tpu.memory_space<vmem>> -> memref<125x32xf32, #tpu.memory_space<vmem>>
        %dma_wait3A_458 = arith.constant 0 : i32
        %dma_wait3A_459 = tpu.memref_slice %arg7[%add3A_421, %dma_wait3A_458] : memref<80x125xi32, #tpu.memory_space<vmem>> -> memref<1x125xi32, #tpu.memory_space<vmem>>
        %dma_wait3A_460 = tpu.memref_squeeze %dma_wait3A_459 : memref<1x125xi32, #tpu.memory_space<vmem>> -> memref<125xi32, #tpu.memory_space<vmem>>
        %dma_wait3A_461 = arith.constant 0 : i32
        %dma_wait3A_462 = arith.constant 0 : i32
        %dma_wait3A_463 = tpu.memref_slice %arg11[%dma_wait3A_461, %dma_wait3A_462] : memref<10240x32xf32, #tpu.memory_space<vmem_shared>> -> memref<10240x32xf32, #tpu.memory_space<vmem_shared>>
        tpu.wait_indirect_dma semaphore(%run_scoped3A : memref<!tpu.dma_semaphore, #tpu.memory_space<semaphore_mem>>) src(%dma_wait3A_457 : memref<125x32xf32, #tpu.memory_space<vmem>>) dst(%dma_wait3A_463 : memref<10240x32xf32, #tpu.memory_space<vmem_shared>>)
        tpu.yield
      }) : () -> ()
      %add3A_422 = arith.constant 8 : i32
      %add3A_423 = arith.addi %mul3A_132, %add3A_422 : i32
      %add3A_424 = arith.constant 2 : i32
      %add3A_425 = arith.addi %add3A_423, %add3A_424 : i32
      "tpu.region"() ({
        %run_scoped3A = tpu.sem_alloc : memref<!tpu.dma_semaphore, #tpu.memory_space<semaphore_mem>>
        %dma_start3A_446 = arith.constant 1250 : i32
        %dma_start3A_447 = arith.constant 0 : i32
        %dma_start3A_448 = tpu.memref_slice %arg8[%dma_start3A_446, %dma_start3A_447] : memref<2000x32xf32, #tpu.memory_space<vmem>> -> memref<125x32xf32, #tpu.memory_space<vmem>>
        %dma_start3A_449 = arith.constant 0 : i32
        %dma_start3A_450 = tpu.memref_slice %arg7[%add3A_425, %dma_start3A_449] : memref<80x125xi32, #tpu.memory_space<vmem>> -> memref<1x125xi32, #tpu.memory_space<vmem>>
        %dma_start3A_451 = tpu.memref_squeeze %dma_start3A_450 : memref<1x125xi32, #tpu.memory_space<vmem>> -> memref<125xi32, #tpu.memory_space<vmem>>
        %dma_start3A_452 = arith.constant 0 : i32
        %dma_start3A_453 = arith.constant 0 : i32
        %dma_start3A_454 = tpu.memref_slice %arg11[%dma_start3A_452, %dma_start3A_453] : memref<10240x32xf32, #tpu.memory_space<vmem_shared>> -> memref<10240x32xf32, #tpu.memory_space<vmem_shared>>
        tpu.enqueue_indirect_dma source(%dma_start3A_448 : memref<125x32xf32, #tpu.memory_space<vmem>>) target(%dma_start3A_454 : memref<10240x32xf32, #tpu.memory_space<vmem_shared>>) offsets(%dma_start3A_451 : memref<125xi32, #tpu.memory_space<vmem>>) semaphore(%run_scoped3A : memref<!tpu.dma_semaphore, #tpu.memory_space<semaphore_mem>>) {add = true}
        %dma_wait3A_455 = arith.constant 1250 : i32
        %dma_wait3A_456 = arith.constant 0 : i32
        %dma_wait3A_457 = tpu.memref_slice %arg8[%dma_wait3A_455, %dma_wait3A_456] : memref<2000x32xf32, #tpu.memory_space<vmem>> -> memref<125x32xf32, #tpu.memory_space<vmem>>
        %dma_wait3A_458 = arith.constant 0 : i32
        %dma_wait3A_459 = tpu.memref_slice %arg7[%add3A_425, %dma_wait3A_458] : memref<80x125xi32, #tpu.memory_space<vmem>> -> memref<1x125xi32, #tpu.memory_space<vmem>>
        %dma_wait3A_460 = tpu.memref_squeeze %dma_wait3A_459 : memref<1x125xi32, #tpu.memory_space<vmem>> -> memref<125xi32, #tpu.memory_space<vmem>>
        %dma_wait3A_461 = arith.constant 0 : i32
        %dma_wait3A_462 = arith.constant 0 : i32
        %dma_wait3A_463 = tpu.memref_slice %arg11[%dma_wait3A_461, %dma_wait3A_462] : memref<10240x32xf32, #tpu.memory_space<vmem_shared>> -> memref<10240x32xf32, #tpu.memory_space<vmem_shared>>
        tpu.wait_indirect_dma semaphore(%run_scoped3A : memref<!tpu.dma_semaphore, #tpu.memory_space<semaphore_mem>>) src(%dma_wait3A_457 : memref<125x32xf32, #tpu.memory_space<vmem>>) dst(%dma_wait3A_463 : memref<10240x32xf32, #tpu.memory_space<vmem_shared>>)
        tpu.yield
      }) : () -> ()
      %add3A_426 = arith.constant 8 : i32
      %add3A_427 = arith.addi %mul3A_132, %add3A_426 : i32
      %add3A_428 = arith.constant 3 : i32
      %add3A_429 = arith.addi %add3A_427, %add3A_428 : i32
      "tpu.region"() ({
        %run_scoped3A = tpu.sem_alloc : memref<!tpu.dma_semaphore, #tpu.memory_space<semaphore_mem>>
        %dma_start3A_446 = arith.constant 1375 : i32
        %dma_start3A_447 = arith.constant 0 : i32
        %dma_start3A_448 = tpu.memref_slice %arg8[%dma_start3A_446, %dma_start3A_447] : memref<2000x32xf32, #tpu.memory_space<vmem>> -> memref<125x32xf32, #tpu.memory_space<vmem>>
        %dma_start3A_449 = arith.constant 0 : i32
        %dma_start3A_450 = tpu.memref_slice %arg7[%add3A_429, %dma_start3A_449] : memref<80x125xi32, #tpu.memory_space<vmem>> -> memref<1x125xi32, #tpu.memory_space<vmem>>
        %dma_start3A_451 = tpu.memref_squeeze %dma_start3A_450 : memref<1x125xi32, #tpu.memory_space<vmem>> -> memref<125xi32, #tpu.memory_space<vmem>>
        %dma_start3A_452 = arith.constant 0 : i32
        %dma_start3A_453 = arith.constant 0 : i32
        %dma_start3A_454 = tpu.memref_slice %arg11[%dma_start3A_452, %dma_start3A_453] : memref<10240x32xf32, #tpu.memory_space<vmem_shared>> -> memref<10240x32xf32, #tpu.memory_space<vmem_shared>>
        tpu.enqueue_indirect_dma source(%dma_start3A_448 : memref<125x32xf32, #tpu.memory_space<vmem>>) target(%dma_start3A_454 : memref<10240x32xf32, #tpu.memory_space<vmem_shared>>) offsets(%dma_start3A_451 : memref<125xi32, #tpu.memory_space<vmem>>) semaphore(%run_scoped3A : memref<!tpu.dma_semaphore, #tpu.memory_space<semaphore_mem>>) {add = true}
        %dma_wait3A_455 = arith.constant 1375 : i32
        %dma_wait3A_456 = arith.constant 0 : i32
        %dma_wait3A_457 = tpu.memref_slice %arg8[%dma_wait3A_455, %dma_wait3A_456] : memref<2000x32xf32, #tpu.memory_space<vmem>> -> memref<125x32xf32, #tpu.memory_space<vmem>>
        %dma_wait3A_458 = arith.constant 0 : i32
        %dma_wait3A_459 = tpu.memref_slice %arg7[%add3A_429, %dma_wait3A_458] : memref<80x125xi32, #tpu.memory_space<vmem>> -> memref<1x125xi32, #tpu.memory_space<vmem>>
        %dma_wait3A_460 = tpu.memref_squeeze %dma_wait3A_459 : memref<1x125xi32, #tpu.memory_space<vmem>> -> memref<125xi32, #tpu.memory_space<vmem>>
        %dma_wait3A_461 = arith.constant 0 : i32
        %dma_wait3A_462 = arith.constant 0 : i32
        %dma_wait3A_463 = tpu.memref_slice %arg11[%dma_wait3A_461, %dma_wait3A_462] : memref<10240x32xf32, #tpu.memory_space<vmem_shared>> -> memref<10240x32xf32, #tpu.memory_space<vmem_shared>>
        tpu.wait_indirect_dma semaphore(%run_scoped3A : memref<!tpu.dma_semaphore, #tpu.memory_space<semaphore_mem>>) src(%dma_wait3A_457 : memref<125x32xf32, #tpu.memory_space<vmem>>) dst(%dma_wait3A_463 : memref<10240x32xf32, #tpu.memory_space<vmem_shared>>)
        tpu.yield
      }) : () -> ()
      %add3A_430 = arith.constant 8 : i32
      %add3A_431 = arith.addi %mul3A_132, %add3A_430 : i32
      %add3A_432 = arith.constant 4 : i32
      %add3A_433 = arith.addi %add3A_431, %add3A_432 : i32
      "tpu.region"() ({
        %run_scoped3A = tpu.sem_alloc : memref<!tpu.dma_semaphore, #tpu.memory_space<semaphore_mem>>
        %dma_start3A_446 = arith.constant 1500 : i32
        %dma_start3A_447 = arith.constant 0 : i32
        %dma_start3A_448 = tpu.memref_slice %arg8[%dma_start3A_446, %dma_start3A_447] : memref<2000x32xf32, #tpu.memory_space<vmem>> -> memref<125x32xf32, #tpu.memory_space<vmem>>
        %dma_start3A_449 = arith.constant 0 : i32
        %dma_start3A_450 = tpu.memref_slice %arg7[%add3A_433, %dma_start3A_449] : memref<80x125xi32, #tpu.memory_space<vmem>> -> memref<1x125xi32, #tpu.memory_space<vmem>>
        %dma_start3A_451 = tpu.memref_squeeze %dma_start3A_450 : memref<1x125xi32, #tpu.memory_space<vmem>> -> memref<125xi32, #tpu.memory_space<vmem>>
        %dma_start3A_452 = arith.constant 0 : i32
        %dma_start3A_453 = arith.constant 0 : i32
        %dma_start3A_454 = tpu.memref_slice %arg11[%dma_start3A_452, %dma_start3A_453] : memref<10240x32xf32, #tpu.memory_space<vmem_shared>> -> memref<10240x32xf32, #tpu.memory_space<vmem_shared>>
        tpu.enqueue_indirect_dma source(%dma_start3A_448 : memref<125x32xf32, #tpu.memory_space<vmem>>) target(%dma_start3A_454 : memref<10240x32xf32, #tpu.memory_space<vmem_shared>>) offsets(%dma_start3A_451 : memref<125xi32, #tpu.memory_space<vmem>>) semaphore(%run_scoped3A : memref<!tpu.dma_semaphore, #tpu.memory_space<semaphore_mem>>) {add = true}
        %dma_wait3A_455 = arith.constant 1500 : i32
        %dma_wait3A_456 = arith.constant 0 : i32
        %dma_wait3A_457 = tpu.memref_slice %arg8[%dma_wait3A_455, %dma_wait3A_456] : memref<2000x32xf32, #tpu.memory_space<vmem>> -> memref<125x32xf32, #tpu.memory_space<vmem>>
        %dma_wait3A_458 = arith.constant 0 : i32
        %dma_wait3A_459 = tpu.memref_slice %arg7[%add3A_433, %dma_wait3A_458] : memref<80x125xi32, #tpu.memory_space<vmem>> -> memref<1x125xi32, #tpu.memory_space<vmem>>
        %dma_wait3A_460 = tpu.memref_squeeze %dma_wait3A_459 : memref<1x125xi32, #tpu.memory_space<vmem>> -> memref<125xi32, #tpu.memory_space<vmem>>
        %dma_wait3A_461 = arith.constant 0 : i32
        %dma_wait3A_462 = arith.constant 0 : i32
        %dma_wait3A_463 = tpu.memref_slice %arg11[%dma_wait3A_461, %dma_wait3A_462] : memref<10240x32xf32, #tpu.memory_space<vmem_shared>> -> memref<10240x32xf32, #tpu.memory_space<vmem_shared>>
        tpu.wait_indirect_dma semaphore(%run_scoped3A : memref<!tpu.dma_semaphore, #tpu.memory_space<semaphore_mem>>) src(%dma_wait3A_457 : memref<125x32xf32, #tpu.memory_space<vmem>>) dst(%dma_wait3A_463 : memref<10240x32xf32, #tpu.memory_space<vmem_shared>>)
        tpu.yield
      }) : () -> ()
      %add3A_434 = arith.constant 8 : i32
      %add3A_435 = arith.addi %mul3A_132, %add3A_434 : i32
      %add3A_436 = arith.constant 5 : i32
      %add3A_437 = arith.addi %add3A_435, %add3A_436 : i32
      "tpu.region"() ({
        %run_scoped3A = tpu.sem_alloc : memref<!tpu.dma_semaphore, #tpu.memory_space<semaphore_mem>>
        %dma_start3A_446 = arith.constant 1625 : i32
        %dma_start3A_447 = arith.constant 0 : i32
        %dma_start3A_448 = tpu.memref_slice %arg8[%dma_start3A_446, %dma_start3A_447] : memref<2000x32xf32, #tpu.memory_space<vmem>> -> memref<125x32xf32, #tpu.memory_space<vmem>>
        %dma_start3A_449 = arith.constant 0 : i32
        %dma_start3A_450 = tpu.memref_slice %arg7[%add3A_437, %dma_start3A_449] : memref<80x125xi32, #tpu.memory_space<vmem>> -> memref<1x125xi32, #tpu.memory_space<vmem>>
        %dma_start3A_451 = tpu.memref_squeeze %dma_start3A_450 : memref<1x125xi32, #tpu.memory_space<vmem>> -> memref<125xi32, #tpu.memory_space<vmem>>
        %dma_start3A_452 = arith.constant 0 : i32
        %dma_start3A_453 = arith.constant 0 : i32
        %dma_start3A_454 = tpu.memref_slice %arg11[%dma_start3A_452, %dma_start3A_453] : memref<10240x32xf32, #tpu.memory_space<vmem_shared>> -> memref<10240x32xf32, #tpu.memory_space<vmem_shared>>
        tpu.enqueue_indirect_dma source(%dma_start3A_448 : memref<125x32xf32, #tpu.memory_space<vmem>>) target(%dma_start3A_454 : memref<10240x32xf32, #tpu.memory_space<vmem_shared>>) offsets(%dma_start3A_451 : memref<125xi32, #tpu.memory_space<vmem>>) semaphore(%run_scoped3A : memref<!tpu.dma_semaphore, #tpu.memory_space<semaphore_mem>>) {add = true}
        %dma_wait3A_455 = arith.constant 1625 : i32
        %dma_wait3A_456 = arith.constant 0 : i32
        %dma_wait3A_457 = tpu.memref_slice %arg8[%dma_wait3A_455, %dma_wait3A_456] : memref<2000x32xf32, #tpu.memory_space<vmem>> -> memref<125x32xf32, #tpu.memory_space<vmem>>
        %dma_wait3A_458 = arith.constant 0 : i32
        %dma_wait3A_459 = tpu.memref_slice %arg7[%add3A_437, %dma_wait3A_458] : memref<80x125xi32, #tpu.memory_space<vmem>> -> memref<1x125xi32, #tpu.memory_space<vmem>>
        %dma_wait3A_460 = tpu.memref_squeeze %dma_wait3A_459 : memref<1x125xi32, #tpu.memory_space<vmem>> -> memref<125xi32, #tpu.memory_space<vmem>>
        %dma_wait3A_461 = arith.constant 0 : i32
        %dma_wait3A_462 = arith.constant 0 : i32
        %dma_wait3A_463 = tpu.memref_slice %arg11[%dma_wait3A_461, %dma_wait3A_462] : memref<10240x32xf32, #tpu.memory_space<vmem_shared>> -> memref<10240x32xf32, #tpu.memory_space<vmem_shared>>
        tpu.wait_indirect_dma semaphore(%run_scoped3A : memref<!tpu.dma_semaphore, #tpu.memory_space<semaphore_mem>>) src(%dma_wait3A_457 : memref<125x32xf32, #tpu.memory_space<vmem>>) dst(%dma_wait3A_463 : memref<10240x32xf32, #tpu.memory_space<vmem_shared>>)
        tpu.yield
      }) : () -> ()
      %add3A_438 = arith.constant 8 : i32
      %add3A_439 = arith.addi %mul3A_132, %add3A_438 : i32
      %add3A_440 = arith.constant 6 : i32
      %add3A_441 = arith.addi %add3A_439, %add3A_440 : i32
      "tpu.region"() ({
        %run_scoped3A = tpu.sem_alloc : memref<!tpu.dma_semaphore, #tpu.memory_space<semaphore_mem>>
        %dma_start3A_446 = arith.constant 1750 : i32
        %dma_start3A_447 = arith.constant 0 : i32
        %dma_start3A_448 = tpu.memref_slice %arg8[%dma_start3A_446, %dma_start3A_447] : memref<2000x32xf32, #tpu.memory_space<vmem>> -> memref<125x32xf32, #tpu.memory_space<vmem>>
        %dma_start3A_449 = arith.constant 0 : i32
        %dma_start3A_450 = tpu.memref_slice %arg7[%add3A_441, %dma_start3A_449] : memref<80x125xi32, #tpu.memory_space<vmem>> -> memref<1x125xi32, #tpu.memory_space<vmem>>
        %dma_start3A_451 = tpu.memref_squeeze %dma_start3A_450 : memref<1x125xi32, #tpu.memory_space<vmem>> -> memref<125xi32, #tpu.memory_space<vmem>>
        %dma_start3A_452 = arith.constant 0 : i32
        %dma_start3A_453 = arith.constant 0 : i32
        %dma_start3A_454 = tpu.memref_slice %arg11[%dma_start3A_452, %dma_start3A_453] : memref<10240x32xf32, #tpu.memory_space<vmem_shared>> -> memref<10240x32xf32, #tpu.memory_space<vmem_shared>>
        tpu.enqueue_indirect_dma source(%dma_start3A_448 : memref<125x32xf32, #tpu.memory_space<vmem>>) target(%dma_start3A_454 : memref<10240x32xf32, #tpu.memory_space<vmem_shared>>) offsets(%dma_start3A_451 : memref<125xi32, #tpu.memory_space<vmem>>) semaphore(%run_scoped3A : memref<!tpu.dma_semaphore, #tpu.memory_space<semaphore_mem>>) {add = true}
        %dma_wait3A_455 = arith.constant 1750 : i32
        %dma_wait3A_456 = arith.constant 0 : i32
        %dma_wait3A_457 = tpu.memref_slice %arg8[%dma_wait3A_455, %dma_wait3A_456] : memref<2000x32xf32, #tpu.memory_space<vmem>> -> memref<125x32xf32, #tpu.memory_space<vmem>>
        %dma_wait3A_458 = arith.constant 0 : i32
        %dma_wait3A_459 = tpu.memref_slice %arg7[%add3A_441, %dma_wait3A_458] : memref<80x125xi32, #tpu.memory_space<vmem>> -> memref<1x125xi32, #tpu.memory_space<vmem>>
        %dma_wait3A_460 = tpu.memref_squeeze %dma_wait3A_459 : memref<1x125xi32, #tpu.memory_space<vmem>> -> memref<125xi32, #tpu.memory_space<vmem>>
        %dma_wait3A_461 = arith.constant 0 : i32
        %dma_wait3A_462 = arith.constant 0 : i32
        %dma_wait3A_463 = tpu.memref_slice %arg11[%dma_wait3A_461, %dma_wait3A_462] : memref<10240x32xf32, #tpu.memory_space<vmem_shared>> -> memref<10240x32xf32, #tpu.memory_space<vmem_shared>>
        tpu.wait_indirect_dma semaphore(%run_scoped3A : memref<!tpu.dma_semaphore, #tpu.memory_space<semaphore_mem>>) src(%dma_wait3A_457 : memref<125x32xf32, #tpu.memory_space<vmem>>) dst(%dma_wait3A_463 : memref<10240x32xf32, #tpu.memory_space<vmem_shared>>)
        tpu.yield
      }) : () -> ()
      %add3A_442 = arith.constant 8 : i32
      %add3A_443 = arith.addi %mul3A_132, %add3A_442 : i32
      %add3A_444 = arith.constant 7 : i32
      %add3A_445 = arith.addi %add3A_443, %add3A_444 : i32
      "tpu.region"() ({
        %run_scoped3A = tpu.sem_alloc : memref<!tpu.dma_semaphore, #tpu.memory_space<semaphore_mem>>
        %dma_start3A_446 = arith.constant 1875 : i32
        %dma_start3A_447 = arith.constant 0 : i32
        %dma_start3A_448 = tpu.memref_slice %arg8[%dma_start3A_446, %dma_start3A_447] : memref<2000x32xf32, #tpu.memory_space<vmem>> -> memref<125x32xf32, #tpu.memory_space<vmem>>
        %dma_start3A_449 = arith.constant 0 : i32
        %dma_start3A_450 = tpu.memref_slice %arg7[%add3A_445, %dma_start3A_449] : memref<80x125xi32, #tpu.memory_space<vmem>> -> memref<1x125xi32, #tpu.memory_space<vmem>>
        %dma_start3A_451 = tpu.memref_squeeze %dma_start3A_450 : memref<1x125xi32, #tpu.memory_space<vmem>> -> memref<125xi32, #tpu.memory_space<vmem>>
        %dma_start3A_452 = arith.constant 0 : i32
        %dma_start3A_453 = arith.constant 0 : i32
        %dma_start3A_454 = tpu.memref_slice %arg11[%dma_start3A_452, %dma_start3A_453] : memref<10240x32xf32, #tpu.memory_space<vmem_shared>> -> memref<10240x32xf32, #tpu.memory_space<vmem_shared>>
        tpu.enqueue_indirect_dma source(%dma_start3A_448 : memref<125x32xf32, #tpu.memory_space<vmem>>) target(%dma_start3A_454 : memref<10240x32xf32, #tpu.memory_space<vmem_shared>>) offsets(%dma_start3A_451 : memref<125xi32, #tpu.memory_space<vmem>>) semaphore(%run_scoped3A : memref<!tpu.dma_semaphore, #tpu.memory_space<semaphore_mem>>) {add = true}
        %dma_wait3A_455 = arith.constant 1875 : i32
        %dma_wait3A_456 = arith.constant 0 : i32
        %dma_wait3A_457 = tpu.memref_slice %arg8[%dma_wait3A_455, %dma_wait3A_456] : memref<2000x32xf32, #tpu.memory_space<vmem>> -> memref<125x32xf32, #tpu.memory_space<vmem>>
        %dma_wait3A_458 = arith.constant 0 : i32
        %dma_wait3A_459 = tpu.memref_slice %arg7[%add3A_445, %dma_wait3A_458] : memref<80x125xi32, #tpu.memory_space<vmem>> -> memref<1x125xi32, #tpu.memory_space<vmem>>
        %dma_wait3A_460 = tpu.memref_squeeze %dma_wait3A_459 : memref<1x125xi32, #tpu.memory_space<vmem>> -> memref<125xi32, #tpu.memory_space<vmem>>
        %dma_wait3A_461 = arith.constant 0 : i32
        %dma_wait3A_462 = arith.constant 0 : i32
        %dma_wait3A_463 = tpu.memref_slice %arg11[%dma_wait3A_461, %dma_wait3A_462] : memref<10240x32xf32, #tpu.memory_space<vmem_shared>> -> memref<10240x32xf32, #tpu.memory_space<vmem_shared>>
        tpu.wait_indirect_dma semaphore(%run_scoped3A : memref<!tpu.dma_semaphore, #tpu.memory_space<semaphore_mem>>) src(%dma_wait3A_457 : memref<125x32xf32, #tpu.memory_space<vmem>>) dst(%dma_wait3A_463 : memref<10240x32xf32, #tpu.memory_space<vmem_shared>>)
        tpu.yield
      }) : () -> ()
    }
    %scan3A_122 = arith.constant 5 : i32
    %barrier3A_123 = arith.constant 0 : index
    tpu.barrier barrier_id(%barrier3A_123)
    %mul3A_124 = arith.constant 640 : i32
    %mul3A_125 = arith.muli %arg1, %mul3A_124 : i32
    %mul3A_126 = arith.constant 640 : i32
    %mul3A_127 = arith.muli %arg1, %mul3A_126 : i32
    "tpu.region"() ({
      %run_scoped3A = tpu.sem_alloc : memref<!tpu.dma_semaphore, #tpu.memory_space<semaphore_mem>>
      %dma_start3A_128 = arith.constant 0 : i32
      %dma_start3A_129 = tpu.memref_slice %arg5[%arg0, %mul3A_127, %dma_start3A_128] : memref<2x10240x32xf32, #tpu.memory_space<hbm>> -> memref<1x640x32xf32, #tpu.memory_space<hbm>>
      %dma_start3A_130 = tpu.memref_squeeze %dma_start3A_129 : memref<1x640x32xf32, #tpu.memory_space<hbm>> -> memref<640x32xf32, #tpu.memory_space<hbm>>
      %dma_start3A_131 = arith.constant 0 : i32
      %dma_start3A_132 = tpu.memref_slice %arg11[%mul3A_125, %dma_start3A_131] : memref<10240x32xf32, #tpu.memory_space<vmem_shared>> -> memref<640x32xf32, #tpu.memory_space<vmem_shared>>
      tpu.enqueue_dma source(%dma_start3A_132 : memref<640x32xf32, #tpu.memory_space<vmem_shared>>) target(%dma_start3A_130 : memref<640x32xf32, #tpu.memory_space<hbm>>) target_semaphore(%run_scoped3A : memref<!tpu.dma_semaphore, #tpu.memory_space<semaphore_mem>>)
      %dma_wait3A_133 = arith.constant 0 : i32
      %dma_wait3A_134 = tpu.memref_slice %arg5[%arg0, %mul3A_127, %dma_wait3A_133] : memref<2x10240x32xf32, #tpu.memory_space<hbm>> -> memref<1x640x32xf32, #tpu.memory_space<hbm>>
      %dma_wait3A_135 = tpu.memref_squeeze %dma_wait3A_134 : memref<1x640x32xf32, #tpu.memory_space<hbm>> -> memref<640x32xf32, #tpu.memory_space<hbm>>
      %dma_wait3A_136 = arith.constant 0 : i32
      %dma_wait3A_137 = tpu.memref_slice %arg11[%mul3A_125, %dma_wait3A_136] : memref<10240x32xf32, #tpu.memory_space<vmem_shared>> -> memref<640x32xf32, #tpu.memory_space<vmem_shared>>
      tpu.wait_dma2 semaphore(%run_scoped3A : memref<!tpu.dma_semaphore, #tpu.memory_space<semaphore_mem>>) src(%dma_wait3A_137 : memref<640x32xf32, #tpu.memory_space<vmem_shared>>) dst(%dma_wait3A_135 : memref<640x32xf32, #tpu.memory_space<hbm>>)
      tpu.yield
    }) : () -> ()
    return
  }
}

module attributes {stable_mosaic.version = 14 : i64} {
  func.func @_tc_a_body(%arg0: i32, %arg1: memref<2048x128xf32, #tpu.memory_space<vmem>>, %arg2: memref<128x64xf32, #tpu.memory_space<vmem>>, %arg3: memref<32x2048xf32, #tpu.memory_space<vmem>>, %arg4: memref<2048x64xf32, #tpu.memory_space<vmem>>, %arg5: memref<2048x128xf32, #tpu.memory_space<vmem>>) attributes {dimension_semantics = [#tpu.dimension_semantics<arbitrary>], iteration_bounds = array<i64: 5>, scalar_prefetch = 0 : i64, scratch_operands = 0 : i64, tpu.core_type = #tpu.core_type<tc>, window_params = [{transform_indices = @transform_0, window_bounds = array<i64: 2048, 128>}, {pipeline_mode = #tpu.pipeline_mode<synchronous>, transform_indices = @transform_1, window_bounds = array<i64: 128, 64>}, {transform_indices = @transform_2, window_bounds = array<i64: 32, 2048>}, {transform_indices = @transform_3, window_bounds = array<i64: 2048, 64>}, {transform_indices = @transform_4, window_bounds = array<i64: 2048, 128>}]} {
    %get3A = arith.constant 0 : index
    %get3A_0 = arith.constant 0 : index
    %get3A_1 = vector.load %arg3[%get3A, %get3A_0] : memref<32x2048xf32, #tpu.memory_space<vmem>>, vector<32x2048xf32>
    %transpose3A = tpu.transpose %get3A_1, [1, 0] : vector<32x2048xf32> -> vector<2048x32xf32>
    %reduce_sum3A = arith.constant dense<0.000000e+00> : vector<2048xf32>
    %reduce_sum3A_2 = vector.multi_reduction <add>, %transpose3A, %reduce_sum3A [1] : vector<2048x32xf32> to vector<2048xf32>
    %broadcast_in_dim3A = vector.shape_cast %reduce_sum3A_2 : vector<2048xf32> to vector<2048x1xf32>
    %add3A = arith.constant 1.000000e+00 : f32
    %add3A_3 = vector.broadcast %add3A : f32 to vector<2048x1xf32>
    %add3A_4 = arith.addf %broadcast_in_dim3A, %add3A_3 : vector<2048x1xf32>
    %rsqrt3A = math.rsqrt %add3A_4 : vector<2048x1xf32>
    %get3A_5 = arith.constant 0 : index
    %get3A_6 = arith.constant 0 : index
    %get3A_7 = vector.load %arg1[%get3A_5, %get3A_6] : memref<2048x128xf32, #tpu.memory_space<vmem>>, vector<2048x128xf32>
    %get3A_8 = arith.constant 0 : index
    %get3A_9 = arith.constant 0 : index
    %get3A_10 = vector.load %arg2[%get3A_8, %get3A_9] : memref<128x64xf32, #tpu.memory_space<vmem>>, vector<128x64xf32>
    %dot_general3A = arith.constant dense<0.000000e+00> : vector<2048x64xf32>
    %dot_general3A_11 = tpu.matmul %get3A_7, %get3A_10, %dot_general3A {dimension_numbers = #tpu.dot_dimension_numbers<[1], [0], [0], [1], [0, 0, 1, 1], [], []>, transpose_lhs_hint = false} : vector<2048x128xf32>, vector<128x64xf32>, vector<2048x64xf32> -> vector<2048x64xf32>
    %mul3A = vector.broadcast %rsqrt3A : vector<2048x1xf32> to vector<2048x64xf32>
    %mul3A_12 = arith.mulf %dot_general3A_11, %mul3A : vector<2048x64xf32>
    %swap3A = arith.constant 0 : index
    %swap3A_13 = arith.constant 0 : index
    %swap3A_14 = vector.load %arg4[%swap3A, %swap3A_13] : memref<2048x64xf32, #tpu.memory_space<vmem>>, vector<2048x64xf32>
    tpu.vector_store %arg4[%swap3A, %swap3A_13], %mul3A_12 {strides = array<i32>} : memref<2048x64xf32, #tpu.memory_space<vmem>>, vector<2048x64xf32>,
    %broadcast_in_dim3A_15 = vector.shape_cast %rsqrt3A : vector<2048x1xf32> to vector<2048x1xf32>
    %broadcast_in_dim3A_16 = vector.broadcast %broadcast_in_dim3A_15 : vector<2048x1xf32> to vector<2048x128xf32>
    %swap3A_17 = arith.constant 0 : index
    %swap3A_18 = arith.constant 0 : index
    %swap3A_19 = vector.load %arg5[%swap3A_17, %swap3A_18] : memref<2048x128xf32, #tpu.memory_space<vmem>>, vector<2048x128xf32>
    tpu.vector_store %arg5[%swap3A_17, %swap3A_18], %broadcast_in_dim3A_16 {strides = array<i32>} : memref<2048x128xf32, #tpu.memory_space<vmem>>, vector<2048x128xf32>,
    return
  }
  func.func @transform_0(%arg0: i32) -> (i32, i32) {
    %c0_i32 = arith.constant 0 : i32
    %c0_i32_0 = arith.constant 0 : i32
    return %arg0, %c0_i32 : i32, i32
  }
  func.func @transform_1(%arg0: i32) -> (i32, i32) {
    %c0_i32 = arith.constant 0 : i32
    %c0_i32_0 = arith.constant 0 : i32
    %c0_i32_1 = arith.constant 0 : i32
    return %c0_i32, %c0_i32_0 : i32, i32
  }
  func.func @transform_2(%arg0: i32) -> (i32, i32) {
    %c0_i32 = arith.constant 0 : i32
    %c0_i32_0 = arith.constant 0 : i32
    return %c0_i32, %arg0 : i32, i32
  }
  func.func @transform_3(%arg0: i32) -> (i32, i32) {
    %c0_i32 = arith.constant 0 : i32
    %c0_i32_0 = arith.constant 0 : i32
    return %arg0, %c0_i32 : i32, i32
  }
  func.func @transform_4(%arg0: i32) -> (i32, i32) {
    %c0_i32 = arith.constant 0 : i32
    %c0_i32_0 = arith.constant 0 : i32
    return %arg0, %c0_i32 : i32, i32
  }
}

module attributes {stable_mosaic.version = 14 : i64} {
  func.func @_tc_b_body(%arg0: i32, %arg1: memref<2x2048x64xf32, #tpu.memory_space<vmem>>, %arg2: memref<2048x64xf32, #tpu.memory_space<vmem>>, %arg3: memref<2048x128xf32, #tpu.memory_space<vmem>>, %arg4: memref<1x64xf32, #tpu.memory_space<vmem>>, %arg5: memref<64x32xf32, #tpu.memory_space<vmem>>, %arg6: memref<2048x32xf32, #tpu.memory_space<vmem>>) attributes {dimension_semantics = [#tpu.dimension_semantics<arbitrary>], iteration_bounds = array<i64: 5>, scalar_prefetch = 0 : i64, scratch_operands = 0 : i64, tpu.core_type = #tpu.core_type<tc>, window_params = [{transform_indices = @transform_0, window_bounds = array<i64: 2, 2048, 64>}, {transform_indices = @transform_1, window_bounds = array<i64: 2048, 64>}, {transform_indices = @transform_2, window_bounds = array<i64: 2048, 128>}, {pipeline_mode = #tpu.pipeline_mode<synchronous>, transform_indices = @transform_3, window_bounds = array<i64: 1, 64>}, {pipeline_mode = #tpu.pipeline_mode<synchronous>, transform_indices = @transform_4, window_bounds = array<i64: 64, 32>}, {transform_indices = @transform_5, window_bounds = array<i64: 2048, 32>}]} {
    %get3A = arith.constant 0 : index
    %get3A_0 = arith.constant 0 : index
    %get3A_1 = arith.constant 0 : index
    %get3A_2 = vector.load %arg1[%get3A, %get3A_0, %get3A_1] : memref<2x2048x64xf32, #tpu.memory_space<vmem>>, vector<2x2048x64xf32>
    %get3A_3 = arith.constant 0 : index
    %get3A_4 = arith.constant 0 : index
    %get3A_5 = vector.load %arg3[%get3A_3, %get3A_4] : memref<2048x128xf32, #tpu.memory_space<vmem>>, vector<2048x128xf32>
    %slice3A = vector.extract_strided_slice %get3A_2 {offsets = [0, 0, 0], sizes = [1, 2048, 64], strides = [1, 1, 1]} : vector<2x2048x64xf32> to vector<1x2048x64xf32>
    %squeeze3A = vector.shape_cast %slice3A : vector<1x2048x64xf32> to vector<2048x64xf32>
    %slice3A_6 = vector.extract_strided_slice %get3A_2 {offsets = [1, 0, 0], sizes = [1, 2048, 64], strides = [1, 1, 1]} : vector<2x2048x64xf32> to vector<1x2048x64xf32>
    %squeeze3A_7 = vector.shape_cast %slice3A_6 : vector<1x2048x64xf32> to vector<2048x64xf32>
    %add3A = arith.addf %squeeze3A, %squeeze3A_7 : vector<2048x64xf32>
    %get3A_8 = arith.constant 0 : index
    %get3A_9 = arith.constant 0 : index
    %get3A_10 = vector.load %arg2[%get3A_8, %get3A_9] : memref<2048x64xf32, #tpu.memory_space<vmem>>, vector<2048x64xf32>
    %add3A_11 = arith.addf %add3A, %get3A_10 : vector<2048x64xf32>
    %slice3A_12 = vector.extract_strided_slice %get3A_5 {offsets = [0, 0], sizes = [2048, 64], strides = [1, 1]} : vector<2048x128xf32> to vector<2048x64xf32>
    %mul3A = arith.mulf %add3A_11, %slice3A_12 : vector<2048x64xf32>
    %get3A_13 = arith.constant 0 : index
    %get3A_14 = arith.constant 0 : index
    %get3A_15 = vector.load %arg4[%get3A_13, %get3A_14] : memref<1x64xf32, #tpu.memory_space<vmem>>, vector<1x64xf32>
    %add3A_16 = vector.broadcast %get3A_15 : vector<1x64xf32> to vector<2048x64xf32>
    %add3A_17 = arith.addf %mul3A, %add3A_16 : vector<2048x64xf32>
    %max3A = arith.constant 0.000000e+00 : f32
    %max3A_18 = vector.broadcast %max3A : f32 to vector<2048x64xf32>
    %max3A_19 = arith.maximumf %add3A_17, %max3A_18 : vector<2048x64xf32>
    %get3A_20 = arith.constant 0 : index
    %get3A_21 = arith.constant 0 : index
    %get3A_22 = vector.load %arg5[%get3A_20, %get3A_21] : memref<64x32xf32, #tpu.memory_space<vmem>>, vector<64x32xf32>
    %dot_general3A = arith.constant dense<0.000000e+00> : vector<2048x32xf32>
    %dot_general3A_23 = tpu.matmul %max3A_19, %get3A_22, %dot_general3A {dimension_numbers = #tpu.dot_dimension_numbers<[1], [0], [0], [1], [0, 0, 1, 1], [], []>, transpose_lhs_hint = false} : vector<2048x64xf32>, vector<64x32xf32>, vector<2048x32xf32> -> vector<2048x32xf32>
    %slice3A_24 = vector.extract_strided_slice %get3A_5 {offsets = [0, 0], sizes = [2048, 32], strides = [1, 1]} : vector<2048x128xf32> to vector<2048x32xf32>
    %mul3A_25 = arith.mulf %dot_general3A_23, %slice3A_24 : vector<2048x32xf32>
    %swap3A = arith.constant 0 : index
    %swap3A_26 = arith.constant 0 : index
    %swap3A_27 = vector.load %arg6[%swap3A, %swap3A_26] : memref<2048x32xf32, #tpu.memory_space<vmem>>, vector<2048x32xf32>
    tpu.vector_store %arg6[%swap3A, %swap3A_26], %mul3A_25 {strides = array<i32>} : memref<2048x32xf32, #tpu.memory_space<vmem>>, vector<2048x32xf32>,
    return
  }
  func.func @transform_0(%arg0: i32) -> (i32, i32, i32) {
    %c0_i32 = arith.constant 0 : i32
    %c0_i32_0 = arith.constant 0 : i32
    %c0_i32_1 = arith.constant 0 : i32
    return %c0_i32, %arg0, %c0_i32_0 : i32, i32, i32
  }
  func.func @transform_1(%arg0: i32) -> (i32, i32) {
    %c0_i32 = arith.constant 0 : i32
    %c0_i32_0 = arith.constant 0 : i32
    return %arg0, %c0_i32 : i32, i32
  }
  func.func @transform_2(%arg0: i32) -> (i32, i32) {
    %c0_i32 = arith.constant 0 : i32
    %c0_i32_0 = arith.constant 0 : i32
    return %arg0, %c0_i32 : i32, i32
  }
  func.func @transform_3(%arg0: i32) -> (i32, i32) {
    %c0_i32 = arith.constant 0 : i32
    %c0_i32_0 = arith.constant 0 : i32
    %c0_i32_1 = arith.constant 0 : i32
    return %c0_i32, %c0_i32_0 : i32, i32
  }
  func.func @transform_4(%arg0: i32) -> (i32, i32) {
    %c0_i32 = arith.constant 0 : i32
    %c0_i32_0 = arith.constant 0 : i32
    %c0_i32_1 = arith.constant 0 : i32
    return %c0_i32, %c0_i32_0 : i32, i32
  }
  func.func @transform_5(%arg0: i32) -> (i32, i32) {
    %c0_i32 = arith.constant 0 : i32
    %c0_i32_0 = arith.constant 0 : i32
    return %arg0, %c0_i32 : i32, i32
  }
}

module attributes {stable_mosaic.version = 14 : i64} {
  func.func @_tc_c_body(%arg0: i32, %arg1: memref<2x2000x32xf32, #tpu.memory_space<vmem>>, %arg2: memref<2000x32xf32, #tpu.memory_space<vmem>>, %arg3: memref<2000x128xf32, #tpu.memory_space<vmem>>, %arg4: memref<1x32xf32, #tpu.memory_space<vmem>>, %arg5: memref<2000x32xf32, #tpu.memory_space<vmem>>) attributes {dimension_semantics = [#tpu.dimension_semantics<arbitrary>], iteration_bounds = array<i64: 5>, scalar_prefetch = 0 : i64, scratch_operands = 0 : i64, tpu.core_type = #tpu.core_type<tc>, window_params = [{transform_indices = @transform_0, window_bounds = array<i64: 2, 2000, 32>}, {transform_indices = @transform_1, window_bounds = array<i64: 2000, 32>}, {transform_indices = @transform_2, window_bounds = array<i64: 2000, 128>}, {pipeline_mode = #tpu.pipeline_mode<synchronous>, transform_indices = @transform_3, window_bounds = array<i64: 1, 32>}, {transform_indices = @transform_4, window_bounds = array<i64: 2000, 32>}]} {
    %get3A = arith.constant 0 : index
    %get3A_0 = arith.constant 0 : index
    %get3A_1 = arith.constant 0 : index
    %get3A_2 = vector.load %arg1[%get3A, %get3A_0, %get3A_1] : memref<2x2000x32xf32, #tpu.memory_space<vmem>>, vector<2x2000x32xf32>
    %get3A_3 = arith.constant 0 : index
    %get3A_4 = arith.constant 0 : index
    %get3A_5 = vector.load %arg3[%get3A_3, %get3A_4] : memref<2000x128xf32, #tpu.memory_space<vmem>>, vector<2000x128xf32>
    %slice3A = vector.extract_strided_slice %get3A_2 {offsets = [0, 0, 0], sizes = [1, 2000, 32], strides = [1, 1, 1]} : vector<2x2000x32xf32> to vector<1x2000x32xf32>
    %squeeze3A = vector.shape_cast %slice3A : vector<1x2000x32xf32> to vector<2000x32xf32>
    %slice3A_6 = vector.extract_strided_slice %get3A_2 {offsets = [1, 0, 0], sizes = [1, 2000, 32], strides = [1, 1, 1]} : vector<2x2000x32xf32> to vector<1x2000x32xf32>
    %squeeze3A_7 = vector.shape_cast %slice3A_6 : vector<1x2000x32xf32> to vector<2000x32xf32>
    %add3A = arith.addf %squeeze3A, %squeeze3A_7 : vector<2000x32xf32>
    %get3A_8 = arith.constant 0 : index
    %get3A_9 = arith.constant 0 : index
    %get3A_10 = vector.load %arg2[%get3A_8, %get3A_9] : memref<2000x32xf32, #tpu.memory_space<vmem>>, vector<2000x32xf32>
    %add3A_11 = arith.addf %add3A, %get3A_10 : vector<2000x32xf32>
    %slice3A_12 = vector.extract_strided_slice %get3A_5 {offsets = [0, 0], sizes = [2000, 32], strides = [1, 1]} : vector<2000x128xf32> to vector<2000x32xf32>
    %mul3A = arith.mulf %add3A_11, %slice3A_12 : vector<2000x32xf32>
    %get3A_13 = arith.constant 0 : index
    %get3A_14 = arith.constant 0 : index
    %get3A_15 = vector.load %arg4[%get3A_13, %get3A_14] : memref<1x32xf32, #tpu.memory_space<vmem>>, vector<1x32xf32>
    %add3A_16 = vector.broadcast %get3A_15 : vector<1x32xf32> to vector<2000x32xf32>
    %add3A_17 = arith.addf %mul3A, %add3A_16 : vector<2000x32xf32>
    %swap3A = arith.constant 0 : index
    %swap3A_18 = arith.constant 0 : index
    %swap3A_19 = vector.load %arg5[%swap3A, %swap3A_18] : memref<2000x32xf32, #tpu.memory_space<vmem>>, vector<2000x32xf32>
    tpu.vector_store %arg5[%swap3A, %swap3A_18], %add3A_17 {strides = array<i32>} : memref<2000x32xf32, #tpu.memory_space<vmem>>, vector<2000x32xf32>,
    return
  }
  func.func @transform_0(%arg0: i32) -> (i32, i32, i32) {
    %c0_i32 = arith.constant 0 : i32
    %c0_i32_0 = arith.constant 0 : i32
    %c0_i32_1 = arith.constant 0 : i32
    return %c0_i32, %arg0, %c0_i32_0 : i32, i32, i32
  }
  func.func @transform_1(%arg0: i32) -> (i32, i32) {
    %c0_i32 = arith.constant 0 : i32
    %c0_i32_0 = arith.constant 0 : i32
    return %arg0, %c0_i32 : i32, i32
  }
  func.func @transform_2(%arg0: i32) -> (i32, i32) {
    %c0_i32 = arith.constant 0 : i32
    %c0_i32_0 = arith.constant 0 : i32
    return %arg0, %c0_i32 : i32, i32
  }
  func.func @transform_3(%arg0: i32) -> (i32, i32) {
    %c0_i32 = arith.constant 0 : i32
    %c0_i32_0 = arith.constant 0 : i32
    %c0_i32_1 = arith.constant 0 : i32
    return %c0_i32, %c0_i32_0 : i32, i32
  }
  func.func @transform_4(%arg0: i32) -> (i32, i32) {
    %c0_i32 = arith.constant 0 : i32
    %c0_i32_0 = arith.constant 0 : i32
    return %arg0, %c0_i32 : i32, i32
  }
}

</mosaic_0001>

<sc_bundles>
// kernel: kernel.11.cloned.1.call-start
scs
__scs_entry_jumppad:
0x0: {  	(pc) =	sbr.rel $0x88, $3  }
0x1: {  	(tag) =	ssettag $0x0;
	lr =	simm.s32 $0x1  }
0x2: {  	[smem:$0x3F9B] =	sst lr;
	_ =	strace $0xD0000000  }
0x3: {  	_ = 	snop  }
0x4: {  	_ = 	snop  }
0x5: {  	_ = 	snop  }
0x6: {  	_ = 	snop  }
0x7: {  	_ = 	snop  }
__scs_overlays_trampoline_lowered:
0x8: {  	[smem:$0x3FAA] =	sst s0  }
0x9: {  	[smem:$0x3FAB] =	sst s1  }
0xa: {  	[smem:$0x3FAC] =	sst s2  }
0xb: {  	[smem:$0x3FAD] =	sst s3  }
0xc: {  	[smem:$0x3FAE] =	sst s4  }
0xd: {  	[smem:$0x3FAF] =	sst s5  }
0xe: {  	[smem:$0x3FB0] =	sst s6  }
0xf: {  	[smem:$0x3FB1] =	sst s7  }
0x10: {  	[smem:$0x3FB2] =	sst s8  }
0x11: {  	[smem:$0x3FB3] =	sst s9;
	s0 =	simm.s32 @!p0 $0x0  }
0x12: {  	s1 =	sld [smem:$0x3F99];
	s0 =	simm.s32 @p0 $0x1  }
0x13: {  	[smem:$0x3FB4] =	sst s0;
	s0 =	simm.s32 @!p1 $0x0  }
0x14: {  	s2 =	sld [smem:$0x3F98];
	s0 =	simm.s32 @p1 $0x1  }
0x15: {  	[smem:$0x3FB5] =	sst s0;
	s0 =	simm.s32 @!p2 $0x0  }
0x16: {  	s3 =	sld [smem:$0x3FDB];
	s0 =	simm.s32 @p2 $0x1  }
0x17: {  	s4 =	simm.s32 $0x1BF5;
	[smem:$0x3FB7] =	sst s0  }
0x18: {  	s0 =	sld [smem:$0x3F9A];
	_ =	swait.ge [sflag:s4], $0x0  }
0x19: {  	s7 =	sld [smem:$0x3F9B]  }
0x1a: {  	s8 =	sadd.s32 $0xFFFFE003, lr  }
0x1b: {  	s9 =	sadd.s32 $0xFFFFFEF7, lr;
	s5 =	simm.s32 $0xFFFFFFFF;
	p2 =	slt.u32 s8, $0xFFFFF086  }
0x1c: {  	p1 =	slt.u32 s9, $0xF7A;
	s5 =	simm.s32 @!p2 $0x0  }
0x1d: {  	s5 =	simm.s32 @p1 $0x1;
	p0 =	seq.s32 s7, s2  }
0x1e: {  	s7 =	smul.u32 @!p0 $0xF7A, s2;
	p2 =	seq.s32 @!p0 s5, $0x0  }
0x1f: {  	s9 =	smul.u32 $0xF7A, s1;
	s8 =	simm.s32 @!p0 $0x1BF5;
	p2 =	por !p2, p0  }
0x20: {  	[sflag:s8] =	ssyncset.s32 @!p0 $0xFFFFF086;
	s6 =	sadd.s32 @!p0 s3, s7;
	s7 =	simm.s32 @!p0 $0x108  }
0x21: {  	s3 =	sadd.s32 s3, s9;
	s6 =	sadd.s32 @!p0 $0x88, s6;
	s7 =	simm.s32 @p2 $0x1082  }
0x22: {  	[simem:s7], [sflag:s8] =	dma.local @!p0 [hbm:s6], $0xF7A  }
0x23: {  	s9 =	sor.u32 $0xD0000000, s2;
	s6 =	simm.s32 $0x108;
	_ =	swait.ge @!p0 [sflag:s8], $0x0  }
0x24: {  	s3 =	sadd.s32 $0x88, s3;
	s6 =	simm.s32 @!p1 $0x1082;
	[sflag:s4] =	ssyncset.s32 $0xFFFFF086  }
0x25: {  	[simem:s6], [sflag:s4] =	dma.local [hbm:s3], $0xF7A  }
0x26: {  	[smem:$0x3F9B] =	sst s1;
	(tag) =	ssettag s2;
	_ =	strace s9  }
0x27: {  	s1 =	sld [smem:$0x3FAB]  }
0x28: {  	s2 =	sld [smem:$0x3FAC]  }
0x29: {  	s4 =	sld [smem:$0x3FAE]  }
0x2a: {  	p0 =	seq.s32 s5, $0x0;
	s5 =	sld [smem:$0x3FAF]  }
0x2b: {  	s6 =	sld [smem:$0x3FB0]  }
0x2c: {  	s7 =	sld [smem:$0x3FB1]  }
0x2d: {  	s3 =	simm.s32 $0x108;
	s8 =	sld [smem:$0x3FB2]  }
0x2e: {  	s3 =	simm.s32 @!p0 $0x1082;
	s9 =	sld [smem:$0x3FB3]  }
0x2f: {  	lr =	sadd.s32 s0, s3;
	s0 =	sld [smem:$0x3FAA]  }
0x30: {  	s3 =	sld [smem:$0x3FAD]  }
0x31: {  	[smem:$0x3FB6] =	sst s10  }
0x32: {  	s10 =	sld [smem:$0x3FB4];
	_ =	sdelay $0x3  }
0x33: {  	p0 =	seq.s32 s10, $0x1;
	s10 =	sld [smem:$0x3FB6];
	_ =	sdelay $0x3  }
0x34: {  	[smem:$0x3FB6] =	sst s10  }
0x35: {  	s10 =	sld [smem:$0x3FB5];
	_ =	sdelay $0x3  }
0x36: {  	p1 =	seq.s32 s10, $0x1;
	s10 =	sld [smem:$0x3FB6];
	_ =	sdelay $0x3  }
0x37: {  	[smem:$0x3FB6] =	sst s10  }
0x38: {  	s10 =	sld [smem:$0x3FB7]  }
0x39: {  	_ = 	snop;
	(pc) =	sbr.ind lr, $3  }
0x3a: {  	_ = 	snop  }
0x3b: {  	_ = 	snop  }
0x3c: {  	p2 =	seq.s32 s10, $0x1;
	s10 =	sld [smem:$0x3FB6]  }
0x3d: {  	_ =	shalt  }
0x3e: {  	_ =	shalt  }
0x3f: {  	_ =	shalt  }
0x40: {  	_ =	shalt  }
0x41: {  	_ =	shalt  }
0x42: {  	_ =	shalt  }
0x43: {  	_ =	shalt  }
0x44: {  	_ =	shalt  }
0x45: {  	_ =	shalt  }
0x46: {  	_ =	shalt  }
0x47: {  	_ =	shalt  }
0x48: {  	_ =	shalt  }
0x49: {  	_ =	shalt  }
0x4a: {  	_ =	shalt  }
0x4b: {  	_ =	shalt  }
0x4c: {  	_ =	shalt  }
0x4d: {  	_ =	shalt  }
0x4e: {  	_ =	shalt  }
0x4f: {  	_ =	shalt  }
0x50: {  	_ =	shalt  }
0x51: {  	_ =	shalt  }
0x52: {  	_ =	shalt  }
0x53: {  	_ =	shalt  }
0x54: {  	_ =	shalt  }
0x55: {  	_ =	shalt  }
0x56: {  	_ =	shalt  }
0x57: {  	_ =	shalt  }
0x58: {  	_ =	shalt  }
0x59: {  	_ =	shalt  }
0x5a: {  	_ =	shalt  }
0x5b: {  	_ =	shalt  }
0x5c: {  	_ =	shalt  }
0x5d: {  	_ =	shalt  }
0x5e: {  	_ =	shalt  }
0x5f: {  	_ =	shalt  }
0x60: {  	_ =	shalt  }
0x61: {  	_ =	shalt  }
0x62: {  	_ =	shalt  }
0x63: {  	_ =	shalt  }
0x64: {  	_ =	shalt  }
0x65: {  	_ =	shalt  }
0x66: {  	_ =	shalt  }
0x67: {  	_ =	shalt  }
0x68: {  	_ =	shalt  }
0x69: {  	_ =	shalt  }
0x6a: {  	_ =	shalt  }
0x6b: {  	_ =	shalt  }
0x6c: {  	_ =	shalt  }
0x6d: {  	_ =	shalt  }
0x6e: {  	_ =	shalt  }
0x6f: {  	_ =	shalt  }
0x70: {  	_ =	shalt  }
0x71: {  	_ =	shalt  }
0x72: {  	_ =	shalt  }
0x73: {  	_ =	shalt  }
0x74: {  	_ =	shalt  }
0x75: {  	_ =	shalt  }
0x76: {  	_ =	shalt  }
0x77: {  	_ =	shalt  }
0x78: {  	_ =	shalt  }
0x79: {  	_ =	shalt  }
0x7a: {  	_ =	shalt  }
0x7b: {  	_ =	shalt  }
0x7c: {  	_ =	shalt  }
0x7d: {  	_ =	shalt  }
0x7e: {  	_ =	shalt  }
0x7f: {  	_ =	shalt  }
0x80: {  	_ =	shalt  }
0x81: {  	_ =	shalt  }
0x82: {  	_ =	shalt  }
0x83: {  	_ =	shalt  }
0x84: {  	_ =	shalt  }
0x85: {  	_ =	shalt  }
0x86: {  	_ =	shalt  }
0x87: {  	_ =	shalt  }
.Lfunc_end0:
.L_simem_size_0:
called_computation.1_lowered:
.L_overlay_start_0:
0x88: {  	s2 =	sld [smem:$0x3FD9]  }
0x89: {  	s3 =	sld [smem:$0x3FFE];
	_ =	sdelay $0x1  }
0x8a: {  	s1 =	srdreg.scid  }
0x8b: {  	s0 =	sand.u32 $0x1, s1  }
0x8c: {  	s16 =	sshll.u32 s0, $0xA;
	s2 =	sadd.s32 s3, s2  }
0x8d: {  	s2 =	sadd.s32 s2, s16  }
0x8e: {  	[smem:$0x3FC2] =	sst s2  }
0x8f: {  	_ = 	snop  }
0x90: {  	(tm) =	ssettm $0x1  }
0x91: {  	s17 =	sld [smem:$0x3FFB];
	_ =	sdelay $0x3  }
0x92: {  	_ =	strace s17  }
0x93: {  	s2 =	sld [smem:$0x3FFC];
	_ =	sdelay $0x3  }
0x94: {  	_ =	strace s2  }
0x95: {  	s2 =	sld [smem:$0x3FFD];
	_ =	sdelay $0x3  }
0x96: {  	_ =	strace s2  }
0x97: {  	_ =	strace $0x8FFFFFFF  }
0x98: {  	s18 =	sld [smem:$0x3FDB];
	_ =	sdelay $0x1  }
0x99: {  	s19 =	simm.s32 $_scs_section_size  }
0x9a: {  	s4 =	simm.s32 $_size__tile_overlayer_lowered;
	s5 =	simm.s32 $_tile_overlayer_lowered  }
0x9b: {  	s22 =	simm.s32 $0x1BFF;
	s21 =	sshll.u32 s5, $0x1;
	s2 =	sadd.s32 s19, s18  }
0x9c: {  	s6 =	simm.s32 $0x0;
	s20 =	sshll.u32 s4, $0x1;
	s4 =	sadd.s32 s21, s2  }
0x9d: {  	[timem:s6], [sflag:s22] =	dma.local [hbm:s4], s20  }
0x9e: {  	_ =	swait.ge [sflag:s22], s20  }
0x9f: {  	s3 =	ssub.s32 $0x0, s20;
	[sflag:s22] =	ssyncset.done $0x0  }
0xa0: {  	[sflag:s22] =	ssyncadd.s32 s3;
	_ =	sdelay $0x1  }
0xa1: {  	s23 =	simm.s32 $0x1B8B  }
0xa2: {  	_ =	swait.ge [sflag:s23], $0x1  }
0xa3: {  	[sflag:s23] =	ssyncset.done $0x0  }
0xa4: {  	s25 =	simm.s32 $0x1B8E;
	s24 =	sld [smem:$0x3FFE];
	[sflag:s23] =	ssyncadd.s32 $0xFFFFFFFF  }
0xa5: {  	s26 =	simm.s32 $execute0_lowered;
	[smem:$0x3FD2] =	sst s25  }
0xa6: {  	s4 =	sshll.u32 s26, $0x1;
	_ =	strace $0x80000049;
	[dreg:$0x1] =	wrdreg $0xFFFFFFFF  }
0xa7: {  	s28 =	simm.s32 $_size_execute0_lowered;
	s2 =	sadd.s32 s2, s4;
	[dreg:$0x0] =	wrdreg $0x0  }
0xa8: {  	s4 =	sshll.u32 s28, $0x1;
	[dreg:$0x2] =	wrdreg s2  }
0xa9: {  	[dreg:$0x3] =	wrdreg s4  }
0xaa: {  	[dreg:$0x4] =	wrdreg $0xC0  }
0xab: {  	_ =	task [dreg:s6], $0x5FFFF  }
0xac: {  	[dreg:$0x1] =	wrdreg $0xFFFFFFFF  }
0xad: {  	[dreg:$0x0] =	wrdreg $0x60  }
0xae: {  	[dreg:$0x2] =	wrdreg s24  }
0xaf: {  	[dreg:$0x3] =	wrdreg $0x14A000  }
0xb0: {  	[dreg:$0x4] =	wrdreg $0x9  }
0xb1: {  	_ =	task.clear_ibuf [dreg:s6], $0x5FFFF;
	_ =	strace $0x90000049  }
0xb2: {  	s29 =	simm.s32 $0x9;
	_ =	strace $0x8000004B  }
0xb3: {  	_ =	swait.ge [sflag:s29], $0x1  }
0xb4: {  	[sflag:s29] =	ssyncadd.s32 $0xFFFFFFFF  }
0xb5: {  	_ =	strace $0x9000004B  }
0xb6: {  	_ =	sfence  }
0xb7: {  	s30 =	sld [smem:$0x0];
	_ =	sdelay $0x2  }
0xb8: {  	s31 =	sshll.u32 s1, $0xD;
	s1 =	sshrl.u32 s1, $0x2  }
0xb9: {  	s3 =	sand.u32 $0x4000, s31;
	s1 =	sadd.s32 s1, s30  }
0xba: {  	s0 =	sor.u32 s3, s0;
	s1 =	sshll.u32 s1, $0x11  }
0xbb: {  	s0 =	sor.u32 s1, s0  }
0xbc: {  	s0 =	sadd.s32 $0x8F2B, s0  }
0xbd: {  	[sflag:s0] =	ssyncadd.remote.s32 $0x1  }
0xbe: {  	_ =	sfence.sel $0xFFFF  }
0xbf: {  	[dreg:$0x0] =	wrdreg $0xFFFFFFFF;
	(pc) =	sbr.abs _section_cstart, $3  }
0xc0: {  	[dreg:$0x1] =	wrdreg $0xFFFFFFFF  }
0xc1: {  	_ =	task.clear_ibuf [dreg:s6], $0x2FFFF;
	_ =	strace $0x9FFFFFFF  }
0xc2: {  	(tm) =	ssettm $0x7FFFFFFF  }
0xc3: {  	_ =	shalt  }
tec
execute0_lowered:
.L_overlay_start_1:
0x0: {  	(tag) =	ssettag $0x1  }
0x1: {  	s1 =	srdreg.scid;
	s5 =	rddreg [dreg:$0x0]  }
0x2: {  	s0 =	stileid.u32;
	s2 =	rddreg [dreg:$0x1];
	s3 =	simm.s32 $0x0  }
0x3: {  	s11 =	simm.s32 $0x5000;
	s12 =	simm.s32 $0x3;
	s13 =	simm.s32 $0x1  }
0x4: {  	s14 =	simm.s32 $0x2;
	s15 =	simm.s32 $0x7D;
	s17 =	simm.s32 $0x6F40  }
0x5: {  	s19 =	simm.s32 $0x8E80;
	s20 =	simm.s32 $0x180;
	s21 =	simm.s32 $0xADC0  }
0x6: {  	s22 =	simm.s32 $0xCD00;
	s23 =	simm.s32 $0xEC40;
	s7 =	smul.u32 $0x5000, s0  }
0x7: {  	s24 =	simm.s32 $0x10B80;
	s6 =	sand.u32 $0x1, s1;
	s9 =	smul.u32 $0xA000, s0  }
0x8: {  	s25 =	simm.s32 $0x12AC0;
	s26 =	simm.s32 $0x0;
	s8 =	smul.u32 $0x2800, s6  }
0x9: {  	[smem:$0x7FF] =	sst s3;
	s4 =	sadd.s32 $0x1F800, s5;
	s10 =	smul.u32 $0xA0000, s6  }
0xa: {  	_ =	strace $0x8000004A;
	s6 =	ssub.s32 $0x2, s6;
	s7 =	sadd.s32 s8, s7  }
0xb: {  	s31 =	sshrl.u32 s6, $0x1;
	s30 =	sadd.s32 s9, s10;
	s7 =	sshrl.u32 s7, $0x3  }
0xc: {  	s10 =	ssub.s32 s6, s31;
	s8 =	sshrl.u32 s30, $0x3;
	s7 =	sadd.s32 s7, s5  }
0xd: {  	s8 =	sadd.s32 s8, s5;
	s5 =	sadd.s32 $0xB800, s7;
	s6 =	sadd.s32 $0x15800, s7  }
0xe: {  	v0 =	vimm.f32 $0.0e+00;
	s7 =	sadd.s32 s9, s2;
	s8 =	sadd.s32 $0x33800, s8;
	s9 =	smax.u32 s10, $0x1  }
.LBB2_1:
0xf: {  	[tilespmem:s3], [sflag:$0x1] =	stream.linear.gather [hbm4b:s5+s3], $0x2800, $0x38;
	[tilespmem:$0x1EA00] =	vst v63  }
0x10: {  	s1 =	simm.s32 $0x2800;
	s29 =	simm.s32 $0x100;
	s28 =	simm.s32 $0x0  }
0x11: {  	[tilespmem:s1], [sflag:$0x2] =	stream.linear.gather [hbm4b:s6+s3], $0x2800, $0x38;
	[tilespmem:$0x1EA00] =	vst v63  }
.LBB2_2:
0x12: {  	p0 =	sne.s32 s29, $0x27F00;
	[tilespmem:s28+$0x5030] =	vst v0;
	s30 =	smov.u32 s29;
	s29 =	sadd.s32 $0x100, s29  }
.Ltmp0:
0x13: {  	[tilespmem:s28+$0x5020] =	vst v0;
	(pc) =	sbr.rel @p0 .LBB2_2-.Ltmp0, $3  }
0x14: {  	[tilespmem:s28+$0x5000] =	vst v0  }
0x15: {  	[tilespmem:s28+$0x5010] =	vst v0;
	_ =	sdelay $0x1  }
0x16: {  	s28 =	sshra.s32 s30, $0x2  }
0x17: {  	[tilespmem:s28+$0x5030] =	vst v0  }
0x18: {  	[tilespmem:s28+$0x5020] =	vst v0  }
0x19: {  	[tilespmem:s28+$0x5000] =	vst v0  }
0x1a: {  	[tilespmem:s28+$0x5010] =	vst v0  }
0x1b: {  	[spmem:s7] =	stream.linear.scatter [tilespmem:s11], [sflag:$0x3], $0xA000, $0x38;
	[tilespmem:$0x1EA00] =	vst v63  }
0x1c: {  	_ =	swait.ge [sflag:s12], $0xA000  }
0x1d: {  	[sflag:s12] =	ssyncset.done $0x0  }
0x1e: {  	[sflag:s12] =	ssyncadd.s32 $0xFFFF6000  }
0x1f: {  	_ =	swait.ge [sflag:s13], $0x2800  }
0x20: {  	[sflag:s13] =	ssyncset.done $0x0  }
0x21: {  	[sflag:s13] =	ssyncadd.s32 $0xFFFFD800  }
0x22: {  	_ =	swait.ge [sflag:s14], $0x2800  }
0x23: {  	[sflag:s14] =	ssyncset.done $0x0  }
0x24: {  	[sflag:s14] =	ssyncadd.s32 $0xFFFFD800  }
0x25: {  	s28 =	simm.s32 $0x0;
	[bflag:$0x0] =	sbarrier.arrive $0xFFFF  }
0x26: {  	[tilespmem:s11], [sflag:$0x1] =	stream.indirect.gather [hbm4b:s4+s15], $0x40, s28, s15, $0xb8;
	[tilespmem:$0x1EA00] =	vst v63  }
0x27: {  	s1 =	simm.s32 $0x80  }
0x28: {  	[tilespmem:s17], [sflag:$0x1] =	stream.indirect.gather [hbm4b:s4+s15], $0x40, s1, s15, $0xb8;
	[tilespmem:$0x1EA00] =	vst v63  }
0x29: {  	s31 =	simm.s32 $0x100  }
0x2a: {  	[tilespmem:s19], [sflag:$0x1] =	stream.indirect.gather [hbm4b:s4+s15], $0x40, s31, s15, $0xb8;
	[tilespmem:$0x1EA00] =	vst v63  }
0x2b: {  	_ = 	snop  }
0x2c: {  	[tilespmem:s21], [sflag:$0x1] =	stream.indirect.gather [hbm4b:s4+s15], $0x40, s20, s15, $0xb8;
	[tilespmem:$0x1EA00] =	vst v63  }
0x2d: {  	s28 =	simm.s32 $0x200  }
0x2e: {  	[tilespmem:s22], [sflag:$0x2] =	stream.indirect.gather [hbm4b:s4+s15], $0x40, s28, s15, $0xb8;
	[tilespmem:$0x1EA00] =	vst v63  }
0x2f: {  	s28 =	simm.s32 $0x280  }
0x30: {  	[tilespmem:s23], [sflag:$0x2] =	stream.indirect.gather [hbm4b:s4+s15], $0x40, s28, s15, $0xb8;
	[tilespmem:$0x1EA00] =	vst v63  }
0x31: {  	s28 =	simm.s32 $0x300  }
0x32: {  	[tilespmem:s24], [sflag:$0x2] =	stream.indirect.gather [hbm4b:s4+s15], $0x40, s28, s15, $0xb8;
	[tilespmem:$0x1EA00] =	vst v63  }
0x33: {  	s28 =	simm.s32 $0x380  }
0x34: {  	[tilespmem:s25], [sflag:$0x2] =	stream.indirect.gather [hbm4b:s4+s15], $0x40, s28, s15, $0xb8;
	[tilespmem:$0x1EA00] =	vst v63  }
0x35: {  	_ =	swait.ge [sflag:s13], $0x1F40  }
0x36: {  	[sflag:s13] =	ssyncset.done $0x0  }
0x37: {  	[sflag:s13] =	ssyncadd.s32 $0xFFFFE0C0  }
0x38: {  	_ =	swait.ge [sflag:s13], $0x1F40  }
0x39: {  	[sflag:s13] =	ssyncset.done $0x0  }
0x3a: {  	[sflag:s13] =	ssyncadd.s32 $0xFFFFE0C0  }
0x3b: {  	_ =	swait.ge [sflag:s13], $0x1F40  }
0x3c: {  	[sflag:s13] =	ssyncset.done $0x0  }
0x3d: {  	[sflag:s13] =	ssyncadd.s32 $0xFFFFE0C0  }
0x3e: {  	_ =	swait.ge [sflag:s13], $0x1F40  }
0x3f: {  	[sflag:s13] =	ssyncset.done $0x0  }
0x40: {  	s28 =	simm.s32 $0x2800;
	[sflag:s13] =	ssyncadd.s32 $0xFFFFE0C0  }
0x41: {  	[spmem:s2] =	stream.indirect.scatter.add.f32 [tilespmem:s11], [sflag:$0x3], $0x40, s28, s15, $0xb8;
	[tilespmem:$0x1EA00] =	vst v63  }
0x42: {  	_ =	swait.ge [sflag:s12], $0x1F40  }
0x43: {  	[sflag:s12] =	ssyncset.done $0x0  }
0x44: {  	s28 =	simm.s32 $0x2880;
	[sflag:s12] =	ssyncadd.s32 $0xFFFFE0C0  }
0x45: {  	[spmem:s2] =	stream.indirect.scatter.add.f32 [tilespmem:s17], [sflag:$0x3], $0x40, s28, s15, $0xb8;
	[tilespmem:$0x1EA00] =	vst v63  }
0x46: {  	_ =	swait.ge [sflag:s12], $0x1F40  }
0x47: {  	[sflag:s12] =	ssyncset.done $0x0  }
0x48: {  	s28 =	simm.s32 $0x2900;
	[sflag:s12] =	ssyncadd.s32 $0xFFFFE0C0  }
0x49: {  	[spmem:s2] =	stream.indirect.scatter.add.f32 [tilespmem:s19], [sflag:$0x3], $0x40, s28, s15, $0xb8;
	[tilespmem:$0x1EA00] =	vst v63  }
0x4a: {  	_ =	swait.ge [sflag:s12], $0x1F40  }
0x4b: {  	[sflag:s12] =	ssyncset.done $0x0  }
0x4c: {  	s28 =	simm.s32 $0x2980;
	[sflag:s12] =	ssyncadd.s32 $0xFFFFE0C0  }
0x4d: {  	[spmem:s2] =	stream.indirect.scatter.add.f32 [tilespmem:s21], [sflag:$0x3], $0x40, s28, s15, $0xb8;
	[tilespmem:$0x1EA00] =	vst v63  }
0x4e: {  	p0 =	por $0x0, $0x0;
	_ =	swait.ge [sflag:s12], $0x1F40  }
0x4f: {  	s29 =	simm.s32 @!p0 $0x400;
	[sflag:s12] =	ssyncset.done $0x0  }
0x50: {  	s30 =	simm.s32 @!p0 $0x7D;
	s28 =	simm.s32 @!p0 $0x5000;
	[sflag:s12] =	ssyncadd.s32 $0xFFFFE0C0  }
0x51: {  	[tilespmem:s28], [sflag:$0x1] =	stream.indirect.gather @!p0 [hbm4b:s4+s30], $0x40, s29, s30, $0xb8;
	[tilespmem:$0x1EA00] =	vst v63  }
0x52: {  	s28 =	simm.s32 @!p0 $0x480;
	s29 =	simm.s32 @!p0 $0x6F40  }
0x53: {  	[tilespmem:s29], [sflag:$0x1] =	stream.indirect.gather @!p0 [hbm4b:s4+s30], $0x40, s28, s30, $0xb8;
	[tilespmem:$0x1EA00] =	vst v63  }
0x54: {  	s28 =	simm.s32 @!p0 $0x500;
	s29 =	simm.s32 @!p0 $0x8E80  }
0x55: {  	[tilespmem:s29], [sflag:$0x1] =	stream.indirect.gather @!p0 [hbm4b:s4+s30], $0x40, s28, s30, $0xb8;
	[tilespmem:$0x1EA00] =	vst v63  }
0x56: {  	s28 =	simm.s32 @!p0 $0x580;
	s29 =	simm.s32 @!p0 $0xADC0  }
0x57: {  	[tilespmem:s29], [sflag:$0x1] =	stream.indirect.gather @!p0 [hbm4b:s4+s30], $0x40, s28, s30, $0xb8;
	[tilespmem:$0x1EA00] =	vst v63  }
0x58: {  	_ =	swait.ge [sflag:s14], $0x1F40  }
0x59: {  	[sflag:s14] =	ssyncset.done $0x0  }
0x5a: {  	[sflag:s14] =	ssyncadd.s32 $0xFFFFE0C0  }
0x5b: {  	_ =	swait.ge [sflag:s14], $0x1F40  }
0x5c: {  	[sflag:s14] =	ssyncset.done $0x0  }
0x5d: {  	[sflag:s14] =	ssyncadd.s32 $0xFFFFE0C0  }
0x5e: {  	_ =	swait.ge [sflag:s14], $0x1F40  }
0x5f: {  	[sflag:s14] =	ssyncset.done $0x0  }
0x60: {  	[sflag:s14] =	ssyncadd.s32 $0xFFFFE0C0  }
0x61: {  	_ =	swait.ge [sflag:s14], $0x1F40  }
0x62: {  	[sflag:s14] =	ssyncset.done $0x0  }
0x63: {  	s28 =	simm.s32 $0x2A00;
	[sflag:s14] =	ssyncadd.s32 $0xFFFFE0C0  }
0x64: {  	[spmem:s2] =	stream.indirect.scatter.add.f32 [tilespmem:s22], [sflag:$0x3], $0x40, s28, s15, $0xb8;
	[tilespmem:$0x1EA00] =	vst v63  }
0x65: {  	_ =	swait.ge [sflag:s12], $0x1F40  }
0x66: {  	[sflag:s12] =	ssyncset.done $0x0  }
0x67: {  	s28 =	simm.s32 $0x2A80;
	[sflag:s12] =	ssyncadd.s32 $0xFFFFE0C0  }
0x68: {  	[spmem:s2] =	stream.indirect.scatter.add.f32 [tilespmem:s23], [sflag:$0x3], $0x40, s28, s15, $0xb8;
	[tilespmem:$0x1EA00] =	vst v63  }
0x69: {  	_ =	swait.ge [sflag:s12], $0x1F40  }
0x6a: {  	[sflag:s12] =	ssyncset.done $0x0  }
0x6b: {  	s28 =	simm.s32 $0x2B00;
	[sflag:s12] =	ssyncadd.s32 $0xFFFFE0C0  }
0x6c: {  	[spmem:s2] =	stream.indirect.scatter.add.f32 [tilespmem:s24], [sflag:$0x3], $0x40, s28, s15, $0xb8;
	[tilespmem:$0x1EA00] =	vst v63  }
0x6d: {  	_ =	swait.ge [sflag:s12], $0x1F40  }
0x6e: {  	[sflag:s12] =	ssyncset.done $0x0  }
0x6f: {  	s28 =	simm.s32 $0x2B80;
	[sflag:s12] =	ssyncadd.s32 $0xFFFFE0C0  }
0x70: {  	[spmem:s2] =	stream.indirect.scatter.add.f32 [tilespmem:s25], [sflag:$0x3], $0x40, s28, s15, $0xb8;
	[tilespmem:$0x1EA00] =	vst v63  }
0x71: {  	s29 =	simm.s32 $0x1000;
	_ =	swait.ge [sflag:s12], $0x1F40  }
0x72: {  	s30 =	simm.s32 $0x2000;
	s28 =	simm.s32 $0x400;
	[sflag:s12] =	ssyncset.done $0x0  }
.LBB2_4:
0x73: {  	s1 =	sadd.s32 $0x200, s28  }
0x74: {  	[sflag:s12] =	ssyncadd.s32 $0xFFFFE0C0;
	s31 =	smov.u32 s30;
	s30 =	sadd.s32 $0x1000, s30  }
0x75: {  	[tilespmem:s22], [sflag:$0x2] =	stream.indirect.gather [hbm4b:s4+s15], $0x40, s1, s15, $0xb8;
	[tilespmem:$0x1EA00] =	vst v63  }
0x76: {  	p0 =	sne.s32 s30, $0xA000;
	s1 =	sadd.s32 $0x280, s28  }
0x77: {  	[tilespmem:s23], [sflag:$0x2] =	stream.indirect.gather [hbm4b:s4+s15], $0x40, s1, s15, $0xb8;
	[tilespmem:$0x1EA00] =	vst v63  }
0x78: {  	s1 =	sadd.s32 $0x300, s28  }
0x79: {  	[tilespmem:s24], [sflag:$0x2] =	stream.indirect.gather [hbm4b:s4+s15], $0x40, s1, s15, $0xb8;
	[tilespmem:$0x1EA00] =	vst v63  }
0x7a: {  	s1 =	sadd.s32 $0x380, s28  }
0x7b: {  	[tilespmem:s25], [sflag:$0x2] =	stream.indirect.gather [hbm4b:s4+s15], $0x40, s1, s15, $0xb8;
	[tilespmem:$0x1EA00] =	vst v63  }
0x7c: {  	_ =	swait.ge [sflag:s13], $0x1F40  }
0x7d: {  	[sflag:s13] =	ssyncset.done $0x0  }
0x7e: {  	[sflag:s13] =	ssyncadd.s32 $0xFFFFE0C0  }
0x7f: {  	_ =	swait.ge [sflag:s13], $0x1F40  }
0x80: {  	[sflag:s13] =	ssyncset.done $0x0  }
0x81: {  	[sflag:s13] =	ssyncadd.s32 $0xFFFFE0C0  }
0x82: {  	_ =	swait.ge [sflag:s13], $0x1F40  }
0x83: {  	[sflag:s13] =	ssyncset.done $0x0  }
0x84: {  	[sflag:s13] =	ssyncadd.s32 $0xFFFFE0C0  }
0x85: {  	_ =	swait.ge [sflag:s13], $0x1F40  }
0x86: {  	[sflag:s13] =	ssyncset.done $0x0  }
0x87: {  	s1 =	sadd.s32 $0x2800, s28;
	[sflag:s13] =	ssyncadd.s32 $0xFFFFE0C0  }
0x88: {  	[spmem:s2] =	stream.indirect.scatter.add.f32 [tilespmem:s11], [sflag:$0x3], $0x40, s1, s15, $0xb8;
	[tilespmem:$0x1EA00] =	vst v63  }
0x89: {  	_ =	swait.ge [sflag:s12], $0x1F40  }
0x8a: {  	[sflag:s12] =	ssyncset.done $0x0  }
0x8b: {  	s1 =	sadd.s32 $0x2880, s28;
	[sflag:s12] =	ssyncadd.s32 $0xFFFFE0C0  }
0x8c: {  	[spmem:s2] =	stream.indirect.scatter.add.f32 [tilespmem:s17], [sflag:$0x3], $0x40, s1, s15, $0xb8;
	[tilespmem:$0x1EA00] =	vst v63  }
0x8d: {  	_ =	swait.ge [sflag:s12], $0x1F40  }
0x8e: {  	[sflag:s12] =	ssyncset.done $0x0  }
0x8f: {  	s1 =	sadd.s32 $0x2900, s28;
	[sflag:s12] =	ssyncadd.s32 $0xFFFFE0C0  }
0x90: {  	[spmem:s2] =	stream.indirect.scatter.add.f32 [tilespmem:s19], [sflag:$0x3], $0x40, s1, s15, $0xb8;
	[tilespmem:$0x1EA00] =	vst v63  }
0x91: {  	_ =	swait.ge [sflag:s12], $0x1F40  }
0x92: {  	[sflag:s12] =	ssyncset.done $0x0  }
0x93: {  	s1 =	sadd.s32 $0x2980, s28;
	[sflag:s12] =	ssyncadd.s32 $0xFFFFE0C0  }
0x94: {  	[spmem:s2] =	stream.indirect.scatter.add.f32 [tilespmem:s21], [sflag:$0x3], $0x40, s1, s15, $0xb8;
	[tilespmem:$0x1EA00] =	vst v63  }
0x95: {  	p1 =	seq.s32 s29, $0x9000;
	_ =	swait.ge [sflag:s12], $0x1F40  }
0x96: {  	s1 =	sshra.s32 @!p1 s29, $0x2;
	s29 =	simm.s32 @!p1 $0x5000;
	[sflag:s12] =	ssyncset.done $0x0  }
0x97: {  	s16 =	simm.s32 @!p1 $0x7D;
	s10 =	sadd.s32 @!p1 $0x400, s1;
	[sflag:s12] =	ssyncadd.s32 $0xFFFFE0C0  }
0x98: {  	[tilespmem:s29], [sflag:$0x1] =	stream.indirect.gather @!p1 [hbm4b:s4+s16], $0x40, s10, s16, $0xb8;
	[tilespmem:$0x1EA00] =	vst v63  }
0x99: {  	s18 =	sadd.s32 @!p1 $0x500, s1;
	s10 =	sadd.s32 @!p1 $0x480, s1;
	s29 =	simm.s32 @!p1 $0x6F40  }
0x9a: {  	[tilespmem:s29], [sflag:$0x1] =	stream.indirect.gather @!p1 [hbm4b:s4+s16], $0x40, s10, s16, $0xb8;
	[tilespmem:$0x1EA00] =	vst v63  }
0x9b: {  	s1 =	sadd.s32 @!p1 $0x580, s1;
	s10 =	simm.s32 @!p1 $0x8E80;
	s29 =	smov.u32 s31  }
0x9c: {  	[tilespmem:s10], [sflag:$0x1] =	stream.indirect.gather @!p1 [hbm4b:s4+s16], $0x40, s18, s16, $0xb8;
	[tilespmem:$0x1EA00] =	vst v63  }
0x9d: {  	s10 =	simm.s32 @!p1 $0xADC0  }
0x9e: {  	[tilespmem:s10], [sflag:$0x1] =	stream.indirect.gather @!p1 [hbm4b:s4+s16], $0x40, s1, s16, $0xb8;
	[tilespmem:$0x1EA00] =	vst v63  }
0x9f: {  	_ =	swait.ge [sflag:s14], $0x1F40  }
0xa0: {  	[sflag:s14] =	ssyncset.done $0x0  }
0xa1: {  	[sflag:s14] =	ssyncadd.s32 $0xFFFFE0C0  }
0xa2: {  	_ =	swait.ge [sflag:s14], $0x1F40  }
0xa3: {  	[sflag:s14] =	ssyncset.done $0x0  }
0xa4: {  	[sflag:s14] =	ssyncadd.s32 $0xFFFFE0C0  }
0xa5: {  	_ =	swait.ge [sflag:s14], $0x1F40  }
0xa6: {  	[sflag:s14] =	ssyncset.done $0x0  }
0xa7: {  	[sflag:s14] =	ssyncadd.s32 $0xFFFFE0C0  }
0xa8: {  	_ =	swait.ge [sflag:s14], $0x1F40  }
0xa9: {  	[sflag:s14] =	ssyncset.done $0x0  }
0xaa: {  	s1 =	sadd.s32 $0x2A00, s28;
	[sflag:s14] =	ssyncadd.s32 $0xFFFFE0C0  }
0xab: {  	[spmem:s2] =	stream.indirect.scatter.add.f32 [tilespmem:s22], [sflag:$0x3], $0x40, s1, s15, $0xb8;
	[tilespmem:$0x1EA00] =	vst v63  }
0xac: {  	_ =	swait.ge [sflag:s12], $0x1F40  }
0xad: {  	[sflag:s12] =	ssyncset.done $0x0  }
0xae: {  	s1 =	sadd.s32 $0x2A80, s28;
	[sflag:s12] =	ssyncadd.s32 $0xFFFFE0C0  }
0xaf: {  	[spmem:s2] =	stream.indirect.scatter.add.f32 [tilespmem:s23], [sflag:$0x3], $0x40, s1, s15, $0xb8;
	[tilespmem:$0x1EA00] =	vst v63  }
0xb0: {  	_ =	swait.ge [sflag:s12], $0x1F40  }
0xb1: {  	[sflag:s12] =	ssyncset.done $0x0  }
0xb2: {  	s1 =	sadd.s32 $0x2B00, s28;
	[sflag:s12] =	ssyncadd.s32 $0xFFFFE0C0  }
0xb3: {  	[spmem:s2] =	stream.indirect.scatter.add.f32 [tilespmem:s24], [sflag:$0x3], $0x40, s1, s15, $0xb8;
	[tilespmem:$0x1EA00] =	vst v63  }
0xb4: {  	_ =	swait.ge [sflag:s12], $0x1F40  }
.Ltmp1:
0xb5: {  	[sflag:s12] =	ssyncset.done $0x0;
	(pc) =	sbr.rel @p0 .LBB2_4-.Ltmp1, $4  }
0xb6: {  	s1 =	sadd.s32 $0x2B80, s28;
	[sflag:s12] =	ssyncadd.s32 $0xFFFFE0C0  }
0xb7: {  	[spmem:s2] =	stream.indirect.scatter.add.f32 [tilespmem:s25], [sflag:$0x3], $0x40, s1, s15, $0xb8;
	[tilespmem:$0x1EA00] =	vst v63  }
0xb8: {  	_ =	swait.ge [sflag:s12], $0x1F40  }
0xb9: {  	s28 =	sshra.s32 s29, $0x2;
	[sflag:s12] =	ssyncset.done $0x0  }
0xba: {  	s1 =	sadd.s32 $0x200, s28;
	[sflag:s12] =	ssyncadd.s32 $0xFFFFE0C0  }
0xbb: {  	[tilespmem:s22], [sflag:$0x2] =	stream.indirect.gather [hbm4b:s4+s15], $0x40, s1, s15, $0xb8;
	[tilespmem:$0x1EA00] =	vst v63  }
0xbc: {  	s30 =	sadd.s32 $0x280, s28  }
0xbd: {  	[tilespmem:s23], [sflag:$0x2] =	stream.indirect.gather [hbm4b:s4+s15], $0x40, s30, s15, $0xb8;
	[tilespmem:$0x1EA00] =	vst v63  }
0xbe: {  	s31 =	sadd.s32 $0x300, s28  }
0xbf: {  	[tilespmem:s24], [sflag:$0x2] =	stream.indirect.gather [hbm4b:s4+s15], $0x40, s31, s15, $0xb8;
	[tilespmem:$0x1EA00] =	vst v63  }
0xc0: {  	s10 =	sadd.s32 $0x380, s28  }
0xc1: {  	[tilespmem:s25], [sflag:$0x2] =	stream.indirect.gather [hbm4b:s4+s15], $0x40, s10, s15, $0xb8;
	[tilespmem:$0x1EA00] =	vst v63  }
0xc2: {  	_ =	swait.ge [sflag:s13], $0x1F40  }
0xc3: {  	[sflag:s13] =	ssyncset.done $0x0  }
0xc4: {  	[sflag:s13] =	ssyncadd.s32 $0xFFFFE0C0  }
0xc5: {  	_ =	swait.ge [sflag:s13], $0x1F40  }
0xc6: {  	[sflag:s13] =	ssyncset.done $0x0  }
0xc7: {  	[sflag:s13] =	ssyncadd.s32 $0xFFFFE0C0  }
0xc8: {  	_ =	swait.ge [sflag:s13], $0x1F40  }
0xc9: {  	[sflag:s13] =	ssyncset.done $0x0  }
0xca: {  	[sflag:s13] =	ssyncadd.s32 $0xFFFFE0C0  }
0xcb: {  	_ =	swait.ge [sflag:s13], $0x1F40  }
0xcc: {  	[sflag:s13] =	ssyncset.done $0x0  }
0xcd: {  	s16 =	sadd.s32 $0x2800, s28;
	[sflag:s13] =	ssyncadd.s32 $0xFFFFE0C0  }
0xce: {  	[spmem:s2] =	stream.indirect.scatter.add.f32 [tilespmem:s11], [sflag:$0x3], $0x40, s16, s15, $0xb8;
	[tilespmem:$0x1EA00] =	vst v63  }
0xcf: {  	_ =	swait.ge [sflag:s12], $0x1F40  }
0xd0: {  	[sflag:s12] =	ssyncset.done $0x0  }
0xd1: {  	s18 =	sadd.s32 $0x2880, s28;
	[sflag:s12] =	ssyncadd.s32 $0xFFFFE0C0  }
0xd2: {  	[spmem:s2] =	stream.indirect.scatter.add.f32 [tilespmem:s17], [sflag:$0x3], $0x40, s18, s15, $0xb8;
	[tilespmem:$0x1EA00] =	vst v63  }
0xd3: {  	_ =	swait.ge [sflag:s12], $0x1F40  }
0xd4: {  	[sflag:s12] =	ssyncset.done $0x0  }
0xd5: {  	s30 =	sadd.s32 $0x2900, s28;
	[sflag:s12] =	ssyncadd.s32 $0xFFFFE0C0  }
0xd6: {  	[spmem:s2] =	stream.indirect.scatter.add.f32 [tilespmem:s19], [sflag:$0x3], $0x40, s30, s15, $0xb8;
	[tilespmem:$0x1EA00] =	vst v63  }
0xd7: {  	_ =	swait.ge [sflag:s12], $0x1F40  }
0xd8: {  	[sflag:s12] =	ssyncset.done $0x0  }
0xd9: {  	s31 =	sadd.s32 $0x2980, s28;
	[sflag:s12] =	ssyncadd.s32 $0xFFFFE0C0  }
0xda: {  	[spmem:s2] =	stream.indirect.scatter.add.f32 [tilespmem:s21], [sflag:$0x3], $0x40, s31, s15, $0xb8;
	[tilespmem:$0x1EA00] =	vst v63  }
0xdb: {  	p0 =	seq.s32 s29, $0x9000;
	_ =	swait.ge [sflag:s12], $0x1F40  }
0xdc: {  	s1 =	sshra.s32 @!p0 s29, $0x2;
	s10 =	simm.s32 @!p0 $0x5000;
	[sflag:s12] =	ssyncset.done $0x0  }
0xdd: {  	s16 =	sadd.s32 @!p0 $0x400, s1;
	s18 =	simm.s32 @!p0 $0x7D;
	[sflag:s12] =	ssyncadd.s32 $0xFFFFE0C0  }
0xde: {  	[tilespmem:s10], [sflag:$0x1] =	stream.indirect.gather @!p0 [hbm4b:s4+s18], $0x40, s16, s18, $0xb8;
	[tilespmem:$0x1EA00] =	vst v63  }
0xdf: {  	s10 =	sadd.s32 @!p0 $0x480, s1;
	s16 =	simm.s32 @!p0 $0x6F40  }
0xe0: {  	[tilespmem:s16], [sflag:$0x1] =	stream.indirect.gather @!p0 [hbm4b:s4+s18], $0x40, s10, s18, $0xb8;
	[tilespmem:$0x1EA00] =	vst v63  }
0xe1: {  	s10 =	sadd.s32 @!p0 $0x500, s1;
	s16 =	simm.s32 @!p0 $0x8E80  }
0xe2: {  	[tilespmem:s16], [sflag:$0x1] =	stream.indirect.gather @!p0 [hbm4b:s4+s18], $0x40, s10, s18, $0xb8;
	[tilespmem:$0x1EA00] =	vst v63  }
0xe3: {  	s1 =	sadd.s32 @!p0 $0x580, s1;
	s10 =	simm.s32 @!p0 $0xADC0  }
0xe4: {  	[tilespmem:s10], [sflag:$0x1] =	stream.indirect.gather @!p0 [hbm4b:s4+s18], $0x40, s1, s18, $0xb8;
	[tilespmem:$0x1EA00] =	vst v63  }
0xe5: {  	_ =	swait.ge [sflag:s14], $0x1F40  }
0xe6: {  	[sflag:s14] =	ssyncset.done $0x0  }
0xe7: {  	[sflag:s14] =	ssyncadd.s32 $0xFFFFE0C0  }
0xe8: {  	_ =	swait.ge [sflag:s14], $0x1F40  }
0xe9: {  	[sflag:s14] =	ssyncset.done $0x0  }
0xea: {  	[sflag:s14] =	ssyncadd.s32 $0xFFFFE0C0  }
0xeb: {  	_ =	swait.ge [sflag:s14], $0x1F40  }
0xec: {  	[sflag:s14] =	ssyncset.done $0x0  }
0xed: {  	[sflag:s14] =	ssyncadd.s32 $0xFFFFE0C0  }
0xee: {  	_ =	swait.ge [sflag:s14], $0x1F40  }
0xef: {  	[sflag:s14] =	ssyncset.done $0x0  }
0xf0: {  	s10 =	sadd.s32 $0x2A00, s28;
	[sflag:s14] =	ssyncadd.s32 $0xFFFFE0C0  }
0xf1: {  	[spmem:s2] =	stream.indirect.scatter.add.f32 [tilespmem:s22], [sflag:$0x3], $0x40, s10, s15, $0xb8;
	[tilespmem:$0x1EA00] =	vst v63  }
0xf2: {  	_ =	swait.ge [sflag:s12], $0x1F40  }
0xf3: {  	[sflag:s12] =	ssyncset.done $0x0  }
0xf4: {  	s16 =	sadd.s32 $0x2A80, s28;
	[sflag:s12] =	ssyncadd.s32 $0xFFFFE0C0  }
0xf5: {  	[spmem:s2] =	stream.indirect.scatter.add.f32 [tilespmem:s23], [sflag:$0x3], $0x40, s16, s15, $0xb8;
	[tilespmem:$0x1EA00] =	vst v63  }
0xf6: {  	_ =	swait.ge [sflag:s12], $0x1F40  }
0xf7: {  	[sflag:s12] =	ssyncset.done $0x0  }
0xf8: {  	s18 =	sadd.s32 $0x2B00, s28;
	[sflag:s12] =	ssyncadd.s32 $0xFFFFE0C0  }
0xf9: {  	[spmem:s2] =	stream.indirect.scatter.add.f32 [tilespmem:s24], [sflag:$0x3], $0x40, s18, s15, $0xb8;
	[tilespmem:$0x1EA00] =	vst v63  }
0xfa: {  	_ =	swait.ge [sflag:s12], $0x1F40  }
0xfb: {  	[sflag:s12] =	ssyncset.done $0x0  }
0xfc: {  	s29 =	sadd.s32 $0x2B80, s28;
	[sflag:s12] =	ssyncadd.s32 $0xFFFFE0C0  }
0xfd: {  	[spmem:s2] =	stream.indirect.scatter.add.f32 [tilespmem:s25], [sflag:$0x3], $0x40, s29, s15, $0xb8;
	[tilespmem:$0x1EA00] =	vst v63  }
0xfe: {  	_ =	swait.ge [sflag:s12], $0x1F40  }
0xff: {  	s26 =	sadd.s32 $0x1, s26;
	s30 =	sshll.u32 s0, $0x6;
	[sflag:s12] =	ssyncset.done $0x0  }
0x100: {  	s31 =	sshrl.u32 s7, $0x3;
	p0 =	sne.s32 s26, s9;
	[sflag:s12] =	ssyncadd.s32 $0xFFFFE0C0  }
.Ltmp2:
0x101: {  	s1 =	sor.u32 $0x1C03, s30;
	[bflag:$0x0] =	sbarrier.arrive $0xFFFF;
	(pc) =	sbr.rel @p0 .LBB2_1-.Ltmp2, $4  }
0x102: {  	[hbm:s8], [sflag:s1] =	dma.local [spmem:s31], $0x1400  }
0x103: {  	_ =	swait.ge [sflag:s12], $0x1400  }
0x104: {  	[sflag:s12] =	ssyncset.done $0x0  }
0x105: {  	[sflag:s12] =	ssyncadd.s32 $0xFFFFEC00  }
0x106: {  	_ =	sfence.sel $0x180000  }
0x107: {  	[bflag:$0x0] =	sbarrier.arrive $0xFFFF  }
0x108: {  	_ =	strace $0x9000004A  }
0x109: {  	[bflag:$0x2] =	sbarrier.arrive $0xFFFF  }
0x10a: {  	p0 =	sne.s32 s0, $0x0;
	s0 =	rddreg [dreg:$0x2]  }
0x10b: {  	s0 =	sadd.s32 @!p0 $0x100000, s0  }
0x10c: {  	[sflag:s0] =	ssyncadd.tile.s32 @!p0 $0x1;
	_ =	shalt  }
.Lfunc_end2:
_tile_overlayer_lowered:
.L_overlay_start_2:
0x10d: {  	(tag) =	ssettag $0x2  }
0x10e: {  	s0 =	rddreg [dreg:$0x0];
	s2 =	stileid.u32  }
0x10f: {  	s1 =	rddreg [dreg:$0x1];
	p0 =	sne.s32 s2, $0x0  }
0x110: {  	s3 =	rddreg [dreg:$0x2];
	[bflag:$0x3] =	sbarrier.arrive $0xFFFF;
	s2 =	simm.s32 @!p0 $0x1C03  }
0x111: {  	[timem:s3], [sflag:s2] =	dma.local @!p0 [hbm:s0], s1  }
0x112: {  	s0 =	simm.s32 @!p0 $0x3  }
0x113: {  	_ =	swait.ge @!p0 [sflag:s0], s1  }
0x114: {  	s1 =	ssub.s32 @!p0 $0x0, s1;
	[sflag:s0] =	ssyncset.done @!p0 $0x0  }
0x115: {  	[sflag:s0] =	ssyncadd.s32 @!p0 s1  }
0x116: {  	[bflag:$0x3] =	sbarrier.arrive $0xFFFF  }
0x117: {  	_ =	shalt  }

// kernel: kernel.14.cloned.1.call-start
scs
__scs_entry_jumppad:
0x0: {  	(pc) =	sbr.rel $0x88, $3  }
0x1: {  	(tag) =	ssettag $0x0;
	lr =	simm.s32 $0x1  }
0x2: {  	[smem:$0x3F9B] =	sst lr;
	_ =	strace $0xD0000000  }
0x3: {  	_ = 	snop  }
0x4: {  	_ = 	snop  }
0x5: {  	_ = 	snop  }
0x6: {  	_ = 	snop  }
0x7: {  	_ = 	snop  }
__scs_overlays_trampoline_lowered:
0x8: {  	[smem:$0x3FAA] =	sst s0  }
0x9: {  	[smem:$0x3FAB] =	sst s1  }
0xa: {  	[smem:$0x3FAC] =	sst s2  }
0xb: {  	[smem:$0x3FAD] =	sst s3  }
0xc: {  	[smem:$0x3FAE] =	sst s4  }
0xd: {  	[smem:$0x3FAF] =	sst s5  }
0xe: {  	[smem:$0x3FB0] =	sst s6  }
0xf: {  	[smem:$0x3FB1] =	sst s7  }
0x10: {  	[smem:$0x3FB2] =	sst s8  }
0x11: {  	[smem:$0x3FB3] =	sst s9;
	s0 =	simm.s32 @!p0 $0x0  }
0x12: {  	s1 =	sld [smem:$0x3F99];
	s0 =	simm.s32 @p0 $0x1  }
0x13: {  	[smem:$0x3FB4] =	sst s0;
	s0 =	simm.s32 @!p1 $0x0  }
0x14: {  	s2 =	sld [smem:$0x3F98];
	s0 =	simm.s32 @p1 $0x1  }
0x15: {  	[smem:$0x3FB5] =	sst s0;
	s0 =	simm.s32 @!p2 $0x0  }
0x16: {  	s3 =	sld [smem:$0x3FDB];
	s0 =	simm.s32 @p2 $0x1  }
0x17: {  	s4 =	simm.s32 $0x1BF5;
	[smem:$0x3FB7] =	sst s0  }
0x18: {  	s0 =	sld [smem:$0x3F9A];
	_ =	swait.ge [sflag:s4], $0x0  }
0x19: {  	s7 =	sld [smem:$0x3F9B]  }
0x1a: {  	s8 =	sadd.s32 $0xFFFFE003, lr  }
0x1b: {  	s9 =	sadd.s32 $0xFFFFFEF7, lr;
	s5 =	simm.s32 $0xFFFFFFFF;
	p2 =	slt.u32 s8, $0xFFFFF086  }
0x1c: {  	p1 =	slt.u32 s9, $0xF7A;
	s5 =	simm.s32 @!p2 $0x0  }
0x1d: {  	s5 =	simm.s32 @p1 $0x1;
	p0 =	seq.s32 s7, s2  }
0x1e: {  	s7 =	smul.u32 @!p0 $0xF7A, s2;
	p2 =	seq.s32 @!p0 s5, $0x0  }
0x1f: {  	s9 =	smul.u32 $0xF7A, s1;
	s8 =	simm.s32 @!p0 $0x1BF5;
	p2 =	por !p2, p0  }
0x20: {  	[sflag:s8] =	ssyncset.s32 @!p0 $0xFFFFF086;
	s6 =	sadd.s32 @!p0 s3, s7;
	s7 =	simm.s32 @!p0 $0x108  }
0x21: {  	s3 =	sadd.s32 s3, s9;
	s6 =	sadd.s32 @!p0 $0x88, s6;
	s7 =	simm.s32 @p2 $0x1082  }
0x22: {  	[simem:s7], [sflag:s8] =	dma.local @!p0 [hbm:s6], $0xF7A  }
0x23: {  	s9 =	sor.u32 $0xD0000000, s2;
	s6 =	simm.s32 $0x108;
	_ =	swait.ge @!p0 [sflag:s8], $0x0  }
0x24: {  	s3 =	sadd.s32 $0x88, s3;
	s6 =	simm.s32 @!p1 $0x1082;
	[sflag:s4] =	ssyncset.s32 $0xFFFFF086  }
0x25: {  	[simem:s6], [sflag:s4] =	dma.local [hbm:s3], $0xF7A  }
0x26: {  	[smem:$0x3F9B] =	sst s1;
	(tag) =	ssettag s2;
	_ =	strace s9  }
0x27: {  	s1 =	sld [smem:$0x3FAB]  }
0x28: {  	s2 =	sld [smem:$0x3FAC]  }
0x29: {  	s4 =	sld [smem:$0x3FAE]  }
0x2a: {  	p0 =	seq.s32 s5, $0x0;
	s5 =	sld [smem:$0x3FAF]  }
0x2b: {  	s6 =	sld [smem:$0x3FB0]  }
0x2c: {  	s7 =	sld [smem:$0x3FB1]  }
0x2d: {  	s3 =	simm.s32 $0x108;
	s8 =	sld [smem:$0x3FB2]  }
0x2e: {  	s3 =	simm.s32 @!p0 $0x1082;
	s9 =	sld [smem:$0x3FB3]  }
0x2f: {  	lr =	sadd.s32 s0, s3;
	s0 =	sld [smem:$0x3FAA]  }
0x30: {  	s3 =	sld [smem:$0x3FAD]  }
0x31: {  	[smem:$0x3FB6] =	sst s10  }
0x32: {  	s10 =	sld [smem:$0x3FB4];
	_ =	sdelay $0x3  }
0x33: {  	p0 =	seq.s32 s10, $0x1;
	s10 =	sld [smem:$0x3FB6];
	_ =	sdelay $0x3  }
0x34: {  	[smem:$0x3FB6] =	sst s10  }
0x35: {  	s10 =	sld [smem:$0x3FB5];
	_ =	sdelay $0x3  }
0x36: {  	p1 =	seq.s32 s10, $0x1;
	s10 =	sld [smem:$0x3FB6];
	_ =	sdelay $0x3  }
0x37: {  	[smem:$0x3FB6] =	sst s10  }
0x38: {  	s10 =	sld [smem:$0x3FB7]  }
0x39: {  	_ = 	snop;
	(pc) =	sbr.ind lr, $3  }
0x3a: {  	_ = 	snop  }
0x3b: {  	_ = 	snop  }
0x3c: {  	p2 =	seq.s32 s10, $0x1;
	s10 =	sld [smem:$0x3FB6]  }
0x3d: {  	_ =	shalt  }
0x3e: {  	_ =	shalt  }
0x3f: {  	_ =	shalt  }
0x40: {  	_ =	shalt  }
0x41: {  	_ =	shalt  }
0x42: {  	_ =	shalt  }
0x43: {  	_ =	shalt  }
0x44: {  	_ =	shalt  }
0x45: {  	_ =	shalt  }
0x46: {  	_ =	shalt  }
0x47: {  	_ =	shalt  }
0x48: {  	_ =	shalt  }
0x49: {  	_ =	shalt  }
0x4a: {  	_ =	shalt  }
0x4b: {  	_ =	shalt  }
0x4c: {  	_ =	shalt  }
0x4d: {  	_ =	shalt  }
0x4e: {  	_ =	shalt  }
0x4f: {  	_ =	shalt  }
0x50: {  	_ =	shalt  }
0x51: {  	_ =	shalt  }
0x52: {  	_ =	shalt  }
0x53: {  	_ =	shalt  }
0x54: {  	_ =	shalt  }
0x55: {  	_ =	shalt  }
0x56: {  	_ =	shalt  }
0x57: {  	_ =	shalt  }
0x58: {  	_ =	shalt  }
0x59: {  	_ =	shalt  }
0x5a: {  	_ =	shalt  }
0x5b: {  	_ =	shalt  }
0x5c: {  	_ =	shalt  }
0x5d: {  	_ =	shalt  }
0x5e: {  	_ =	shalt  }
0x5f: {  	_ =	shalt  }
0x60: {  	_ =	shalt  }
0x61: {  	_ =	shalt  }
0x62: {  	_ =	shalt  }
0x63: {  	_ =	shalt  }
0x64: {  	_ =	shalt  }
0x65: {  	_ =	shalt  }
0x66: {  	_ =	shalt  }
0x67: {  	_ =	shalt  }
0x68: {  	_ =	shalt  }
0x69: {  	_ =	shalt  }
0x6a: {  	_ =	shalt  }
0x6b: {  	_ =	shalt  }
0x6c: {  	_ =	shalt  }
0x6d: {  	_ =	shalt  }
0x6e: {  	_ =	shalt  }
0x6f: {  	_ =	shalt  }
0x70: {  	_ =	shalt  }
0x71: {  	_ =	shalt  }
0x72: {  	_ =	shalt  }
0x73: {  	_ =	shalt  }
0x74: {  	_ =	shalt  }
0x75: {  	_ =	shalt  }
0x76: {  	_ =	shalt  }
0x77: {  	_ =	shalt  }
0x78: {  	_ =	shalt  }
0x79: {  	_ =	shalt  }
0x7a: {  	_ =	shalt  }
0x7b: {  	_ =	shalt  }
0x7c: {  	_ =	shalt  }
0x7d: {  	_ =	shalt  }
0x7e: {  	_ =	shalt  }
0x7f: {  	_ =	shalt  }
0x80: {  	_ =	shalt  }
0x81: {  	_ =	shalt  }
0x82: {  	_ =	shalt  }
0x83: {  	_ =	shalt  }
0x84: {  	_ =	shalt  }
0x85: {  	_ =	shalt  }
0x86: {  	_ =	shalt  }
0x87: {  	_ =	shalt  }
.Lfunc_end0:
.L_simem_size_0:
called_computation.2_lowered:
.L_overlay_start_0:
0x88: {  	s2 =	sld [smem:$0x3FD9]  }
0x89: {  	s3 =	sld [smem:$0x3FFE];
	_ =	sdelay $0x1  }
0x8a: {  	s1 =	srdreg.scid  }
0x8b: {  	s0 =	sand.u32 $0x1, s1  }
0x8c: {  	s16 =	sshll.u32 s0, $0xA;
	s2 =	sadd.s32 s3, s2  }
0x8d: {  	s2 =	sadd.s32 s2, s16  }
0x8e: {  	[smem:$0x3FC2] =	sst s2  }
0x8f: {  	_ = 	snop  }
0x90: {  	(tm) =	ssettm $0x1  }
0x91: {  	s17 =	sld [smem:$0x3FFB];
	_ =	sdelay $0x3  }
0x92: {  	_ =	strace s17  }
0x93: {  	s2 =	sld [smem:$0x3FFC];
	_ =	sdelay $0x3  }
0x94: {  	_ =	strace s2  }
0x95: {  	s2 =	sld [smem:$0x3FFD];
	_ =	sdelay $0x3  }
0x96: {  	_ =	strace s2  }
0x97: {  	_ =	strace $0x8FFFFFFF  }
0x98: {  	s18 =	sld [smem:$0x3FDB];
	_ =	sdelay $0x1  }
0x99: {  	s19 =	simm.s32 $_scs_section_size  }
0x9a: {  	s4 =	simm.s32 $_size__tile_overlayer_lowered;
	s5 =	simm.s32 $_tile_overlayer_lowered  }
0x9b: {  	s22 =	simm.s32 $0x1BFF;
	s21 =	sshll.u32 s5, $0x1;
	s2 =	sadd.s32 s19, s18  }
0x9c: {  	s6 =	simm.s32 $0x0;
	s20 =	sshll.u32 s4, $0x1;
	s4 =	sadd.s32 s21, s2  }
0x9d: {  	[timem:s6], [sflag:s22] =	dma.local [hbm:s4], s20  }
0x9e: {  	_ =	swait.ge [sflag:s22], s20  }
0x9f: {  	s3 =	ssub.s32 $0x0, s20;
	[sflag:s22] =	ssyncset.done $0x0  }
0xa0: {  	[sflag:s22] =	ssyncadd.s32 s3;
	_ =	sdelay $0x1  }
0xa1: {  	s23 =	simm.s32 $0x1B8B  }
0xa2: {  	_ =	swait.ge [sflag:s23], $0x1  }
0xa3: {  	[sflag:s23] =	ssyncset.done $0x0  }
0xa4: {  	s25 =	simm.s32 $0x1B8E;
	s24 =	sld [smem:$0x3FFE];
	[sflag:s23] =	ssyncadd.s32 $0xFFFFFFFF  }
0xa5: {  	s26 =	simm.s32 $execute0_lowered;
	[smem:$0x3FD2] =	sst s25  }
0xa6: {  	s4 =	sshll.u32 s26, $0x1;
	_ =	strace $0x8000004C;
	[dreg:$0x1] =	wrdreg $0xFFFFFFFF  }
0xa7: {  	s28 =	simm.s32 $_size_execute0_lowered;
	s2 =	sadd.s32 s2, s4;
	[dreg:$0x0] =	wrdreg $0x0  }
0xa8: {  	s4 =	sshll.u32 s28, $0x1;
	[dreg:$0x2] =	wrdreg s2  }
0xa9: {  	[dreg:$0x3] =	wrdreg s4  }
0xaa: {  	[dreg:$0x4] =	wrdreg $0xC0  }
0xab: {  	_ =	task [dreg:s6], $0x5FFFF  }
0xac: {  	[dreg:$0x1] =	wrdreg $0xFFFFFFFF  }
0xad: {  	[dreg:$0x0] =	wrdreg $0x60  }
0xae: {  	[dreg:$0x2] =	wrdreg s24  }
0xaf: {  	[dreg:$0x3] =	wrdreg $0x14A000  }
0xb0: {  	[dreg:$0x4] =	wrdreg $0x9  }
0xb1: {  	_ =	task.clear_ibuf [dreg:s6], $0x5FFFF;
	_ =	strace $0x9000004C  }
0xb2: {  	s29 =	simm.s32 $0x9;
	_ =	strace $0x8000004E  }
0xb3: {  	_ =	swait.ge [sflag:s29], $0x1  }
0xb4: {  	[sflag:s29] =	ssyncadd.s32 $0xFFFFFFFF  }
0xb5: {  	_ =	strace $0x9000004E  }
0xb6: {  	_ =	sfence  }
0xb7: {  	s30 =	sld [smem:$0x0];
	_ =	sdelay $0x2  }
0xb8: {  	s31 =	sshll.u32 s1, $0xD;
	s1 =	sshrl.u32 s1, $0x2  }
0xb9: {  	s3 =	sand.u32 $0x4000, s31;
	s1 =	sadd.s32 s1, s30  }
0xba: {  	s0 =	sor.u32 s3, s0;
	s1 =	sshll.u32 s1, $0x11  }
0xbb: {  	s0 =	sor.u32 s1, s0  }
0xbc: {  	s0 =	sadd.s32 $0x8F2B, s0  }
0xbd: {  	[sflag:s0] =	ssyncadd.remote.s32 $0x1  }
0xbe: {  	_ =	sfence.sel $0xFFFF  }
0xbf: {  	[dreg:$0x0] =	wrdreg $0xFFFFFFFF;
	(pc) =	sbr.abs _section_cstart, $3  }
0xc0: {  	[dreg:$0x1] =	wrdreg $0xFFFFFFFF  }
0xc1: {  	_ =	task.clear_ibuf [dreg:s6], $0x2FFFF;
	_ =	strace $0x9FFFFFFF  }
0xc2: {  	(tm) =	ssettm $0x7FFFFFFF  }
0xc3: {  	_ =	shalt  }
tec
execute0_lowered:
.L_overlay_start_1:
0x0: {  	(tag) =	ssettag $0x1  }
0x1: {  	s0 =	rddreg [dreg:$0x0];
	s1 =	srdreg.scid  }
0x2: {  	s3 =	stileid.u32;
	s2 =	rddreg [dreg:$0x1]  }
0x3: {  	s4 =	simm.s32 $0x0;
	s8 =	simm.s32 $0x5000;
	s12 =	simm.s32 $0x3  }
0x4: {  	s13 =	simm.s32 $0x1;
	s14 =	simm.s32 $0x2;
	s15 =	simm.s32 $0x7D  }
0x5: {  	s17 =	simm.s32 $0x5FA0;
	s19 =	simm.s32 $0x6F40;
	s21 =	simm.s32 $0x7EE0  }
0x6: {  	s23 =	simm.s32 $0x8E80;
	s25 =	simm.s32 $0x9E20;
	s28 =	simm.s32 $0xADC0  }
0x7: {  	s30 =	simm.s32 $0xBD60;
	s31 =	simm.s32 $0xCD00;
	s10 =	simm.s32 $0xEC40  }
0x8: {  	s16 =	simm.s32 $0xFBE0;
	s1 =	sand.u32 $0x1, s1;
	s3 =	smul.u32 $0x5000, s3  }
0x9: {  	s18 =	simm.s32 $0x10B80;
	[smem:$0x7FF] =	sst s4;
	s5 =	smul.u32 $0x2800, s1  }
0xa: {  	s4 =	sadd.s32 $0x1800, s0;
	s6 =	smul.u32 $0x50000, s1;
	s1 =	ssub.s32 $0x2, s1  }
0xb: {  	_ =	strace $0x8000004D;
	s7 =	sshrl.u32 s1, $0x1;
	s5 =	sadd.s32 s5, s3  }
0xc: {  	s6 =	sadd.s32 s3, s6;
	s1 =	ssub.s32 s1, s7;
	s5 =	sshrl.u32 s5, $0x3  }
0xd: {  	s6 =	sshrl.u32 s6, $0x3;
	s29 =	smax.u32 s1, $0x1;
	s5 =	sadd.s32 s5, s0  }
0xe: {  	s0 =	sadd.s32 s6, s0;
	s6 =	sadd.s32 s3, s2;
	[dreg:$0x7] =	wrdreg s29  }
0xf: {  	s20 =	simm.s32 $0x11B20;
	s26 =	sadd.s32 $0xB800, s5;
	[dreg:$0x5] =	wrdreg s6  }
0x10: {  	s22 =	simm.s32 $0x12AC0;
	s5 =	sadd.s32 $0x15800, s5;
	[dreg:$0x3] =	wrdreg s26  }
0x11: {  	s24 =	simm.s32 $0x13A60;
	s0 =	sadd.s32 $0x1F800, s0;
	[dreg:$0x4] =	wrdreg s5  }
0x12: {  	v0 =	vimm.f32 $0.0e+00;
	s1 =	simm.s32 $0xDCA0;
	s3 =	simm.s32 $0x0;
	[dreg:$0x6] =	wrdreg s0  }
.LBB2_1:
0x13: {  	s0 =	simm.s32 $0x0;
	s26 =	rddreg [dreg:$0x3]  }
0x14: {  	[tilespmem:s0], [sflag:$0x1] =	stream.linear.gather [hbm4b:s26+s0], $0x2800, $0x38;
	[tilespmem:$0x19A00] =	vst v63  }
0x15: {  	s29 =	rddreg [dreg:$0x4];
	s5 =	simm.s32 $0x2800  }
0x16: {  	[tilespmem:s5], [sflag:$0x2] =	stream.linear.gather [hbm4b:s29+s0], $0x2800, $0x38;
	[tilespmem:$0x19A00] =	vst v63  }
0x17: {  	[dreg:$0x8] =	wrdreg s3;
	s3 =	simm.s32 $0x0;
	s0 =	simm.s32 $0x80  }
.LBB2_2:
0x18: {  	p0 =	sne.s32 s0, $0x13F80;
	[tilespmem:s3+$0x5000] =	vst v0;
	s5 =	smov.u32 s0;
	s0 =	sadd.s32 $0x80, s0  }
.Ltmp0:
0x19: {  	[tilespmem:s3+$0x5010] =	vst v0;
	(pc) =	sbr.rel @p0 .LBB2_2-.Ltmp0, $2  }
0x1a: {  	_ =	sdelay $0x2  }
0x1b: {  	s3 =	sshra.s32 s5, $0x2  }
0x1c: {  	[tilespmem:s3+$0x5000] =	vst v0  }
0x1d: {  	[tilespmem:s3+$0x5010] =	vst v0  }
0x1e: {  	[spmem:s6] =	stream.linear.scatter [tilespmem:s8], [sflag:$0x3], $0x5000, $0x38;
	[tilespmem:$0x19A00] =	vst v63  }
0x1f: {  	_ =	swait.ge [sflag:s12], $0x5000  }
0x20: {  	[sflag:s12] =	ssyncset.done $0x0  }
0x21: {  	[sflag:s12] =	ssyncadd.s32 $0xFFFFB000  }
0x22: {  	_ =	swait.ge [sflag:s13], $0x2800  }
0x23: {  	[sflag:s13] =	ssyncset.done $0x0  }
0x24: {  	[sflag:s13] =	ssyncadd.s32 $0xFFFFD800  }
0x25: {  	_ =	swait.ge [sflag:s14], $0x2800  }
0x26: {  	[sflag:s14] =	ssyncset.done $0x0  }
0x27: {  	[sflag:s14] =	ssyncadd.s32 $0xFFFFD800  }
0x28: {  	s0 =	simm.s32 $0x0;
	[bflag:$0x0] =	sbarrier.arrive $0xFFFF  }
0x29: {  	[tilespmem:s8], [sflag:$0x1] =	stream.indirect.gather [hbm4b:s4+s15], $0x20, s0, s15, $0xb8;
	[tilespmem:$0x19A00] =	vst v63  }
0x2a: {  	s9 =	simm.s32 $0x80  }
0x2b: {  	[tilespmem:s17], [sflag:$0x1] =	stream.indirect.gather [hbm4b:s4+s15], $0x20, s9, s15, $0xb8;
	[tilespmem:$0x19A00] =	vst v63  }
0x2c: {  	s11 =	simm.s32 $0x100  }
0x2d: {  	[tilespmem:s19], [sflag:$0x1] =	stream.indirect.gather [hbm4b:s4+s15], $0x20, s11, s15, $0xb8;
	[tilespmem:$0x19A00] =	vst v63  }
0x2e: {  	s26 =	simm.s32 $0x180  }
0x2f: {  	[tilespmem:s21], [sflag:$0x1] =	stream.indirect.gather [hbm4b:s4+s15], $0x20, s26, s15, $0xb8;
	[tilespmem:$0x19A00] =	vst v63  }
0x30: {  	s3 =	simm.s32 $0x200  }
0x31: {  	[tilespmem:s23], [sflag:$0x1] =	stream.indirect.gather [hbm4b:s4+s15], $0x20, s3, s15, $0xb8;
	[tilespmem:$0x19A00] =	vst v63  }
0x32: {  	s5 =	simm.s32 $0x280  }
0x33: {  	[tilespmem:s25], [sflag:$0x1] =	stream.indirect.gather [hbm4b:s4+s15], $0x20, s5, s15, $0xb8;
	[tilespmem:$0x19A00] =	vst v63  }
0x34: {  	s6 =	simm.s32 $0x300  }
0x35: {  	[tilespmem:s28], [sflag:$0x1] =	stream.indirect.gather [hbm4b:s4+s15], $0x20, s6, s15, $0xb8;
	[tilespmem:$0x19A00] =	vst v63  }
0x36: {  	s7 =	simm.s32 $0x380  }
0x37: {  	[tilespmem:s30], [sflag:$0x1] =	stream.indirect.gather [hbm4b:s4+s15], $0x20, s7, s15, $0xb8;
	[tilespmem:$0x19A00] =	vst v63  }
0x38: {  	s9 =	simm.s32 $0x400  }
0x39: {  	[tilespmem:s31], [sflag:$0x2] =	stream.indirect.gather [hbm4b:s4+s15], $0x20, s9, s15, $0xb8;
	[tilespmem:$0x19A00] =	vst v63  }
0x3a: {  	s11 =	simm.s32 $0x480  }
0x3b: {  	[tilespmem:s1], [sflag:$0x2] =	stream.indirect.gather [hbm4b:s4+s15], $0x20, s11, s15, $0xb8;
	[tilespmem:$0x19A00] =	vst v63  }
0x3c: {  	s26 =	simm.s32 $0x500  }
0x3d: {  	[tilespmem:s10], [sflag:$0x2] =	stream.indirect.gather [hbm4b:s4+s15], $0x20, s26, s15, $0xb8;
	[tilespmem:$0x19A00] =	vst v63  }
0x3e: {  	s3 =	simm.s32 $0x580  }
0x3f: {  	[tilespmem:s16], [sflag:$0x2] =	stream.indirect.gather [hbm4b:s4+s15], $0x20, s3, s15, $0xb8;
	[tilespmem:$0x19A00] =	vst v63  }
0x40: {  	s5 =	simm.s32 $0x600  }
0x41: {  	[tilespmem:s18], [sflag:$0x2] =	stream.indirect.gather [hbm4b:s4+s15], $0x20, s5, s15, $0xb8;
	[tilespmem:$0x19A00] =	vst v63  }
0x42: {  	s6 =	simm.s32 $0x680  }
0x43: {  	[tilespmem:s20], [sflag:$0x2] =	stream.indirect.gather [hbm4b:s4+s15], $0x20, s6, s15, $0xb8;
	[tilespmem:$0x19A00] =	vst v63  }
0x44: {  	s7 =	simm.s32 $0x700  }
0x45: {  	[tilespmem:s22], [sflag:$0x2] =	stream.indirect.gather [hbm4b:s4+s15], $0x20, s7, s15, $0xb8;
	[tilespmem:$0x19A00] =	vst v63  }
0x46: {  	s9 =	simm.s32 $0x780  }
0x47: {  	[tilespmem:s24], [sflag:$0x2] =	stream.indirect.gather [hbm4b:s4+s15], $0x20, s9, s15, $0xb8;
	[tilespmem:$0x19A00] =	vst v63  }
0x48: {  	_ =	swait.ge [sflag:s13], $0xFA0  }
0x49: {  	[sflag:s13] =	ssyncset.done $0x0  }
0x4a: {  	[sflag:s13] =	ssyncadd.s32 $0xFFFFF060  }
0x4b: {  	_ =	swait.ge [sflag:s13], $0xFA0  }
0x4c: {  	[sflag:s13] =	ssyncset.done $0x0  }
0x4d: {  	[sflag:s13] =	ssyncadd.s32 $0xFFFFF060  }
0x4e: {  	_ =	swait.ge [sflag:s13], $0xFA0  }
0x4f: {  	[sflag:s13] =	ssyncset.done $0x0  }
0x50: {  	[sflag:s13] =	ssyncadd.s32 $0xFFFFF060  }
0x51: {  	_ =	swait.ge [sflag:s13], $0xFA0  }
0x52: {  	[sflag:s13] =	ssyncset.done $0x0  }
0x53: {  	[sflag:s13] =	ssyncadd.s32 $0xFFFFF060  }
0x54: {  	_ =	swait.ge [sflag:s13], $0xFA0  }
0x55: {  	[sflag:s13] =	ssyncset.done $0x0  }
0x56: {  	[sflag:s13] =	ssyncadd.s32 $0xFFFFF060  }
0x57: {  	_ =	swait.ge [sflag:s13], $0xFA0  }
0x58: {  	[sflag:s13] =	ssyncset.done $0x0  }
0x59: {  	[sflag:s13] =	ssyncadd.s32 $0xFFFFF060  }
0x5a: {  	_ =	swait.ge [sflag:s13], $0xFA0  }
0x5b: {  	[sflag:s13] =	ssyncset.done $0x0  }
0x5c: {  	[sflag:s13] =	ssyncadd.s32 $0xFFFFF060  }
0x5d: {  	_ =	swait.ge [sflag:s13], $0xFA0  }
0x5e: {  	[sflag:s13] =	ssyncset.done $0x0  }
0x5f: {  	s11 =	simm.s32 $0x2800;
	[sflag:s13] =	ssyncadd.s32 $0xFFFFF060  }
0x60: {  	[spmem:s2] =	stream.indirect.scatter.add.f32 [tilespmem:s8], [sflag:$0x3], $0x20, s11, s15, $0xb8;
	[tilespmem:$0x19A00] =	vst v63  }
0x61: {  	_ =	swait.ge [sflag:s12], $0xFA0  }
0x62: {  	[sflag:s12] =	ssyncset.done $0x0  }
0x63: {  	s26 =	simm.s32 $0x2880;
	[sflag:s12] =	ssyncadd.s32 $0xFFFFF060  }
0x64: {  	[spmem:s2] =	stream.indirect.scatter.add.f32 [tilespmem:s17], [sflag:$0x3], $0x20, s26, s15, $0xb8;
	[tilespmem:$0x19A00] =	vst v63  }
0x65: {  	_ =	swait.ge [sflag:s12], $0xFA0  }
0x66: {  	[sflag:s12] =	ssyncset.done $0x0  }
0x67: {  	s3 =	simm.s32 $0x2900;
	[sflag:s12] =	ssyncadd.s32 $0xFFFFF060  }
0x68: {  	[spmem:s2] =	stream.indirect.scatter.add.f32 [tilespmem:s19], [sflag:$0x3], $0x20, s3, s15, $0xb8;
	[tilespmem:$0x19A00] =	vst v63  }
0x69: {  	_ =	swait.ge [sflag:s12], $0xFA0  }
0x6a: {  	[sflag:s12] =	ssyncset.done $0x0  }
0x6b: {  	s5 =	simm.s32 $0x2980;
	[sflag:s12] =	ssyncadd.s32 $0xFFFFF060  }
0x6c: {  	[spmem:s2] =	stream.indirect.scatter.add.f32 [tilespmem:s21], [sflag:$0x3], $0x20, s5, s15, $0xb8;
	[tilespmem:$0x19A00] =	vst v63  }
0x6d: {  	_ =	swait.ge [sflag:s12], $0xFA0  }
0x6e: {  	[sflag:s12] =	ssyncset.done $0x0  }
0x6f: {  	s6 =	simm.s32 $0x2A00;
	[sflag:s12] =	ssyncadd.s32 $0xFFFFF060  }
0x70: {  	[spmem:s2] =	stream.indirect.scatter.add.f32 [tilespmem:s23], [sflag:$0x3], $0x20, s6, s15, $0xb8;
	[tilespmem:$0x19A00] =	vst v63  }
0x71: {  	_ =	swait.ge [sflag:s12], $0xFA0  }
0x72: {  	[sflag:s12] =	ssyncset.done $0x0  }
0x73: {  	s7 =	simm.s32 $0x2A80;
	[sflag:s12] =	ssyncadd.s32 $0xFFFFF060  }
0x74: {  	[spmem:s2] =	stream.indirect.scatter.add.f32 [tilespmem:s25], [sflag:$0x3], $0x20, s7, s15, $0xb8;
	[tilespmem:$0x19A00] =	vst v63  }
0x75: {  	_ =	swait.ge [sflag:s12], $0xFA0  }
0x76: {  	[sflag:s12] =	ssyncset.done $0x0  }
0x77: {  	s9 =	simm.s32 $0x2B00;
	[sflag:s12] =	ssyncadd.s32 $0xFFFFF060  }
0x78: {  	[spmem:s2] =	stream.indirect.scatter.add.f32 [tilespmem:s28], [sflag:$0x3], $0x20, s9, s15, $0xb8;
	[tilespmem:$0x19A00] =	vst v63  }
0x79: {  	_ =	swait.ge [sflag:s12], $0xFA0  }
0x7a: {  	[sflag:s12] =	ssyncset.done $0x0  }
0x7b: {  	s11 =	simm.s32 $0x2B80;
	[sflag:s12] =	ssyncadd.s32 $0xFFFFF060  }
0x7c: {  	[spmem:s2] =	stream.indirect.scatter.add.f32 [tilespmem:s30], [sflag:$0x3], $0x20, s11, s15, $0xb8;
	[tilespmem:$0x19A00] =	vst v63  }
0x7d: {  	p0 =	por $0x0, $0x0;
	_ =	swait.ge [sflag:s12], $0xFA0  }
0x7e: {  	s0 =	simm.s32 @!p0 $0x5000;
	[sflag:s12] =	ssyncset.done $0x0  }
0x7f: {  	s3 =	simm.s32 @!p0 $0x800;
	s5 =	simm.s32 @!p0 $0x7D;
	[sflag:s12] =	ssyncadd.s32 $0xFFFFF060  }
0x80: {  	[tilespmem:s0], [sflag:$0x1] =	stream.indirect.gather @!p0 [hbm4b:s4+s5], $0x20, s3, s5, $0xb8;
	[tilespmem:$0x19A00] =	vst v63  }
0x81: {  	s0 =	simm.s32 @!p0 $0x880;
	s3 =	simm.s32 @!p0 $0x5FA0  }
0x82: {  	[tilespmem:s3], [sflag:$0x1] =	stream.indirect.gather @!p0 [hbm4b:s4+s5], $0x20, s0, s5, $0xb8;
	[tilespmem:$0x19A00] =	vst v63  }
0x83: {  	s0 =	simm.s32 @!p0 $0x900;
	s3 =	simm.s32 @!p0 $0x6F40  }
0x84: {  	[tilespmem:s3], [sflag:$0x1] =	stream.indirect.gather @!p0 [hbm4b:s4+s5], $0x20, s0, s5, $0xb8;
	[tilespmem:$0x19A00] =	vst v63  }
0x85: {  	s0 =	simm.s32 @!p0 $0x980;
	s3 =	simm.s32 @!p0 $0x7EE0  }
0x86: {  	[tilespmem:s3], [sflag:$0x1] =	stream.indirect.gather @!p0 [hbm4b:s4+s5], $0x20, s0, s5, $0xb8;
	[tilespmem:$0x19A00] =	vst v63  }
0x87: {  	s0 =	simm.s32 @!p0 $0xA00;
	s3 =	simm.s32 @!p0 $0x8E80  }
0x88: {  	[tilespmem:s3], [sflag:$0x1] =	stream.indirect.gather @!p0 [hbm4b:s4+s5], $0x20, s0, s5, $0xb8;
	[tilespmem:$0x19A00] =	vst v63  }
0x89: {  	s0 =	simm.s32 @!p0 $0xA80;
	s3 =	simm.s32 @!p0 $0x9E20  }
0x8a: {  	[tilespmem:s3], [sflag:$0x1] =	stream.indirect.gather @!p0 [hbm4b:s4+s5], $0x20, s0, s5, $0xb8;
	[tilespmem:$0x19A00] =	vst v63  }
0x8b: {  	s0 =	simm.s32 @!p0 $0xB00;
	s3 =	simm.s32 @!p0 $0xADC0  }
0x8c: {  	[tilespmem:s3], [sflag:$0x1] =	stream.indirect.gather @!p0 [hbm4b:s4+s5], $0x20, s0, s5, $0xb8;
	[tilespmem:$0x19A00] =	vst v63  }
0x8d: {  	s0 =	simm.s32 @!p0 $0xB80;
	s3 =	simm.s32 @!p0 $0xBD60  }
0x8e: {  	[tilespmem:s3], [sflag:$0x1] =	stream.indirect.gather @!p0 [hbm4b:s4+s5], $0x20, s0, s5, $0xb8;
	[tilespmem:$0x19A00] =	vst v63  }
0x8f: {  	_ =	swait.ge [sflag:s14], $0xFA0  }
0x90: {  	[sflag:s14] =	ssyncset.done $0x0  }
0x91: {  	[sflag:s14] =	ssyncadd.s32 $0xFFFFF060  }
0x92: {  	_ =	swait.ge [sflag:s14], $0xFA0  }
0x93: {  	[sflag:s14] =	ssyncset.done $0x0  }
0x94: {  	[sflag:s14] =	ssyncadd.s32 $0xFFFFF060  }
0x95: {  	_ =	swait.ge [sflag:s14], $0xFA0  }
0x96: {  	[sflag:s14] =	ssyncset.done $0x0  }
0x97: {  	[sflag:s14] =	ssyncadd.s32 $0xFFFFF060  }
0x98: {  	_ =	swait.ge [sflag:s14], $0xFA0  }
0x99: {  	[sflag:s14] =	ssyncset.done $0x0  }
0x9a: {  	[sflag:s14] =	ssyncadd.s32 $0xFFFFF060  }
0x9b: {  	_ =	swait.ge [sflag:s14], $0xFA0  }
0x9c: {  	[sflag:s14] =	ssyncset.done $0x0  }
0x9d: {  	[sflag:s14] =	ssyncadd.s32 $0xFFFFF060  }
0x9e: {  	_ =	swait.ge [sflag:s14], $0xFA0  }
0x9f: {  	[sflag:s14] =	ssyncset.done $0x0  }
0xa0: {  	[sflag:s14] =	ssyncadd.s32 $0xFFFFF060  }
0xa1: {  	_ =	swait.ge [sflag:s14], $0xFA0  }
0xa2: {  	[sflag:s14] =	ssyncset.done $0x0  }
0xa3: {  	[sflag:s14] =	ssyncadd.s32 $0xFFFFF060  }
0xa4: {  	_ =	swait.ge [sflag:s14], $0xFA0  }
0xa5: {  	[sflag:s14] =	ssyncset.done $0x0  }
0xa6: {  	s26 =	simm.s32 $0x2C00;
	[sflag:s14] =	ssyncadd.s32 $0xFFFFF060  }
0xa7: {  	[spmem:s2] =	stream.indirect.scatter.add.f32 [tilespmem:s31], [sflag:$0x3], $0x20, s26, s15, $0xb8;
	[tilespmem:$0x19A00] =	vst v63  }
0xa8: {  	_ =	swait.ge [sflag:s12], $0xFA0  }
0xa9: {  	[sflag:s12] =	ssyncset.done $0x0  }
0xaa: {  	s3 =	simm.s32 $0x2C80;
	[sflag:s12] =	ssyncadd.s32 $0xFFFFF060  }
0xab: {  	[spmem:s2] =	stream.indirect.scatter.add.f32 [tilespmem:s1], [sflag:$0x3], $0x20, s3, s15, $0xb8;
	[tilespmem:$0x19A00] =	vst v63  }
0xac: {  	_ =	swait.ge [sflag:s12], $0xFA0  }
0xad: {  	[sflag:s12] =	ssyncset.done $0x0  }
0xae: {  	s5 =	simm.s32 $0x2D00;
	[sflag:s12] =	ssyncadd.s32 $0xFFFFF060  }
0xaf: {  	[spmem:s2] =	stream.indirect.scatter.add.f32 [tilespmem:s10], [sflag:$0x3], $0x20, s5, s15, $0xb8;
	[tilespmem:$0x19A00] =	vst v63  }
0xb0: {  	_ =	swait.ge [sflag:s12], $0xFA0  }
0xb1: {  	[sflag:s12] =	ssyncset.done $0x0  }
0xb2: {  	s6 =	simm.s32 $0x2D80;
	[sflag:s12] =	ssyncadd.s32 $0xFFFFF060  }
0xb3: {  	[spmem:s2] =	stream.indirect.scatter.add.f32 [tilespmem:s16], [sflag:$0x3], $0x20, s6, s15, $0xb8;
	[tilespmem:$0x19A00] =	vst v63  }
0xb4: {  	_ =	swait.ge [sflag:s12], $0xFA0  }
0xb5: {  	[sflag:s12] =	ssyncset.done $0x0  }
0xb6: {  	s7 =	simm.s32 $0x2E00;
	[sflag:s12] =	ssyncadd.s32 $0xFFFFF060  }
0xb7: {  	[spmem:s2] =	stream.indirect.scatter.add.f32 [tilespmem:s18], [sflag:$0x3], $0x20, s7, s15, $0xb8;
	[tilespmem:$0x19A00] =	vst v63  }
0xb8: {  	_ =	swait.ge [sflag:s12], $0xFA0  }
0xb9: {  	[sflag:s12] =	ssyncset.done $0x0  }
0xba: {  	s9 =	simm.s32 $0x2E80;
	[sflag:s12] =	ssyncadd.s32 $0xFFFFF060  }
0xbb: {  	[spmem:s2] =	stream.indirect.scatter.add.f32 [tilespmem:s20], [sflag:$0x3], $0x20, s9, s15, $0xb8;
	[tilespmem:$0x19A00] =	vst v63  }
0xbc: {  	_ =	swait.ge [sflag:s12], $0xFA0  }
0xbd: {  	[sflag:s12] =	ssyncset.done $0x0  }
0xbe: {  	s11 =	simm.s32 $0x2F00;
	[sflag:s12] =	ssyncadd.s32 $0xFFFFF060  }
0xbf: {  	[spmem:s2] =	stream.indirect.scatter.add.f32 [tilespmem:s22], [sflag:$0x3], $0x20, s11, s15, $0xb8;
	[tilespmem:$0x19A00] =	vst v63  }
0xc0: {  	_ =	swait.ge [sflag:s12], $0xFA0  }
0xc1: {  	[sflag:s12] =	ssyncset.done $0x0  }
0xc2: {  	s26 =	simm.s32 $0x2F80;
	[sflag:s12] =	ssyncadd.s32 $0xFFFFF060  }
0xc3: {  	[spmem:s2] =	stream.indirect.scatter.add.f32 [tilespmem:s24], [sflag:$0x3], $0x20, s26, s15, $0xb8;
	[tilespmem:$0x19A00] =	vst v63  }
0xc4: {  	s29 =	simm.s32 $0x2000;
	_ =	swait.ge [sflag:s12], $0xFA0  }
0xc5: {  	s0 =	simm.s32 $0x800;
	s3 =	simm.s32 $0x4000;
	[sflag:s12] =	ssyncset.done $0x0  }
.LBB2_4:
0xc6: {  	s6 =	sadd.s32 $0x400, s0  }
0xc7: {  	[sflag:s12] =	ssyncadd.s32 $0xFFFFF060;
	s5 =	smov.u32 s3;
	s3 =	sadd.s32 $0x2000, s3  }
0xc8: {  	[tilespmem:s31], [sflag:$0x2] =	stream.indirect.gather [hbm4b:s4+s15], $0x20, s6, s15, $0xb8;
	[tilespmem:$0x19A00] =	vst v63  }
0xc9: {  	p0 =	sne.s32 s3, $0xA000;
	s6 =	sadd.s32 $0x480, s0  }
0xca: {  	[tilespmem:s1], [sflag:$0x2] =	stream.indirect.gather [hbm4b:s4+s15], $0x20, s6, s15, $0xb8;
	[tilespmem:$0x19A00] =	vst v63  }
0xcb: {  	s6 =	sadd.s32 $0x500, s0  }
0xcc: {  	[tilespmem:s10], [sflag:$0x2] =	stream.indirect.gather [hbm4b:s4+s15], $0x20, s6, s15, $0xb8;
	[tilespmem:$0x19A00] =	vst v63  }
0xcd: {  	s6 =	sadd.s32 $0x580, s0  }
0xce: {  	[tilespmem:s16], [sflag:$0x2] =	stream.indirect.gather [hbm4b:s4+s15], $0x20, s6, s15, $0xb8;
	[tilespmem:$0x19A00] =	vst v63  }
0xcf: {  	s6 =	sadd.s32 $0x600, s0  }
0xd0: {  	[tilespmem:s18], [sflag:$0x2] =	stream.indirect.gather [hbm4b:s4+s15], $0x20, s6, s15, $0xb8;
	[tilespmem:$0x19A00] =	vst v63  }
0xd1: {  	s6 =	sadd.s32 $0x680, s0  }
0xd2: {  	[tilespmem:s20], [sflag:$0x2] =	stream.indirect.gather [hbm4b:s4+s15], $0x20, s6, s15, $0xb8;
	[tilespmem:$0x19A00] =	vst v63  }
0xd3: {  	s6 =	sadd.s32 $0x700, s0  }
0xd4: {  	[tilespmem:s22], [sflag:$0x2] =	stream.indirect.gather [hbm4b:s4+s15], $0x20, s6, s15, $0xb8;
	[tilespmem:$0x19A00] =	vst v63  }
0xd5: {  	s6 =	sadd.s32 $0x780, s0  }
0xd6: {  	[tilespmem:s24], [sflag:$0x2] =	stream.indirect.gather [hbm4b:s4+s15], $0x20, s6, s15, $0xb8;
	[tilespmem:$0x19A00] =	vst v63  }
0xd7: {  	_ =	swait.ge [sflag:s13], $0xFA0  }
0xd8: {  	[sflag:s13] =	ssyncset.done $0x0  }
0xd9: {  	[sflag:s13] =	ssyncadd.s32 $0xFFFFF060  }
0xda: {  	_ =	swait.ge [sflag:s13], $0xFA0  }
0xdb: {  	[sflag:s13] =	ssyncset.done $0x0  }
0xdc: {  	[sflag:s13] =	ssyncadd.s32 $0xFFFFF060  }
0xdd: {  	_ =	swait.ge [sflag:s13], $0xFA0  }
0xde: {  	[sflag:s13] =	ssyncset.done $0x0  }
0xdf: {  	[sflag:s13] =	ssyncadd.s32 $0xFFFFF060  }
0xe0: {  	_ =	swait.ge [sflag:s13], $0xFA0  }
0xe1: {  	[sflag:s13] =	ssyncset.done $0x0  }
0xe2: {  	[sflag:s13] =	ssyncadd.s32 $0xFFFFF060  }
0xe3: {  	_ =	swait.ge [sflag:s13], $0xFA0  }
0xe4: {  	[sflag:s13] =	ssyncset.done $0x0  }
0xe5: {  	[sflag:s13] =	ssyncadd.s32 $0xFFFFF060  }
0xe6: {  	_ =	swait.ge [sflag:s13], $0xFA0  }
0xe7: {  	[sflag:s13] =	ssyncset.done $0x0  }
0xe8: {  	[sflag:s13] =	ssyncadd.s32 $0xFFFFF060  }
0xe9: {  	_ =	swait.ge [sflag:s13], $0xFA0  }
0xea: {  	[sflag:s13] =	ssyncset.done $0x0  }
0xeb: {  	[sflag:s13] =	ssyncadd.s32 $0xFFFFF060  }
0xec: {  	_ =	swait.ge [sflag:s13], $0xFA0  }
0xed: {  	[sflag:s13] =	ssyncset.done $0x0  }
0xee: {  	s6 =	sadd.s32 $0x2800, s0;
	[sflag:s13] =	ssyncadd.s32 $0xFFFFF060  }
0xef: {  	[spmem:s2] =	stream.indirect.scatter.add.f32 [tilespmem:s8], [sflag:$0x3], $0x20, s6, s15, $0xb8;
	[tilespmem:$0x19A00] =	vst v63  }
0xf0: {  	_ =	swait.ge [sflag:s12], $0xFA0  }
0xf1: {  	[sflag:s12] =	ssyncset.done $0x0  }
0xf2: {  	s6 =	sadd.s32 $0x2880, s0;
	[sflag:s12] =	ssyncadd.s32 $0xFFFFF060  }
0xf3: {  	[spmem:s2] =	stream.indirect.scatter.add.f32 [tilespmem:s17], [sflag:$0x3], $0x20, s6, s15, $0xb8;
	[tilespmem:$0x19A00] =	vst v63  }
0xf4: {  	_ =	swait.ge [sflag:s12], $0xFA0  }
0xf5: {  	[sflag:s12] =	ssyncset.done $0x0  }
0xf6: {  	s6 =	sadd.s32 $0x2900, s0;
	[sflag:s12] =	ssyncadd.s32 $0xFFFFF060  }
0xf7: {  	[spmem:s2] =	stream.indirect.scatter.add.f32 [tilespmem:s19], [sflag:$0x3], $0x20, s6, s15, $0xb8;
	[tilespmem:$0x19A00] =	vst v63  }
0xf8: {  	_ =	swait.ge [sflag:s12], $0xFA0  }
0xf9: {  	[sflag:s12] =	ssyncset.done $0x0  }
0xfa: {  	s6 =	sadd.s32 $0x2980, s0;
	[sflag:s12] =	ssyncadd.s32 $0xFFFFF060  }
0xfb: {  	[spmem:s2] =	stream.indirect.scatter.add.f32 [tilespmem:s21], [sflag:$0x3], $0x20, s6, s15, $0xb8;
	[tilespmem:$0x19A00] =	vst v63  }
0xfc: {  	_ =	swait.ge [sflag:s12], $0xFA0  }
0xfd: {  	[sflag:s12] =	ssyncset.done $0x0  }
0xfe: {  	s6 =	sadd.s32 $0x2A00, s0;
	[sflag:s12] =	ssyncadd.s32 $0xFFFFF060  }
0xff: {  	[spmem:s2] =	stream.indirect.scatter.add.f32 [tilespmem:s23], [sflag:$0x3], $0x20, s6, s15, $0xb8;
	[tilespmem:$0x19A00] =	vst v63  }
0x100: {  	_ =	swait.ge [sflag:s12], $0xFA0  }
0x101: {  	[sflag:s12] =	ssyncset.done $0x0  }
0x102: {  	s6 =	sadd.s32 $0x2A80, s0;
	[sflag:s12] =	ssyncadd.s32 $0xFFFFF060  }
0x103: {  	[spmem:s2] =	stream.indirect.scatter.add.f32 [tilespmem:s25], [sflag:$0x3], $0x20, s6, s15, $0xb8;
	[tilespmem:$0x19A00] =	vst v63  }
0x104: {  	_ =	swait.ge [sflag:s12], $0xFA0  }
0x105: {  	[sflag:s12] =	ssyncset.done $0x0  }
0x106: {  	s6 =	sadd.s32 $0x2B00, s0;
	[sflag:s12] =	ssyncadd.s32 $0xFFFFF060  }
0x107: {  	[spmem:s2] =	stream.indirect.scatter.add.f32 [tilespmem:s28], [sflag:$0x3], $0x20, s6, s15, $0xb8;
	[tilespmem:$0x19A00] =	vst v63  }
0x108: {  	_ =	swait.ge [sflag:s12], $0xFA0  }
0x109: {  	[sflag:s12] =	ssyncset.done $0x0  }
0x10a: {  	s6 =	sadd.s32 $0x2B80, s0;
	[sflag:s12] =	ssyncadd.s32 $0xFFFFF060  }
0x10b: {  	[spmem:s2] =	stream.indirect.scatter.add.f32 [tilespmem:s30], [sflag:$0x3], $0x20, s6, s15, $0xb8;
	[tilespmem:$0x19A00] =	vst v63  }
0x10c: {  	p1 =	seq.s32 s29, $0x8000;
	_ =	swait.ge [sflag:s12], $0xFA0  }
0x10d: {  	s6 =	sshra.s32 @!p1 s29, $0x2;
	s29 =	simm.s32 @!p1 $0x5000;
	[sflag:s12] =	ssyncset.done $0x0  }
0x10e: {  	s9 =	simm.s32 @!p1 $0x7D;
	s8 =	sadd.s32 @!p1 $0x800, s6;
	[sflag:s12] =	ssyncadd.s32 $0xFFFFF060  }
0x10f: {  	[tilespmem:s29], [sflag:$0x1] =	stream.indirect.gather @!p1 [hbm4b:s4+s9], $0x20, s8, s9, $0xb8;
	[tilespmem:$0x19A00] =	vst v63  }
0x110: {  	s7 =	sadd.s32 @!p1 $0x900, s6;
	s8 =	sadd.s32 @!p1 $0x880, s6;
	s29 =	simm.s32 @!p1 $0x5FA0  }
0x111: {  	[tilespmem:s29], [sflag:$0x1] =	stream.indirect.gather @!p1 [hbm4b:s4+s9], $0x20, s8, s9, $0xb8;
	[tilespmem:$0x19A00] =	vst v63  }
0x112: {  	s26 =	sadd.s32 @!p1 $0xA00, s6;
	s8 =	simm.s32 @!p1 $0x6F40;
	s29 =	sadd.s32 @!p1 $0x980, s6  }
0x113: {  	[tilespmem:s8], [sflag:$0x1] =	stream.indirect.gather @!p1 [hbm4b:s4+s9], $0x20, s7, s9, $0xb8;
	[tilespmem:$0x19A00] =	vst v63  }
0x114: {  	s11 =	sadd.s32 @!p1 $0xB00, s6;
	s7 =	simm.s32 @!p1 $0x7EE0;
	s8 =	sadd.s32 @!p1 $0xA80, s6  }
0x115: {  	[tilespmem:s7], [sflag:$0x1] =	stream.indirect.gather @!p1 [hbm4b:s4+s9], $0x20, s29, s9, $0xb8;
	[tilespmem:$0x19A00] =	vst v63  }
0x116: {  	s6 =	sadd.s32 @!p1 $0xB80, s6;
	s7 =	simm.s32 @!p1 $0x8E80;
	s29 =	smov.u32 s5  }
0x117: {  	[tilespmem:s7], [sflag:$0x1] =	stream.indirect.gather @!p1 [hbm4b:s4+s9], $0x20, s26, s9, $0xb8;
	[tilespmem:$0x19A00] =	vst v63  }
0x118: {  	s5 =	simm.s32 @!p1 $0x9E20  }
0x119: {  	[tilespmem:s5], [sflag:$0x1] =	stream.indirect.gather @!p1 [hbm4b:s4+s9], $0x20, s8, s9, $0xb8;
	[tilespmem:$0x19A00] =	vst v63  }
0x11a: {  	s8 =	simm.s32 $0x5000  }
0x11b: {  	s5 =	simm.s32 @!p1 $0xADC0  }
0x11c: {  	[tilespmem:s5], [sflag:$0x1] =	stream.indirect.gather @!p1 [hbm4b:s4+s9], $0x20, s11, s9, $0xb8;
	[tilespmem:$0x19A00] =	vst v63  }
0x11d: {  	s5 =	simm.s32 @!p1 $0xBD60  }
0x11e: {  	[tilespmem:s5], [sflag:$0x1] =	stream.indirect.gather @!p1 [hbm4b:s4+s9], $0x20, s6, s9, $0xb8;
	[tilespmem:$0x19A00] =	vst v63  }
0x11f: {  	_ =	swait.ge [sflag:s14], $0xFA0  }
0x120: {  	[sflag:s14] =	ssyncset.done $0x0  }
0x121: {  	[sflag:s14] =	ssyncadd.s32 $0xFFFFF060  }
0x122: {  	_ =	swait.ge [sflag:s14], $0xFA0  }
0x123: {  	[sflag:s14] =	ssyncset.done $0x0  }
0x124: {  	[sflag:s14] =	ssyncadd.s32 $0xFFFFF060  }
0x125: {  	_ =	swait.ge [sflag:s14], $0xFA0  }
0x126: {  	[sflag:s14] =	ssyncset.done $0x0  }
0x127: {  	[sflag:s14] =	ssyncadd.s32 $0xFFFFF060  }
0x128: {  	_ =	swait.ge [sflag:s14], $0xFA0  }
0x129: {  	[sflag:s14] =	ssyncset.done $0x0  }
0x12a: {  	[sflag:s14] =	ssyncadd.s32 $0xFFFFF060  }
0x12b: {  	_ =	swait.ge [sflag:s14], $0xFA0  }
0x12c: {  	[sflag:s14] =	ssyncset.done $0x0  }
0x12d: {  	[sflag:s14] =	ssyncadd.s32 $0xFFFFF060  }
0x12e: {  	_ =	swait.ge [sflag:s14], $0xFA0  }
0x12f: {  	[sflag:s14] =	ssyncset.done $0x0  }
0x130: {  	[sflag:s14] =	ssyncadd.s32 $0xFFFFF060  }
0x131: {  	_ =	swait.ge [sflag:s14], $0xFA0  }
0x132: {  	[sflag:s14] =	ssyncset.done $0x0  }
0x133: {  	[sflag:s14] =	ssyncadd.s32 $0xFFFFF060  }
0x134: {  	_ =	swait.ge [sflag:s14], $0xFA0  }
0x135: {  	[sflag:s14] =	ssyncset.done $0x0  }
0x136: {  	s5 =	sadd.s32 $0x2C00, s0;
	[sflag:s14] =	ssyncadd.s32 $0xFFFFF060  }
0x137: {  	[spmem:s2] =	stream.indirect.scatter.add.f32 [tilespmem:s31], [sflag:$0x3], $0x20, s5, s15, $0xb8;
	[tilespmem:$0x19A00] =	vst v63  }
0x138: {  	_ =	swait.ge [sflag:s12], $0xFA0  }
0x139: {  	[sflag:s12] =	ssyncset.done $0x0  }
0x13a: {  	s5 =	sadd.s32 $0x2C80, s0;
	[sflag:s12] =	ssyncadd.s32 $0xFFFFF060  }
0x13b: {  	[spmem:s2] =	stream.indirect.scatter.add.f32 [tilespmem:s1], [sflag:$0x3], $0x20, s5, s15, $0xb8;
	[tilespmem:$0x19A00] =	vst v63  }
0x13c: {  	_ =	swait.ge [sflag:s12], $0xFA0  }
0x13d: {  	[sflag:s12] =	ssyncset.done $0x0  }
0x13e: {  	s5 =	sadd.s32 $0x2D00, s0;
	[sflag:s12] =	ssyncadd.s32 $0xFFFFF060  }
0x13f: {  	[spmem:s2] =	stream.indirect.scatter.add.f32 [tilespmem:s10], [sflag:$0x3], $0x20, s5, s15, $0xb8;
	[tilespmem:$0x19A00] =	vst v63  }
0x140: {  	_ =	swait.ge [sflag:s12], $0xFA0  }
0x141: {  	[sflag:s12] =	ssyncset.done $0x0  }
0x142: {  	s5 =	sadd.s32 $0x2D80, s0;
	[sflag:s12] =	ssyncadd.s32 $0xFFFFF060  }
0x143: {  	[spmem:s2] =	stream.indirect.scatter.add.f32 [tilespmem:s16], [sflag:$0x3], $0x20, s5, s15, $0xb8;
	[tilespmem:$0x19A00] =	vst v63  }
0x144: {  	_ =	swait.ge [sflag:s12], $0xFA0  }
0x145: {  	[sflag:s12] =	ssyncset.done $0x0  }
0x146: {  	s5 =	sadd.s32 $0x2E00, s0;
	[sflag:s12] =	ssyncadd.s32 $0xFFFFF060  }
0x147: {  	[spmem:s2] =	stream.indirect.scatter.add.f32 [tilespmem:s18], [sflag:$0x3], $0x20, s5, s15, $0xb8;
	[tilespmem:$0x19A00] =	vst v63  }
0x148: {  	_ =	swait.ge [sflag:s12], $0xFA0  }
0x149: {  	[sflag:s12] =	ssyncset.done $0x0  }
0x14a: {  	s5 =	sadd.s32 $0x2E80, s0;
	[sflag:s12] =	ssyncadd.s32 $0xFFFFF060  }
0x14b: {  	[spmem:s2] =	stream.indirect.scatter.add.f32 [tilespmem:s20], [sflag:$0x3], $0x20, s5, s15, $0xb8;
	[tilespmem:$0x19A00] =	vst v63  }
0x14c: {  	_ =	swait.ge [sflag:s12], $0xFA0  }
0x14d: {  	[sflag:s12] =	ssyncset.done $0x0  }
0x14e: {  	s5 =	sadd.s32 $0x2F00, s0;
	[sflag:s12] =	ssyncadd.s32 $0xFFFFF060  }
0x14f: {  	[spmem:s2] =	stream.indirect.scatter.add.f32 [tilespmem:s22], [sflag:$0x3], $0x20, s5, s15, $0xb8;
	[tilespmem:$0x19A00] =	vst v63  }
0x150: {  	_ =	swait.ge [sflag:s12], $0xFA0  }
.Ltmp1:
0x151: {  	[sflag:s12] =	ssyncset.done $0x0;
	(pc) =	sbr.rel @p0 .LBB2_4-.Ltmp1, $4  }
0x152: {  	s0 =	sadd.s32 $0x2F80, s0;
	[sflag:s12] =	ssyncadd.s32 $0xFFFFF060  }
0x153: {  	[spmem:s2] =	stream.indirect.scatter.add.f32 [tilespmem:s24], [sflag:$0x3], $0x20, s0, s15, $0xb8;
	[tilespmem:$0x19A00] =	vst v63  }
0x154: {  	_ =	swait.ge [sflag:s12], $0xFA0  }
0x155: {  	s0 =	sshra.s32 s29, $0x2;
	[sflag:s12] =	ssyncset.done $0x0  }
0x156: {  	s3 =	sadd.s32 $0x400, s0;
	[sflag:s12] =	ssyncadd.s32 $0xFFFFF060  }
0x157: {  	[tilespmem:s31], [sflag:$0x2] =	stream.indirect.gather [hbm4b:s4+s15], $0x20, s3, s15, $0xb8;
	[tilespmem:$0x19A00] =	vst v63  }
0x158: {  	s11 =	sadd.s32 $0x480, s0  }
0x159: {  	[tilespmem:s1], [sflag:$0x2] =	stream.indirect.gather [hbm4b:s4+s15], $0x20, s11, s15, $0xb8;
	[tilespmem:$0x19A00] =	vst v63  }
0x15a: {  	s26 =	sadd.s32 $0x500, s0  }
0x15b: {  	[tilespmem:s10], [sflag:$0x2] =	stream.indirect.gather [hbm4b:s4+s15], $0x20, s26, s15, $0xb8;
	[tilespmem:$0x19A00] =	vst v63  }
0x15c: {  	s5 =	sadd.s32 $0x580, s0  }
0x15d: {  	[tilespmem:s16], [sflag:$0x2] =	stream.indirect.gather [hbm4b:s4+s15], $0x20, s5, s15, $0xb8;
	[tilespmem:$0x19A00] =	vst v63  }
0x15e: {  	s6 =	sadd.s32 $0x600, s0  }
0x15f: {  	[tilespmem:s18], [sflag:$0x2] =	stream.indirect.gather [hbm4b:s4+s15], $0x20, s6, s15, $0xb8;
	[tilespmem:$0x19A00] =	vst v63  }
0x160: {  	s7 =	sadd.s32 $0x680, s0  }
0x161: {  	[tilespmem:s20], [sflag:$0x2] =	stream.indirect.gather [hbm4b:s4+s15], $0x20, s7, s15, $0xb8;
	[tilespmem:$0x19A00] =	vst v63  }
0x162: {  	s9 =	sadd.s32 $0x700, s0  }
0x163: {  	[tilespmem:s22], [sflag:$0x2] =	stream.indirect.gather [hbm4b:s4+s15], $0x20, s9, s15, $0xb8;
	[tilespmem:$0x19A00] =	vst v63  }
0x164: {  	s11 =	sadd.s32 $0x780, s0  }
0x165: {  	[tilespmem:s24], [sflag:$0x2] =	stream.indirect.gather [hbm4b:s4+s15], $0x20, s11, s15, $0xb8;
	[tilespmem:$0x19A00] =	vst v63  }
0x166: {  	_ =	swait.ge [sflag:s13], $0xFA0  }
0x167: {  	[sflag:s13] =	ssyncset.done $0x0  }
0x168: {  	[sflag:s13] =	ssyncadd.s32 $0xFFFFF060  }
0x169: {  	_ =	swait.ge [sflag:s13], $0xFA0  }
0x16a: {  	[sflag:s13] =	ssyncset.done $0x0  }
0x16b: {  	[sflag:s13] =	ssyncadd.s32 $0xFFFFF060  }
0x16c: {  	_ =	swait.ge [sflag:s13], $0xFA0  }
0x16d: {  	[sflag:s13] =	ssyncset.done $0x0  }
0x16e: {  	[sflag:s13] =	ssyncadd.s32 $0xFFFFF060  }
0x16f: {  	_ =	swait.ge [sflag:s13], $0xFA0  }
0x170: {  	[sflag:s13] =	ssyncset.done $0x0  }
0x171: {  	[sflag:s13] =	ssyncadd.s32 $0xFFFFF060  }
0x172: {  	_ =	swait.ge [sflag:s13], $0xFA0  }
0x173: {  	[sflag:s13] =	ssyncset.done $0x0  }
0x174: {  	[sflag:s13] =	ssyncadd.s32 $0xFFFFF060  }
0x175: {  	_ =	swait.ge [sflag:s13], $0xFA0  }
0x176: {  	[sflag:s13] =	ssyncset.done $0x0  }
0x177: {  	[sflag:s13] =	ssyncadd.s32 $0xFFFFF060  }
0x178: {  	_ =	swait.ge [sflag:s13], $0xFA0  }
0x179: {  	[sflag:s13] =	ssyncset.done $0x0  }
0x17a: {  	[sflag:s13] =	ssyncadd.s32 $0xFFFFF060  }
0x17b: {  	_ =	swait.ge [sflag:s13], $0xFA0  }
0x17c: {  	[sflag:s13] =	ssyncset.done $0x0  }
0x17d: {  	s26 =	sadd.s32 $0x2800, s0;
	[sflag:s13] =	ssyncadd.s32 $0xFFFFF060  }
0x17e: {  	[spmem:s2] =	stream.indirect.scatter.add.f32 [tilespmem:s8], [sflag:$0x3], $0x20, s26, s15, $0xb8;
	[tilespmem:$0x19A00] =	vst v63  }
0x17f: {  	_ =	swait.ge [sflag:s12], $0xFA0  }
0x180: {  	[sflag:s12] =	ssyncset.done $0x0  }
0x181: {  	s5 =	sadd.s32 $0x2880, s0;
	[sflag:s12] =	ssyncadd.s32 $0xFFFFF060  }
0x182: {  	[spmem:s2] =	stream.indirect.scatter.add.f32 [tilespmem:s17], [sflag:$0x3], $0x20, s5, s15, $0xb8;
	[tilespmem:$0x19A00] =	vst v63  }
0x183: {  	_ =	swait.ge [sflag:s12], $0xFA0  }
0x184: {  	[sflag:s12] =	ssyncset.done $0x0  }
0x185: {  	s6 =	sadd.s32 $0x2900, s0;
	[sflag:s12] =	ssyncadd.s32 $0xFFFFF060  }
0x186: {  	[spmem:s2] =	stream.indirect.scatter.add.f32 [tilespmem:s19], [sflag:$0x3], $0x20, s6, s15, $0xb8;
	[tilespmem:$0x19A00] =	vst v63  }
0x187: {  	_ =	swait.ge [sflag:s12], $0xFA0  }
0x188: {  	[sflag:s12] =	ssyncset.done $0x0  }
0x189: {  	s7 =	sadd.s32 $0x2980, s0;
	[sflag:s12] =	ssyncadd.s32 $0xFFFFF060  }
0x18a: {  	[spmem:s2] =	stream.indirect.scatter.add.f32 [tilespmem:s21], [sflag:$0x3], $0x20, s7, s15, $0xb8;
	[tilespmem:$0x19A00] =	vst v63  }
0x18b: {  	_ =	swait.ge [sflag:s12], $0xFA0  }
0x18c: {  	[sflag:s12] =	ssyncset.done $0x0  }
0x18d: {  	s9 =	sadd.s32 $0x2A00, s0;
	[sflag:s12] =	ssyncadd.s32 $0xFFFFF060  }
0x18e: {  	[spmem:s2] =	stream.indirect.scatter.add.f32 [tilespmem:s23], [sflag:$0x3], $0x20, s9, s15, $0xb8;
	[tilespmem:$0x19A00] =	vst v63  }
0x18f: {  	_ =	swait.ge [sflag:s12], $0xFA0  }
0x190: {  	[sflag:s12] =	ssyncset.done $0x0  }
0x191: {  	s11 =	sadd.s32 $0x2A80, s0;
	[sflag:s12] =	ssyncadd.s32 $0xFFFFF060  }
0x192: {  	[spmem:s2] =	stream.indirect.scatter.add.f32 [tilespmem:s25], [sflag:$0x3], $0x20, s11, s15, $0xb8;
	[tilespmem:$0x19A00] =	vst v63  }
0x193: {  	_ =	swait.ge [sflag:s12], $0xFA0  }
0x194: {  	[sflag:s12] =	ssyncset.done $0x0  }
0x195: {  	s26 =	sadd.s32 $0x2B00, s0;
	[sflag:s12] =	ssyncadd.s32 $0xFFFFF060  }
0x196: {  	[spmem:s2] =	stream.indirect.scatter.add.f32 [tilespmem:s28], [sflag:$0x3], $0x20, s26, s15, $0xb8;
	[tilespmem:$0x19A00] =	vst v63  }
0x197: {  	_ =	swait.ge [sflag:s12], $0xFA0  }
0x198: {  	[sflag:s12] =	ssyncset.done $0x0  }
0x199: {  	p0 =	seq.s32 s29, $0x8000;
	s5 =	sadd.s32 $0x2B80, s0;
	[sflag:s12] =	ssyncadd.s32 $0xFFFFF060  }
0x19a: {  	[spmem:s2] =	stream.indirect.scatter.add.f32 [tilespmem:s30], [sflag:$0x3], $0x20, s5, s15, $0xb8;
	[tilespmem:$0x19A00] =	vst v63  }
0x19b: {  	s3 =	sshra.s32 @!p0 s29, $0x2;
	_ =	swait.ge [sflag:s12], $0xFA0  }
0x19c: {  	s6 =	sadd.s32 @!p0 $0x800, s3;
	[sflag:s12] =	ssyncset.done $0x0  }
0x19d: {  	s7 =	simm.s32 @!p0 $0x7D;
	s5 =	simm.s32 @!p0 $0x5000;
	[sflag:s12] =	ssyncadd.s32 $0xFFFFF060  }
0x19e: {  	[tilespmem:s5], [sflag:$0x1] =	stream.indirect.gather @!p0 [hbm4b:s4+s7], $0x20, s6, s7, $0xb8;
	[tilespmem:$0x19A00] =	vst v63  }
0x19f: {  	s5 =	sadd.s32 @!p0 $0x880, s3;
	s6 =	simm.s32 @!p0 $0x5FA0  }
0x1a0: {  	[tilespmem:s6], [sflag:$0x1] =	stream.indirect.gather @!p0 [hbm4b:s4+s7], $0x20, s5, s7, $0xb8;
	[tilespmem:$0x19A00] =	vst v63  }
0x1a1: {  	s5 =	sadd.s32 @!p0 $0x900, s3;
	s6 =	simm.s32 @!p0 $0x6F40  }
0x1a2: {  	[tilespmem:s6], [sflag:$0x1] =	stream.indirect.gather @!p0 [hbm4b:s4+s7], $0x20, s5, s7, $0xb8;
	[tilespmem:$0x19A00] =	vst v63  }
0x1a3: {  	s5 =	sadd.s32 @!p0 $0x980, s3;
	s6 =	simm.s32 @!p0 $0x7EE0  }
0x1a4: {  	[tilespmem:s6], [sflag:$0x1] =	stream.indirect.gather @!p0 [hbm4b:s4+s7], $0x20, s5, s7, $0xb8;
	[tilespmem:$0x19A00] =	vst v63  }
0x1a5: {  	s5 =	sadd.s32 @!p0 $0xA00, s3;
	s6 =	simm.s32 @!p0 $0x8E80  }
0x1a6: {  	[tilespmem:s6], [sflag:$0x1] =	stream.indirect.gather @!p0 [hbm4b:s4+s7], $0x20, s5, s7, $0xb8;
	[tilespmem:$0x19A00] =	vst v63  }
0x1a7: {  	s5 =	sadd.s32 @!p0 $0xA80, s3;
	s6 =	simm.s32 @!p0 $0x9E20  }
0x1a8: {  	[tilespmem:s6], [sflag:$0x1] =	stream.indirect.gather @!p0 [hbm4b:s4+s7], $0x20, s5, s7, $0xb8;
	[tilespmem:$0x19A00] =	vst v63  }
0x1a9: {  	s5 =	sadd.s32 @!p0 $0xB00, s3;
	s6 =	simm.s32 @!p0 $0xADC0  }
0x1aa: {  	[tilespmem:s6], [sflag:$0x1] =	stream.indirect.gather @!p0 [hbm4b:s4+s7], $0x20, s5, s7, $0xb8;
	[tilespmem:$0x19A00] =	vst v63  }
0x1ab: {  	s3 =	sadd.s32 @!p0 $0xB80, s3;
	s5 =	simm.s32 @!p0 $0xBD60  }
0x1ac: {  	[tilespmem:s5], [sflag:$0x1] =	stream.indirect.gather @!p0 [hbm4b:s4+s7], $0x20, s3, s7, $0xb8;
	[tilespmem:$0x19A00] =	vst v63  }
0x1ad: {  	_ =	swait.ge [sflag:s14], $0xFA0  }
0x1ae: {  	[sflag:s14] =	ssyncset.done $0x0  }
0x1af: {  	[sflag:s14] =	ssyncadd.s32 $0xFFFFF060  }
0x1b0: {  	_ =	swait.ge [sflag:s14], $0xFA0  }
0x1b1: {  	[sflag:s14] =	ssyncset.done $0x0  }
0x1b2: {  	[sflag:s14] =	ssyncadd.s32 $0xFFFFF060  }
0x1b3: {  	_ =	swait.ge [sflag:s14], $0xFA0  }
0x1b4: {  	[sflag:s14] =	ssyncset.done $0x0  }
0x1b5: {  	[sflag:s14] =	ssyncadd.s32 $0xFFFFF060  }
0x1b6: {  	_ =	swait.ge [sflag:s14], $0xFA0  }
0x1b7: {  	[sflag:s14] =	ssyncset.done $0x0  }
0x1b8: {  	[sflag:s14] =	ssyncadd.s32 $0xFFFFF060  }
0x1b9: {  	_ =	swait.ge [sflag:s14], $0xFA0  }
0x1ba: {  	[sflag:s14] =	ssyncset.done $0x0  }
0x1bb: {  	[sflag:s14] =	ssyncadd.s32 $0xFFFFF060  }
0x1bc: {  	_ =	swait.ge [sflag:s14], $0xFA0  }
0x1bd: {  	[sflag:s14] =	ssyncset.done $0x0  }
0x1be: {  	[sflag:s14] =	ssyncadd.s32 $0xFFFFF060  }
0x1bf: {  	_ =	swait.ge [sflag:s14], $0xFA0  }
0x1c0: {  	[sflag:s14] =	ssyncset.done $0x0  }
0x1c1: {  	[sflag:s14] =	ssyncadd.s32 $0xFFFFF060  }
0x1c2: {  	_ =	swait.ge [sflag:s14], $0xFA0  }
0x1c3: {  	[sflag:s14] =	ssyncset.done $0x0  }
0x1c4: {  	s6 =	sadd.s32 $0x2C00, s0;
	[sflag:s14] =	ssyncadd.s32 $0xFFFFF060  }
0x1c5: {  	[spmem:s2] =	stream.indirect.scatter.add.f32 [tilespmem:s31], [sflag:$0x3], $0x20, s6, s15, $0xb8;
	[tilespmem:$0x19A00] =	vst v63  }
0x1c6: {  	_ =	swait.ge [sflag:s12], $0xFA0  }
0x1c7: {  	[sflag:s12] =	ssyncset.done $0x0  }
0x1c8: {  	s7 =	sadd.s32 $0x2C80, s0;
	[sflag:s12] =	ssyncadd.s32 $0xFFFFF060  }
0x1c9: {  	[spmem:s2] =	stream.indirect.scatter.add.f32 [tilespmem:s1], [sflag:$0x3], $0x20, s7, s15, $0xb8;
	[tilespmem:$0x19A00] =	vst v63  }
0x1ca: {  	_ =	swait.ge [sflag:s12], $0xFA0  }
0x1cb: {  	[sflag:s12] =	ssyncset.done $0x0  }
0x1cc: {  	s9 =	sadd.s32 $0x2D00, s0;
	[sflag:s12] =	ssyncadd.s32 $0xFFFFF060  }
0x1cd: {  	[spmem:s2] =	stream.indirect.scatter.add.f32 [tilespmem:s10], [sflag:$0x3], $0x20, s9, s15, $0xb8;
	[tilespmem:$0x19A00] =	vst v63  }
0x1ce: {  	_ =	swait.ge [sflag:s12], $0xFA0  }
0x1cf: {  	[sflag:s12] =	ssyncset.done $0x0  }
0x1d0: {  	s11 =	sadd.s32 $0x2D80, s0;
	[sflag:s12] =	ssyncadd.s32 $0xFFFFF060  }
0x1d1: {  	[spmem:s2] =	stream.indirect.scatter.add.f32 [tilespmem:s16], [sflag:$0x3], $0x20, s11, s15, $0xb8;
	[tilespmem:$0x19A00] =	vst v63  }
0x1d2: {  	_ =	swait.ge [sflag:s12], $0xFA0  }
0x1d3: {  	[sflag:s12] =	ssyncset.done $0x0  }
0x1d4: {  	s26 =	sadd.s32 $0x2E00, s0;
	[sflag:s12] =	ssyncadd.s32 $0xFFFFF060  }
0x1d5: {  	[spmem:s2] =	stream.indirect.scatter.add.f32 [tilespmem:s18], [sflag:$0x3], $0x20, s26, s15, $0xb8;
	[tilespmem:$0x19A00] =	vst v63  }
0x1d6: {  	_ =	swait.ge [sflag:s12], $0xFA0  }
0x1d7: {  	[sflag:s12] =	ssyncset.done $0x0  }
0x1d8: {  	s29 =	sadd.s32 $0x2E80, s0;
	[sflag:s12] =	ssyncadd.s32 $0xFFFFF060  }
0x1d9: {  	[spmem:s2] =	stream.indirect.scatter.add.f32 [tilespmem:s20], [sflag:$0x3], $0x20, s29, s15, $0xb8;
	[tilespmem:$0x19A00] =	vst v63  }
0x1da: {  	_ =	swait.ge [sflag:s12], $0xFA0  }
0x1db: {  	[sflag:s12] =	ssyncset.done $0x0  }
0x1dc: {  	s5 =	sadd.s32 $0x2F00, s0;
	[sflag:s12] =	ssyncadd.s32 $0xFFFFF060  }
0x1dd: {  	[spmem:s2] =	stream.indirect.scatter.add.f32 [tilespmem:s22], [sflag:$0x3], $0x20, s5, s15, $0xb8;
	[tilespmem:$0x19A00] =	vst v63  }
0x1de: {  	_ =	swait.ge [sflag:s12], $0xFA0  }
0x1df: {  	[sflag:s12] =	ssyncset.done $0x0  }
0x1e0: {  	s6 =	sadd.s32 $0x2F80, s0;
	[sflag:s12] =	ssyncadd.s32 $0xFFFFF060  }
0x1e1: {  	[spmem:s2] =	stream.indirect.scatter.add.f32 [tilespmem:s24], [sflag:$0x3], $0x20, s6, s15, $0xb8;
	[tilespmem:$0x19A00] =	vst v63  }
0x1e2: {  	_ =	swait.ge [sflag:s12], $0xFA0  }
0x1e3: {  	[sflag:s12] =	ssyncset.done $0x0  }
0x1e4: {  	[sflag:s12] =	ssyncadd.s32 $0xFFFFF060  }
0x1e5: {  	s7 =	stileid.u32;
	[bflag:$0x0] =	sbarrier.arrive $0xFFFF  }
0x1e6: {  	s0 =	sshll.u32 s7, $0x6;
	s6 =	rddreg [dreg:$0x5]  }
0x1e7: {  	s0 =	sor.u32 $0x1C03, s0;
	s11 =	rddreg [dreg:$0x6];
	s9 =	sshrl.u32 s6, $0x3  }
0x1e8: {  	[hbm:s11], [sflag:s0] =	dma.local [spmem:s9], $0xA00  }
0x1e9: {  	_ =	swait.ge [sflag:s12], $0xA00  }
0x1ea: {  	s26 =	rddreg [dreg:$0x8]  }
0x1eb: {  	s29 =	rddreg [dreg:$0x7];
	s3 =	sadd.s32 $0x1, s26  }
0x1ec: {  	p0 =	sne.s32 s3, s29  }
.Ltmp2:
0x1ed: {  	_ = 	snop;
	(pc) =	sbr.rel @p0 .LBB2_1-.Ltmp2, $3  }
0x1ee: {  	_ =	sdelay $0x1  }
0x1ef: {  	[sflag:s12] =	ssyncset.done $0x0  }
0x1f0: {  	[sflag:s12] =	ssyncadd.s32 $0xFFFFF600  }
0x1f1: {  	_ =	sfence.sel $0x180000  }
0x1f2: {  	[bflag:$0x0] =	sbarrier.arrive $0xFFFF  }
0x1f3: {  	_ =	strace $0x9000004D  }
0x1f4: {  	s0 =	stileid.u32;
	[bflag:$0x2] =	sbarrier.arrive $0xFFFF  }
0x1f5: {  	p0 =	sne.s32 s0, $0x0;
	s0 =	rddreg [dreg:$0x2]  }
0x1f6: {  	s0 =	sadd.s32 @!p0 $0x100000, s0  }
0x1f7: {  	[sflag:s0] =	ssyncadd.tile.s32 @!p0 $0x1;
	_ =	shalt  }
.Lfunc_end2:
_tile_overlayer_lowered:
.L_overlay_start_2:
0x1f8: {  	(tag) =	ssettag $0x2  }
0x1f9: {  	s0 =	rddreg [dreg:$0x0];
	s2 =	stileid.u32  }
0x1fa: {  	s1 =	rddreg [dreg:$0x1];
	p0 =	sne.s32 s2, $0x0  }
0x1fb: {  	s3 =	rddreg [dreg:$0x2];
	[bflag:$0x3] =	sbarrier.arrive $0xFFFF;
	s2 =	simm.s32 @!p0 $0x1C03  }
0x1fc: {  	[timem:s3], [sflag:s2] =	dma.local @!p0 [hbm:s0], s1  }
0x1fd: {  	s0 =	simm.s32 @!p0 $0x3  }
0x1fe: {  	_ =	swait.ge @!p0 [sflag:s0], s1  }
0x1ff: {  	s1 =	ssub.s32 @!p0 $0x0, s1;
	[sflag:s0] =	ssyncset.done @!p0 $0x0  }
0x200: {  	[sflag:s0] =	ssyncadd.s32 @!p0 s1  }
0x201: {  	[bflag:$0x3] =	sbarrier.arrive $0xFFFF  }
0x202: {  	_ =	shalt  }

// kernel: kernel.8.cloned.1.call-start
scs
__scs_entry_jumppad:
0x0: {  	(pc) =	sbr.rel $0x88, $3  }
0x1: {  	(tag) =	ssettag $0x0;
	lr =	simm.s32 $0x1  }
0x2: {  	[smem:$0x3F9B] =	sst lr;
	_ =	strace $0xD0000000  }
0x3: {  	_ = 	snop  }
0x4: {  	_ = 	snop  }
0x5: {  	_ = 	snop  }
0x6: {  	_ = 	snop  }
0x7: {  	_ = 	snop  }
__scs_overlays_trampoline_lowered:
0x8: {  	[smem:$0x3FAA] =	sst s0  }
0x9: {  	[smem:$0x3FAB] =	sst s1  }
0xa: {  	[smem:$0x3FAC] =	sst s2  }
0xb: {  	[smem:$0x3FAD] =	sst s3  }
0xc: {  	[smem:$0x3FAE] =	sst s4  }
0xd: {  	[smem:$0x3FAF] =	sst s5  }
0xe: {  	[smem:$0x3FB0] =	sst s6  }
0xf: {  	[smem:$0x3FB1] =	sst s7  }
0x10: {  	[smem:$0x3FB2] =	sst s8  }
0x11: {  	[smem:$0x3FB3] =	sst s9;
	s0 =	simm.s32 @!p0 $0x0  }
0x12: {  	s1 =	sld [smem:$0x3F99];
	s0 =	simm.s32 @p0 $0x1  }
0x13: {  	[smem:$0x3FB4] =	sst s0;
	s0 =	simm.s32 @!p1 $0x0  }
0x14: {  	s2 =	sld [smem:$0x3F98];
	s0 =	simm.s32 @p1 $0x1  }
0x15: {  	[smem:$0x3FB5] =	sst s0;
	s0 =	simm.s32 @!p2 $0x0  }
0x16: {  	s3 =	sld [smem:$0x3FDB];
	s0 =	simm.s32 @p2 $0x1  }
0x17: {  	s4 =	simm.s32 $0x1BF5;
	[smem:$0x3FB7] =	sst s0  }
0x18: {  	s0 =	sld [smem:$0x3F9A];
	_ =	swait.ge [sflag:s4], $0x0  }
0x19: {  	s7 =	sld [smem:$0x3F9B]  }
0x1a: {  	s8 =	sadd.s32 $0xFFFFE003, lr  }
0x1b: {  	s9 =	sadd.s32 $0xFFFFFEF7, lr;
	s5 =	simm.s32 $0xFFFFFFFF;
	p2 =	slt.u32 s8, $0xFFFFF086  }
0x1c: {  	p1 =	slt.u32 s9, $0xF7A;
	s5 =	simm.s32 @!p2 $0x0  }
0x1d: {  	s5 =	simm.s32 @p1 $0x1;
	p0 =	seq.s32 s7, s2  }
0x1e: {  	s7 =	smul.u32 @!p0 $0xF7A, s2;
	p2 =	seq.s32 @!p0 s5, $0x0  }
0x1f: {  	s9 =	smul.u32 $0xF7A, s1;
	s8 =	simm.s32 @!p0 $0x1BF5;
	p2 =	por !p2, p0  }
0x20: {  	[sflag:s8] =	ssyncset.s32 @!p0 $0xFFFFF086;
	s6 =	sadd.s32 @!p0 s3, s7;
	s7 =	simm.s32 @!p0 $0x108  }
0x21: {  	s3 =	sadd.s32 s3, s9;
	s6 =	sadd.s32 @!p0 $0x88, s6;
	s7 =	simm.s32 @p2 $0x1082  }
0x22: {  	[simem:s7], [sflag:s8] =	dma.local @!p0 [hbm:s6], $0xF7A  }
0x23: {  	s9 =	sor.u32 $0xD0000000, s2;
	s6 =	simm.s32 $0x108;
	_ =	swait.ge @!p0 [sflag:s8], $0x0  }
0x24: {  	s3 =	sadd.s32 $0x88, s3;
	s6 =	simm.s32 @!p1 $0x1082;
	[sflag:s4] =	ssyncset.s32 $0xFFFFF086  }
0x25: {  	[simem:s6], [sflag:s4] =	dma.local [hbm:s3], $0xF7A  }
0x26: {  	[smem:$0x3F9B] =	sst s1;
	(tag) =	ssettag s2;
	_ =	strace s9  }
0x27: {  	s1 =	sld [smem:$0x3FAB]  }
0x28: {  	s2 =	sld [smem:$0x3FAC]  }
0x29: {  	s4 =	sld [smem:$0x3FAE]  }
0x2a: {  	p0 =	seq.s32 s5, $0x0;
	s5 =	sld [smem:$0x3FAF]  }
0x2b: {  	s6 =	sld [smem:$0x3FB0]  }
0x2c: {  	s7 =	sld [smem:$0x3FB1]  }
0x2d: {  	s3 =	simm.s32 $0x108;
	s8 =	sld [smem:$0x3FB2]  }
0x2e: {  	s3 =	simm.s32 @!p0 $0x1082;
	s9 =	sld [smem:$0x3FB3]  }
0x2f: {  	lr =	sadd.s32 s0, s3;
	s0 =	sld [smem:$0x3FAA]  }
0x30: {  	s3 =	sld [smem:$0x3FAD]  }
0x31: {  	[smem:$0x3FB6] =	sst s10  }
0x32: {  	s10 =	sld [smem:$0x3FB4];
	_ =	sdelay $0x3  }
0x33: {  	p0 =	seq.s32 s10, $0x1;
	s10 =	sld [smem:$0x3FB6];
	_ =	sdelay $0x3  }
0x34: {  	[smem:$0x3FB6] =	sst s10  }
0x35: {  	s10 =	sld [smem:$0x3FB5];
	_ =	sdelay $0x3  }
0x36: {  	p1 =	seq.s32 s10, $0x1;
	s10 =	sld [smem:$0x3FB6];
	_ =	sdelay $0x3  }
0x37: {  	[smem:$0x3FB6] =	sst s10  }
0x38: {  	s10 =	sld [smem:$0x3FB7]  }
0x39: {  	_ = 	snop;
	(pc) =	sbr.ind lr, $3  }
0x3a: {  	_ = 	snop  }
0x3b: {  	_ = 	snop  }
0x3c: {  	p2 =	seq.s32 s10, $0x1;
	s10 =	sld [smem:$0x3FB6]  }
0x3d: {  	_ =	shalt  }
0x3e: {  	_ =	shalt  }
0x3f: {  	_ =	shalt  }
0x40: {  	_ =	shalt  }
0x41: {  	_ =	shalt  }
0x42: {  	_ =	shalt  }
0x43: {  	_ =	shalt  }
0x44: {  	_ =	shalt  }
0x45: {  	_ =	shalt  }
0x46: {  	_ =	shalt  }
0x47: {  	_ =	shalt  }
0x48: {  	_ =	shalt  }
0x49: {  	_ =	shalt  }
0x4a: {  	_ =	shalt  }
0x4b: {  	_ =	shalt  }
0x4c: {  	_ =	shalt  }
0x4d: {  	_ =	shalt  }
0x4e: {  	_ =	shalt  }
0x4f: {  	_ =	shalt  }
0x50: {  	_ =	shalt  }
0x51: {  	_ =	shalt  }
0x52: {  	_ =	shalt  }
0x53: {  	_ =	shalt  }
0x54: {  	_ =	shalt  }
0x55: {  	_ =	shalt  }
0x56: {  	_ =	shalt  }
0x57: {  	_ =	shalt  }
0x58: {  	_ =	shalt  }
0x59: {  	_ =	shalt  }
0x5a: {  	_ =	shalt  }
0x5b: {  	_ =	shalt  }
0x5c: {  	_ =	shalt  }
0x5d: {  	_ =	shalt  }
0x5e: {  	_ =	shalt  }
0x5f: {  	_ =	shalt  }
0x60: {  	_ =	shalt  }
0x61: {  	_ =	shalt  }
0x62: {  	_ =	shalt  }
0x63: {  	_ =	shalt  }
0x64: {  	_ =	shalt  }
0x65: {  	_ =	shalt  }
0x66: {  	_ =	shalt  }
0x67: {  	_ =	shalt  }
0x68: {  	_ =	shalt  }
0x69: {  	_ =	shalt  }
0x6a: {  	_ =	shalt  }
0x6b: {  	_ =	shalt  }
0x6c: {  	_ =	shalt  }
0x6d: {  	_ =	shalt  }
0x6e: {  	_ =	shalt  }
0x6f: {  	_ =	shalt  }
0x70: {  	_ =	shalt  }
0x71: {  	_ =	shalt  }
0x72: {  	_ =	shalt  }
0x73: {  	_ =	shalt  }
0x74: {  	_ =	shalt  }
0x75: {  	_ =	shalt  }
0x76: {  	_ =	shalt  }
0x77: {  	_ =	shalt  }
0x78: {  	_ =	shalt  }
0x79: {  	_ =	shalt  }
0x7a: {  	_ =	shalt  }
0x7b: {  	_ =	shalt  }
0x7c: {  	_ =	shalt  }
0x7d: {  	_ =	shalt  }
0x7e: {  	_ =	shalt  }
0x7f: {  	_ =	shalt  }
0x80: {  	_ =	shalt  }
0x81: {  	_ =	shalt  }
0x82: {  	_ =	shalt  }
0x83: {  	_ =	shalt  }
0x84: {  	_ =	shalt  }
0x85: {  	_ =	shalt  }
0x86: {  	_ =	shalt  }
0x87: {  	_ =	shalt  }
.Lfunc_end0:
.L_simem_size_0:
called_computation_lowered:
.L_overlay_start_0:
0x88: {  	s2 =	sld [smem:$0x3FD9]  }
0x89: {  	s3 =	sld [smem:$0x3FFE];
	_ =	sdelay $0x1  }
0x8a: {  	s1 =	srdreg.scid  }
0x8b: {  	s0 =	sand.u32 $0x1, s1  }
0x8c: {  	s17 =	sshll.u32 s0, $0xA;
	s2 =	sadd.s32 s3, s2  }
0x8d: {  	s2 =	sadd.s32 s2, s17  }
0x8e: {  	[smem:$0x3FC2] =	sst s2  }
0x8f: {  	_ = 	snop  }
0x90: {  	s2 =	sld [smem:$0x3FD0];
	(tm) =	ssettm $0x1  }
0x91: {  	s18 =	sld [smem:$0x3FFB];
	_ =	sdelay $0x3  }
0x92: {  	_ =	strace s18  }
0x93: {  	s3 =	sld [smem:$0x3FFC];
	_ =	sdelay $0x3  }
0x94: {  	_ =	strace s3  }
0x95: {  	s3 =	sld [smem:$0x3FFD];
	_ =	sdelay $0x3  }
0x96: {  	_ =	strace s3  }
0x97: {  	_ =	strace $0x8FFFFFFF  }
0x98: {  	s19 =	sld [smem:$0x3FDB];
	_ =	sdelay $0x1  }
0x99: {  	s4 =	simm.s32 $_scs_section_size  }
0x9a: {  	s5 =	simm.s32 $_size__tile_overlayer_lowered;
	s6 =	simm.s32 $_tile_overlayer_lowered  }
0x9b: {  	s22 =	simm.s32 $0x1BFF;
	s21 =	sshll.u32 s6, $0x1;
	s3 =	sadd.s32 s4, s19  }
0x9c: {  	s7 =	simm.s32 $0x0;
	s20 =	sshll.u32 s5, $0x1;
	s5 =	sadd.s32 s21, s3  }
0x9d: {  	[timem:s7], [sflag:s22] =	dma.local [hbm:s5], s20  }
0x9e: {  	_ =	swait.ge [sflag:s22], s20  }
0x9f: {  	s4 =	ssub.s32 $0x0, s20;
	[sflag:s22] =	ssyncset.done $0x0  }
0xa0: {  	[sflag:s22] =	ssyncadd.s32 s4;
	_ =	sdelay $0x1  }
0xa1: {  	s23 =	simm.s32 $0x1B8B  }
0xa2: {  	_ =	swait.ge [sflag:s23], $0x1  }
0xa3: {  	[sflag:s23] =	ssyncset.done $0x0  }
0xa4: {  	s25 =	simm.s32 $0x1B8E;
	s24 =	sld [smem:$0x3FFE];
	[sflag:s23] =	ssyncadd.s32 $0xFFFFFFFF  }
0xa5: {  	s26 =	simm.s32 $execute0_lowered;
	[smem:$0x3FD2] =	sst s25  }
0xa6: {  	s5 =	sshll.u32 s26, $0x1;
	_ =	strace $0x80000046;
	[dreg:$0x1] =	wrdreg $0xFFFFFFFF  }
0xa7: {  	s28 =	simm.s32 $_size_execute0_lowered;
	s3 =	sadd.s32 s3, s5;
	[dreg:$0x0] =	wrdreg $0x0  }
0xa8: {  	s5 =	sshll.u32 s28, $0x1;
	[dreg:$0x2] =	wrdreg s3  }
0xa9: {  	[dreg:$0x3] =	wrdreg s5  }
0xaa: {  	[dreg:$0x4] =	wrdreg $0xC0  }
0xab: {  	_ =	task [dreg:s7], $0x5FFFF  }
0xac: {  	[dreg:$0x1] =	wrdreg $0xFFFFFFFF  }
0xad: {  	[dreg:$0x0] =	wrdreg $0x60  }
0xae: {  	[dreg:$0x2] =	wrdreg s2  }
0xaf: {  	[dreg:$0x3] =	wrdreg s24  }
0xb0: {  	[dreg:$0x4] =	wrdreg $0x9  }
0xb1: {  	_ =	task.clear_ibuf [dreg:s7], $0x5FFFF;
	_ =	strace $0x90000046  }
0xb2: {  	s29 =	simm.s32 $0x9;
	_ =	strace $0x80000048  }
0xb3: {  	_ =	swait.ge [sflag:s29], $0x1  }
0xb4: {  	[sflag:s29] =	ssyncadd.s32 $0xFFFFFFFF  }
0xb5: {  	_ =	strace $0x90000048  }
0xb6: {  	_ =	sfence  }
0xb7: {  	s30 =	sld [smem:$0x0];
	_ =	sdelay $0x2  }
0xb8: {  	s31 =	sshll.u32 s1, $0xD;
	s1 =	sshrl.u32 s1, $0x2  }
0xb9: {  	s3 =	sand.u32 $0x4000, s31;
	s1 =	sadd.s32 s1, s30  }
0xba: {  	s0 =	sor.u32 s3, s0;
	s1 =	sshll.u32 s1, $0x11  }
0xbb: {  	s0 =	sor.u32 s1, s0  }
0xbc: {  	s0 =	sadd.s32 $0x8F2B, s0  }
0xbd: {  	[sflag:s0] =	ssyncadd.remote.s32 $0x1  }
0xbe: {  	_ =	sfence.sel $0xFFFF  }
0xbf: {  	[dreg:$0x0] =	wrdreg $0xFFFFFFFF;
	(pc) =	sbr.abs _section_cstart, $3  }
0xc0: {  	[dreg:$0x1] =	wrdreg $0xFFFFFFFF  }
0xc1: {  	_ =	task.clear_ibuf [dreg:s7], $0x2FFFF;
	_ =	strace $0x9FFFFFFF  }
0xc2: {  	(tm) =	ssettm $0x7FFFFFFF  }
0xc3: {  	_ =	shalt  }
tec
execute0_lowered:
.L_overlay_start_1:
0x0: {  	(tag) =	ssettag $0x1  }
0x1: {  	s1 =	srdreg.scid;
	s3 =	rddreg [dreg:$0x0]  }
0x2: {  	s0 =	stileid.u32;
	s5 =	rddreg [dreg:$0x1]  }
0x3: {  	s2 =	simm.s32 $0x0;
	s4 =	sand.u32 $0x1, s1;
	s30 =	sshll.u32 s0, $0x1  }
0x4: {  	s10 =	simm.s32 $0x1;
	s11 =	simm.s32 $0x7D0;
	s6 =	sor.u32 s4, s30  }
0x5: {  	s12 =	simm.s32 $0x0;
	s1 =	rddreg [dreg:$0x2];
	s7 =	smul.u32 $0x2710, s6  }
0x6: {  	[smem:$0x7FF] =	sst s2;
	s4 =	ssub.s32 $0x2, s4;
	s6 =	smul.u32 $0x500, s6  }
0x7: {  	_ =	strace $0x80000047;
	s8 =	sshrl.u32 s4, $0x1;
	s7 =	sshrl.u32 s7, $0x3  }
0x8: {  	s31 =	ssub.s32 s4, s8;
	s5 =	sadd.s32 s6, s5;
	s3 =	sadd.s32 s3, s7  }
0x9: {  	s4 =	sadd.s32 $0x1800, s5;
	s5 =	smax.u32 s31, $0x1;
	s6 =	sadd.s32 $0xFA, s3  }
0xa: {  	v0 =	vimm.f32 $0.0e+00;
	v1 =	vimm.f32 $1.000000000e+00;
	s7 =	sadd.s32 $0x1F4, s3;
	s8 =	sadd.s32 $0x2EE, s3;
	s9 =	sadd.s32 $0x3E8, s3  }
.LBB2_1:
0xb: {  	s13 =	simm.s32 $0x40;
	s14 =	simm.s32 $0x0  }
.LBB2_2:
0xc: {  	p0 =	sne.s32 s13, $0x9FC0;
	[tilespmem:s14+$0x7D0] =	vst v0;
	s14 =	smov.u32 s13;
	s13 =	sadd.s32 $0x40, s13  }
.Ltmp0:
0xd: {  	(pc) =	sbr.rel @p0 .LBB2_2-.Ltmp0, $2  }
0xe: {  	_ =	sdelay $0x2  }
0xf: {  	s14 =	sshra.s32 s14, $0x2  }
0x10: {  	[tilespmem:s14+$0x7D0] =	vst v0;
	s13 =	simm.s32 $0x0  }
0x11: {  	[tilespmem:s13], [sflag:$0x1] =	stream.linear.gather [hbm4b:s3+s13], $0x7D0, $0x38;
	[tilespmem:$0x2FD0] =	vst v63  }
0x12: {  	_ =	swait.ge [sflag:s10], $0x7D0  }
0x13: {  	[sflag:s10] =	ssyncset.done $0x0  }
0x14: {  	s14 =	simm.s32 $0x0;
	s13 =	simm.s32 $0x40;
	[sflag:s10] =	ssyncadd.s32 $0xFFFFF830  }
.LBB2_4:
0x15: {  	p0 =	sne.s32 s13, $0x1F00;
	v2 =	vld [tilespmem:s14+$0x0];
	_ =	sdelay $0x3  }
.Ltmp1:
0x16: {  	(pc) =	sbr.rel @p0 .LBB2_4-.Ltmp1, $2  }
0x17: {  	_ =	sdelay $0x2  }
0x18: {  	s14 =	sshra.s32 s13, $0x2;
	s13 =	sadd.s32 $0x40, s13;
	[tilespmem:v2+s11+$0x0] =	vst.idx.add.f32.msk $0xffff, v1  }
0x19: {  	v2 =	vld [tilespmem:s14+$0x0];
	_ =	sdelay $0x7  }
0x1a: {  	s13 =	simm.s32 $0x0;
	[tilespmem:v2+s11+$0x0] =	vst.idx.add.f32.msk $0xffff, v1  }
0x1b: {  	[tilespmem:s13], [sflag:$0x1] =	stream.linear.gather [hbm4b:s6+s13], $0x7D0, $0x38;
	[tilespmem:$0x2FD0] =	vst v63  }
0x1c: {  	_ =	swait.ge [sflag:s10], $0x7D0  }
0x1d: {  	[sflag:s10] =	ssyncset.done $0x0  }
0x1e: {  	s14 =	simm.s32 $0x0;
	s13 =	simm.s32 $0x40;
	[sflag:s10] =	ssyncadd.s32 $0xFFFFF830  }
.LBB2_6:
0x1f: {  	p0 =	sne.s32 s13, $0x1F00;
	v2 =	vld [tilespmem:s14+$0x0];
	_ =	sdelay $0x3  }
.Ltmp2:
0x20: {  	(pc) =	sbr.rel @p0 .LBB2_6-.Ltmp2, $2  }
0x21: {  	_ =	sdelay $0x2  }
0x22: {  	s14 =	sshra.s32 s13, $0x2;
	s13 =	sadd.s32 $0x40, s13;
	[tilespmem:v2+s11+$0x0] =	vst.idx.add.f32.msk $0xffff, v1  }
0x23: {  	v2 =	vld [tilespmem:s14+$0x0];
	_ =	sdelay $0x7  }
0x24: {  	s13 =	simm.s32 $0x0;
	[tilespmem:v2+s11+$0x0] =	vst.idx.add.f32.msk $0xffff, v1  }
0x25: {  	[tilespmem:s13], [sflag:$0x1] =	stream.linear.gather [hbm4b:s7+s13], $0x7D0, $0x38;
	[tilespmem:$0x2FD0] =	vst v63  }
0x26: {  	_ =	swait.ge [sflag:s10], $0x7D0  }
0x27: {  	[sflag:s10] =	ssyncset.done $0x0  }
0x28: {  	s14 =	simm.s32 $0x0;
	s13 =	simm.s32 $0x40;
	[sflag:s10] =	ssyncadd.s32 $0xFFFFF830  }
.LBB2_8:
0x29: {  	p0 =	sne.s32 s13, $0x1F00;
	v2 =	vld [tilespmem:s14+$0x0];
	_ =	sdelay $0x3  }
.Ltmp3:
0x2a: {  	(pc) =	sbr.rel @p0 .LBB2_8-.Ltmp3, $2  }
0x2b: {  	_ =	sdelay $0x2  }
0x2c: {  	s14 =	sshra.s32 s13, $0x2;
	s13 =	sadd.s32 $0x40, s13;
	[tilespmem:v2+s11+$0x0] =	vst.idx.add.f32.msk $0xffff, v1  }
0x2d: {  	v2 =	vld [tilespmem:s14+$0x0];
	_ =	sdelay $0x7  }
0x2e: {  	s13 =	simm.s32 $0x0;
	[tilespmem:v2+s11+$0x0] =	vst.idx.add.f32.msk $0xffff, v1  }
0x2f: {  	[tilespmem:s13], [sflag:$0x1] =	stream.linear.gather [hbm4b:s8+s13], $0x7D0, $0x38;
	[tilespmem:$0x2FD0] =	vst v63  }
0x30: {  	_ =	swait.ge [sflag:s10], $0x7D0  }
0x31: {  	[sflag:s10] =	ssyncset.done $0x0  }
0x32: {  	s14 =	simm.s32 $0x0;
	s13 =	simm.s32 $0x40;
	[sflag:s10] =	ssyncadd.s32 $0xFFFFF830  }
.LBB2_10:
0x33: {  	p0 =	sne.s32 s13, $0x1F00;
	v2 =	vld [tilespmem:s14+$0x0];
	_ =	sdelay $0x3  }
.Ltmp4:
0x34: {  	(pc) =	sbr.rel @p0 .LBB2_10-.Ltmp4, $2  }
0x35: {  	_ =	sdelay $0x2  }
0x36: {  	s14 =	sshra.s32 s13, $0x2;
	s13 =	sadd.s32 $0x40, s13;
	[tilespmem:v2+s11+$0x0] =	vst.idx.add.f32.msk $0xffff, v1  }
0x37: {  	v2 =	vld [tilespmem:s14+$0x0];
	_ =	sdelay $0x7  }
0x38: {  	s13 =	simm.s32 $0x0;
	[tilespmem:v2+s11+$0x0] =	vst.idx.add.f32.msk $0xffff, v1  }
0x39: {  	[tilespmem:s13], [sflag:$0x1] =	stream.linear.gather [hbm4b:s9+s13], $0x7D0, $0x38;
	[tilespmem:$0x2FD0] =	vst v63  }
0x3a: {  	_ =	swait.ge [sflag:s10], $0x7D0  }
0x3b: {  	[sflag:s10] =	ssyncset.done $0x0  }
0x3c: {  	s14 =	simm.s32 $0x0;
	s13 =	simm.s32 $0x40;
	[sflag:s10] =	ssyncadd.s32 $0xFFFFF830  }
.LBB2_12:
0x3d: {  	p0 =	sne.s32 s13, $0x1F00;
	v2 =	vld [tilespmem:s14+$0x0];
	_ =	sdelay $0x3  }
.Ltmp5:
0x3e: {  	(pc) =	sbr.rel @p0 .LBB2_12-.Ltmp5, $2  }
0x3f: {  	_ =	sdelay $0x2  }
0x40: {  	s14 =	sshra.s32 s13, $0x2;
	s13 =	sadd.s32 $0x40, s13;
	[tilespmem:v2+s11+$0x0] =	vst.idx.add.f32.msk $0xffff, v1  }
0x41: {  	v2 =	vld [tilespmem:s14+$0x0];
	_ =	sdelay $0x5  }
0x42: {  	s12 =	sadd.s32 $0x1, s12  }
0x43: {  	p0 =	sne.s32 s12, s5  }
.Ltmp6:
0x44: {  	[tilespmem:v2+s11+$0x0] =	vst.idx.add.f32.msk $0xffff, v1;
	(pc) =	sbr.rel @p0 .LBB2_1-.Ltmp6, $4  }
0x45: {  	[hbm4b:s4+s2] =	stream.linear.scatter [tilespmem:s11], [sflag:$0x1], $0x2800, $0x38;
	[tilespmem:$0x2FD0] =	vst v63  }
0x46: {  	_ =	swait.ge [sflag:s10], $0x2800  }
0x47: {  	[sflag:s10] =	ssyncset.done $0x0  }
0x48: {  	[sflag:s10] =	ssyncadd.s32 $0xFFFFD800  }
0x49: {  	_ =	sfence.sel $0x180000  }
0x4a: {  	[bflag:$0x0] =	sbarrier.arrive $0xFFFF  }
0x4b: {  	p0 =	sne.s32 s0, $0x0;
	_ =	strace $0x90000047  }
0x4c: {  	s0 =	sadd.s32 @!p0 $0x100000, s1;
	[bflag:$0x2] =	sbarrier.arrive $0xFFFF  }
0x4d: {  	[sflag:s0] =	ssyncadd.tile.s32 @!p0 $0x1;
	_ =	shalt  }
.Lfunc_end2:
_tile_overlayer_lowered:
.L_overlay_start_2:
0x4e: {  	(tag) =	ssettag $0x2  }
0x4f: {  	s0 =	rddreg [dreg:$0x0];
	s2 =	stileid.u32  }
0x50: {  	s1 =	rddreg [dreg:$0x1];
	p0 =	sne.s32 s2, $0x0  }
0x51: {  	s3 =	rddreg [dreg:$0x2];
	[bflag:$0x3] =	sbarrier.arrive $0xFFFF;
	s2 =	simm.s32 @!p0 $0x1C01  }
0x52: {  	[timem:s3], [sflag:s2] =	dma.local @!p0 [hbm:s0], s1  }
0x53: {  	s0 =	simm.s32 @!p0 $0x1  }
0x54: {  	_ =	swait.ge @!p0 [sflag:s0], s1  }
0x55: {  	s1 =	ssub.s32 @!p0 $0x0, s1;
	[sflag:s0] =	ssyncset.done @!p0 $0x0  }
0x56: {  	[sflag:s0] =	ssyncadd.s32 @!p0 s1  }
0x57: {  	[bflag:$0x3] =	sbarrier.arrive $0xFFFF  }
0x58: {  	_ =	shalt  }

</sc_bundles>
